<compile_context>
chip_gen: v7x
topology: tpu7x:2x2x1
jax: 0.10.2.dev20260603
libtpu: 0.0.44.dev20260713+nightly
codegen_flags: <defaults>
</compile_context>

<pallas_src>
import functools

import jax
import jax.numpy as jnp
from jax import lax
from jax.experimental import pallas as pl
from jax.experimental.pallas import tpu as pltpu
from jax.experimental.pallas import tpu_sc as plsc

NUM_CORES = 2
NUM_SUBCORES = 16
NUM_WORKERS = NUM_CORES * NUM_SUBCORES
BATCH = 16384
DIM = 64
B_PER_W = BATCH // NUM_WORKERS
LANES = 16
EG = 4
SUBS = LANES // EG
BLOCKS = B_PER_W // LANES


@functools.partial(
    pl.kernel,
    mesh=plsc.VectorSubcoreMesh(core_axis_name="c", subcore_axis_name="s"),
    out_type=jax.ShapeDtypeStruct((BATCH,), jnp.float32),
    compiler_params=pltpu.CompilerParams(needs_layout_passes=False),
    scratch_types=[
        pltpu.VMEM((B_PER_W,), jnp.int32),
        pltpu.VMEM((B_PER_W,), jnp.int32),
        pltpu.VMEM((EG, DIM, 128), jnp.float32),
        pltpu.VMEM((EG, DIM, 128), jnp.float32),
        pltpu.VMEM((B_PER_W,), jnp.float32),
        pltpu.SemaphoreType.DMA,
    ],
)
def _wmf_sc(uidx_hbm, iidx_hbm, utab_hbm, itab_hbm, out_hbm,
            uidx_v, iidx_v, ublk_v, iblk_v, out_v, sem):
    wid = lax.axis_index("s") * NUM_CORES + lax.axis_index("c")
    base = wid * B_PER_W

    pltpu.sync_copy(uidx_hbm.at[wid], uidx_v)
    pltpu.sync_copy(iidx_hbm.at[wid], iidx_v)

    iota16 = lax.iota(jnp.int32, 16)

    def block_body(b, carry):
        uvec = uidx_v[pl.ds(b * LANES, LANES)]
        ivec = iidx_v[pl.ds(b * LANES, LANES)]
        ublks = (uvec // 128) * 128
        iblks = (ivec // 128) * 128
        ucols = uvec - ublks
        icols = ivec - iblks
        acc = jnp.zeros((LANES,), jnp.float32)
        for s in range(SUBS):
            copies = []
            for e in range(EG):
                ub = pl.multiple_of(ublks[s * EG + e], 128)
                ib = pl.multiple_of(iblks[s * EG + e], 128)
                copies.append(pltpu.async_copy(
                    utab_hbm.at[:, pl.ds(ub, 128)], ublk_v.at[e], sem))
                copies.append(pltpu.async_copy(
                    itab_hbm.at[:, pl.ds(ib, 128)], iblk_v.at[e], sem))
            for c in copies:
                c.wait()
            for e in range(EG):
                le = s * EG + e
                ucol = jnp.full((LANES,), ucols[le], jnp.int32)
                icol = jnp.full((LANES,), icols[le], jnp.int32)
                prod = jnp.zeros((LANES,), jnp.float32)
                for k in range(DIM // LANES):
                    rows = k * LANES + iota16
                    uu = plsc.load_gather(ublk_v.at[e], [rows, ucol])
                    vv = plsc.load_gather(iblk_v.at[e], [rows, icol])
                    prod = prod + uu * vv
                dot = lax.reduce_sum_p.bind(prod, axes=(0,))
                acc = jnp.where(iota16 == le, dot, acc)
        out_v[pl.ds(b * LANES, LANES)] = 1.0 / (1.0 + jnp.exp(-acc))
        return carry

    lax.fori_loop(0, BLOCKS, block_body, 0)

    pltpu.sync_copy(out_v, out_hbm.at[pl.ds(base, B_PER_W)])


def kernel(user_indices, item_indices, user_table, item_table):
    uidx = user_indices.astype(jnp.int32).reshape(NUM_WORKERS, B_PER_W)
    iidx = item_indices.astype(jnp.int32).reshape(NUM_WORKERS, B_PER_W)
    return _wmf_sc(uidx, iidx, user_table.T, item_table.T)

# --- scband reference (transcript-rebuilt; emitter-appended) ---
"""Pipeline reference for scband-wmf-31147102830654 (READ-ONLY COPY).

The authoritative reference and input builder live on the scoring server;
editing this copy changes nothing except your own understanding.
"""

import jax, jax.numpy as jnp
import numpy as np

NUM_USERS = 1000000
NUM_ITEMS = 1000000
DIM = 64
BATCH = 16384


def setup_inputs(seed: int = 0) -> dict:
    key = jax.random.key(seed)
    k1, k2, k3, k4 = jax.random.split(key, 4)
    user_indices = jax.random.randint(k1, (BATCH,), 0, NUM_USERS, dtype=jnp.int64) if jax.config.jax_enable_x64 else jax.random.randint(k1, (BATCH,), 0, NUM_USERS, dtype=jnp.int32)
    item_indices = jax.random.randint(k2, (BATCH,), 0, NUM_ITEMS, dtype=jnp.int64) if jax.config.jax_enable_x64 else jax.random.randint(k2, (BATCH,), 0, NUM_ITEMS, dtype=jnp.int32)
    # Learned parameters: embedding tables initialized like nn.Embedding (N(0,1)) then *0.1
    user_table = jax.random.normal(k3, (NUM_USERS, DIM), dtype=jnp.float32) * 0.1
    item_table = jax.random.normal(k4, (NUM_ITEMS, DIM), dtype=jnp.float32) * 0.1
    return {
        "user_indices": user_indices,
        "item_indices": item_indices,
        "user_table": user_table,
        "item_table": item_table,
    }


def reference(user_indices, item_indices, user_table, item_table):
    # user_emb = self.user_embedding(user_indices)
    user_emb = jnp.take(user_table, user_indices, axis=0)
    # item_emb = self.item_embedding(item_indices)
    item_emb = jnp.take(item_table, item_indices, axis=0)
    # element_product = torch.mul(user_emb, item_emb)
    element_product = user_emb * item_emb
    # logits = torch.sum(element_product, dim=1)
    logits = jnp.sum(element_product, axis=1)
    # rating = self.logistic(logits)
    rating = jax.nn.sigmoid(logits)
    return rating

if __name__ == "__main__":
    import jax
    _d = setup_inputs()
    print(jax.jit(kernel)(*tuple(_d.values())))

</pallas_src>

<mosaic_0001>
#map = affine_map<(d0, d1) -> (0, 0)>
#map1 = affine_map<(d0, d1) -> (0)>
module attributes {stable_mosaic.version = 14 : i64} {
  func.func @_wmf_sc(%arg0: i32, %arg1: i32, %arg2: memref<32x512xi32, #tpu.memory_space<hbm>>, %arg3: memref<32x512xi32, #tpu.memory_space<hbm>>, %arg4: memref<64x1000000xf32, #tpu.memory_space<hbm>>, %arg5: memref<64x1000000xf32, #tpu.memory_space<hbm>>, %arg6: memref<16384xf32, #tpu.memory_space<hbm>>, %arg7: memref<512xi32, #tpu.memory_space<vmem>>, %arg8: memref<512xi32, #tpu.memory_space<vmem>>, %arg9: memref<4x64x128xf32, #tpu.memory_space<vmem>>, %arg10: memref<4x64x128xf32, #tpu.memory_space<vmem>>, %arg11: memref<512xf32, #tpu.memory_space<vmem>>, %arg12: memref<!tpu.dma_semaphore, #tpu.memory_space<semaphore_mem>>) attributes {dimension_semantics = [#tpu.dimension_semantics<core_parallel>, #tpu.dimension_semantics<subcore_parallel>], iteration_bounds = array<i64: 2, 16>, scalar_prefetch = 0 : i64, scratch_operands = 6 : i64, tpu.core_type = #tpu.core_type<sc_vector_subcore>, window_params = [{transform_indices = #map}, {transform_indices = #map}, {transform_indices = #map}, {transform_indices = #map}, {transform_indices = #map1}]} {
    %mul3A = arith.constant 2 : i32
    %mul3A_0 = arith.muli %arg1, %mul3A : i32
    %add3A = arith.addi %mul3A_0, %arg0 : i32
    %mul3A_1 = arith.constant 512 : i32
    %mul3A_2 = arith.muli %add3A, %mul3A_1 : i32
    "tpu.region"() ({
      %run_scoped3A = tpu.sem_alloc : memref<!tpu.dma_semaphore, #tpu.memory_space<semaphore_mem>>
      %dma_start3A = arith.constant 0 : i32
      %dma_start3A_8 = tpu.memref_slice %arg2[%add3A, %dma_start3A] : memref<32x512xi32, #tpu.memory_space<hbm>> -> memref<1x512xi32, #tpu.memory_space<hbm>>
      %dma_start3A_9 = tpu.memref_squeeze %dma_start3A_8 : memref<1x512xi32, #tpu.memory_space<hbm>> -> memref<512xi32, #tpu.memory_space<hbm>>
      %dma_start3A_10 = arith.constant 0 : i32
      %dma_start3A_11 = tpu.memref_slice %arg2[%add3A, %dma_start3A_10] : memref<32x512xi32, #tpu.memory_space<hbm>> -> memref<1x512xi32, #tpu.memory_space<hbm>>
      %dma_start3A_12 = tpu.memref_squeeze %dma_start3A_11 : memref<1x512xi32, #tpu.memory_space<hbm>> -> memref<512xi32, #tpu.memory_space<hbm>>
      tpu.enqueue_dma source(%dma_start3A_12 : memref<512xi32, #tpu.memory_space<hbm>>) target(%arg7 : memref<512xi32, #tpu.memory_space<vmem>>) target_semaphore(%run_scoped3A : memref<!tpu.dma_semaphore, #tpu.memory_space<semaphore_mem>>)
      %dma_wait3A = arith.constant 0 : i32
      %dma_wait3A_13 = tpu.memref_slice %arg2[%add3A, %dma_wait3A] : memref<32x512xi32, #tpu.memory_space<hbm>> -> memref<1x512xi32, #tpu.memory_space<hbm>>
      %dma_wait3A_14 = tpu.memref_squeeze %dma_wait3A_13 : memref<1x512xi32, #tpu.memory_space<hbm>> -> memref<512xi32, #tpu.memory_space<hbm>>
      %dma_wait3A_15 = arith.constant 0 : i32
      %dma_wait3A_16 = tpu.memref_slice %arg2[%add3A, %dma_wait3A_15] : memref<32x512xi32, #tpu.memory_space<hbm>> -> memref<1x512xi32, #tpu.memory_space<hbm>>
      %dma_wait3A_17 = tpu.memref_squeeze %dma_wait3A_16 : memref<1x512xi32, #tpu.memory_space<hbm>> -> memref<512xi32, #tpu.memory_space<hbm>>
      tpu.wait_dma2 semaphore(%run_scoped3A : memref<!tpu.dma_semaphore, #tpu.memory_space<semaphore_mem>>) src(%dma_wait3A_17 : memref<512xi32, #tpu.memory_space<hbm>>) dst(%arg7 : memref<512xi32, #tpu.memory_space<vmem>>)
      tpu.yield
    }) : () -> ()
    "tpu.region"() ({
      %run_scoped3A = tpu.sem_alloc : memref<!tpu.dma_semaphore, #tpu.memory_space<semaphore_mem>>
      %dma_start3A = arith.constant 0 : i32
      %dma_start3A_8 = tpu.memref_slice %arg3[%add3A, %dma_start3A] : memref<32x512xi32, #tpu.memory_space<hbm>> -> memref<1x512xi32, #tpu.memory_space<hbm>>
      %dma_start3A_9 = tpu.memref_squeeze %dma_start3A_8 : memref<1x512xi32, #tpu.memory_space<hbm>> -> memref<512xi32, #tpu.memory_space<hbm>>
      %dma_start3A_10 = arith.constant 0 : i32
      %dma_start3A_11 = tpu.memref_slice %arg3[%add3A, %dma_start3A_10] : memref<32x512xi32, #tpu.memory_space<hbm>> -> memref<1x512xi32, #tpu.memory_space<hbm>>
      %dma_start3A_12 = tpu.memref_squeeze %dma_start3A_11 : memref<1x512xi32, #tpu.memory_space<hbm>> -> memref<512xi32, #tpu.memory_space<hbm>>
      tpu.enqueue_dma source(%dma_start3A_12 : memref<512xi32, #tpu.memory_space<hbm>>) target(%arg8 : memref<512xi32, #tpu.memory_space<vmem>>) target_semaphore(%run_scoped3A : memref<!tpu.dma_semaphore, #tpu.memory_space<semaphore_mem>>)
      %dma_wait3A = arith.constant 0 : i32
      %dma_wait3A_13 = tpu.memref_slice %arg3[%add3A, %dma_wait3A] : memref<32x512xi32, #tpu.memory_space<hbm>> -> memref<1x512xi32, #tpu.memory_space<hbm>>
      %dma_wait3A_14 = tpu.memref_squeeze %dma_wait3A_13 : memref<1x512xi32, #tpu.memory_space<hbm>> -> memref<512xi32, #tpu.memory_space<hbm>>
      %dma_wait3A_15 = arith.constant 0 : i32
      %dma_wait3A_16 = tpu.memref_slice %arg3[%add3A, %dma_wait3A_15] : memref<32x512xi32, #tpu.memory_space<hbm>> -> memref<1x512xi32, #tpu.memory_space<hbm>>
      %dma_wait3A_17 = tpu.memref_squeeze %dma_wait3A_16 : memref<1x512xi32, #tpu.memory_space<hbm>> -> memref<512xi32, #tpu.memory_space<hbm>>
      tpu.wait_dma2 semaphore(%run_scoped3A : memref<!tpu.dma_semaphore, #tpu.memory_space<semaphore_mem>>) src(%dma_wait3A_17 : memref<512xi32, #tpu.memory_space<hbm>>) dst(%arg8 : memref<512xi32, #tpu.memory_space<vmem>>)
      tpu.yield
    }) : () -> ()
    %iota3A = tpu.iota {dimensions = array<i32: 0>} : vector<16xi32>
    %scan3A = arith.constant 0 : i32
    %scan3A_3 = arith.constant 0 : i32
    %scan3A_4 = arith.constant 32 : i32
    %scan3A_5 = arith.addi %scan3A_3, %scan3A_4 : i32
    %scan3A_6 = arith.constant 1 : i32
    scf.for %scan3A_8 = %scan3A_3 to %scan3A_5 step %scan3A_6  : i32 {
      %mul3A_9 = arith.constant 16 : i32
      %mul3A_10 = arith.muli %scan3A_8, %mul3A_9 : i32
      %get3A = arith.index_cast %mul3A_10 : i32 to index
      %get3A_11 = tpu.vector_load %arg7[%get3A] {strides = array<i32>} : memref<512xi32, #tpu.memory_space<vmem>>, vector<16xi32>,
      %mul3A_12 = arith.constant 16 : i32
      %mul3A_13 = arith.muli %scan3A_8, %mul3A_12 : i32
      %get3A_14 = arith.index_cast %mul3A_13 : i32 to index
      %get3A_15 = tpu.vector_load %arg8[%get3A_14] {strides = array<i32>} : memref<512xi32, #tpu.memory_space<vmem>>, vector<16xi32>,
      %jit3A = arith.constant 128 : i32
      %div3A = vector.broadcast %jit3A : i32 to vector<16xi32>
      %div3A_16 = arith.divsi %get3A_11, %div3A : vector<16xi32>
      %sign3A = arith.constant 0 : i32
      %sign3A_17 = vector.broadcast %sign3A : i32 to vector<16xi32>
      %sign3A_18 = arith.cmpi sgt, %get3A_11, %sign3A_17 : vector<16xi32>
      %sign3A_19 = arith.extui %sign3A_18 : vector<16xi1> to vector<16xi32>
      %sign3A_20 = arith.constant 0 : i32
      %sign3A_21 = vector.broadcast %sign3A_20 : i32 to vector<16xi32>
      %sign3A_22 = arith.cmpi slt, %get3A_11, %sign3A_21 : vector<16xi32>
      %sign3A_23 = arith.extui %sign3A_22 : vector<16xi1> to vector<16xi32>
      %sign3A_24 = arith.subi %sign3A_19, %sign3A_23 : vector<16xi32>
      %sign3A_25 = arith.constant 0 : i32
      %sign3A_26 = arith.cmpi sgt, %jit3A, %sign3A_25 : i32
      %sign3A_27 = arith.extui %sign3A_26 : i1 to i32
      %sign3A_28 = arith.constant 0 : i32
      %sign3A_29 = arith.cmpi slt, %jit3A, %sign3A_28 : i32
      %sign3A_30 = arith.extui %sign3A_29 : i1 to i32
      %sign3A_31 = arith.subi %sign3A_27, %sign3A_30 : i32
      %ne3A = vector.broadcast %sign3A_31 : i32 to vector<16xi32>
      %ne3A_32 = arith.cmpi ne, %sign3A_24, %ne3A : vector<16xi32>
      %rem3A = vector.broadcast %jit3A : i32 to vector<16xi32>
      %rem3A_33 = arith.remsi %get3A_11, %rem3A : vector<16xi32>
      %ne3A_34 = arith.constant 0 : i32
      %ne3A_35 = vector.broadcast %ne3A_34 : i32 to vector<16xi32>
      %ne3A_36 = arith.cmpi ne, %rem3A_33, %ne3A_35 : vector<16xi32>
      %and3A = arith.andi %ne3A_32, %ne3A_36 : vector<16xi1>
      %sub3A = arith.constant 1 : i32
      %sub3A_37 = vector.broadcast %sub3A : i32 to vector<16xi32>
      %sub3A_38 = arith.subi %div3A_16, %sub3A_37 : vector<16xi32>
      %select_n3A = arith.select %and3A, %sub3A_38, %div3A_16 : vector<16xi1>, vector<16xi32>
      %mul3A_39 = arith.constant 128 : i32
      %mul3A_40 = vector.broadcast %mul3A_39 : i32 to vector<16xi32>
      %mul3A_41 = arith.muli %select_n3A, %mul3A_40 : vector<16xi32>
      %jit3A_42 = arith.constant 128 : i32
      %div3A_43 = vector.broadcast %jit3A_42 : i32 to vector<16xi32>
      %div3A_44 = arith.divsi %get3A_15, %div3A_43 : vector<16xi32>
      %sign3A_45 = arith.constant 0 : i32
      %sign3A_46 = vector.broadcast %sign3A_45 : i32 to vector<16xi32>
      %sign3A_47 = arith.cmpi sgt, %get3A_15, %sign3A_46 : vector<16xi32>
      %sign3A_48 = arith.extui %sign3A_47 : vector<16xi1> to vector<16xi32>
      %sign3A_49 = arith.constant 0 : i32
      %sign3A_50 = vector.broadcast %sign3A_49 : i32 to vector<16xi32>
      %sign3A_51 = arith.cmpi slt, %get3A_15, %sign3A_50 : vector<16xi32>
      %sign3A_52 = arith.extui %sign3A_51 : vector<16xi1> to vector<16xi32>
      %sign3A_53 = arith.subi %sign3A_48, %sign3A_52 : vector<16xi32>
      %sign3A_54 = arith.constant 0 : i32
      %sign3A_55 = arith.cmpi sgt, %jit3A_42, %sign3A_54 : i32
      %sign3A_56 = arith.extui %sign3A_55 : i1 to i32
      %sign3A_57 = arith.constant 0 : i32
      %sign3A_58 = arith.cmpi slt, %jit3A_42, %sign3A_57 : i32
      %sign3A_59 = arith.extui %sign3A_58 : i1 to i32
      %sign3A_60 = arith.subi %sign3A_56, %sign3A_59 : i32
      %ne3A_61 = vector.broadcast %sign3A_60 : i32 to vector<16xi32>
      %ne3A_62 = arith.cmpi ne, %sign3A_53, %ne3A_61 : vector<16xi32>
      %rem3A_63 = vector.broadcast %jit3A_42 : i32 to vector<16xi32>
      %rem3A_64 = arith.remsi %get3A_15, %rem3A_63 : vector<16xi32>
      %ne3A_65 = arith.constant 0 : i32
      %ne3A_66 = vector.broadcast %ne3A_65 : i32 to vector<16xi32>
      %ne3A_67 = arith.cmpi ne, %rem3A_64, %ne3A_66 : vector<16xi32>
      %and3A_68 = arith.andi %ne3A_62, %ne3A_67 : vector<16xi1>
      %sub3A_69 = arith.constant 1 : i32
      %sub3A_70 = vector.broadcast %sub3A_69 : i32 to vector<16xi32>
      %sub3A_71 = arith.subi %div3A_44, %sub3A_70 : vector<16xi32>
      %select_n3A_72 = arith.select %and3A_68, %sub3A_71, %div3A_44 : vector<16xi1>, vector<16xi32>
      %mul3A_73 = arith.constant 128 : i32
      %mul3A_74 = vector.broadcast %mul3A_73 : i32 to vector<16xi32>
      %mul3A_75 = arith.muli %select_n3A_72, %mul3A_74 : vector<16xi32>
      %sub3A_76 = arith.subi %get3A_11, %mul3A_41 : vector<16xi32>
      %sub3A_77 = arith.subi %get3A_15, %mul3A_75 : vector<16xi32>
      %broadcast_in_dim3A = arith.constant 0.000000e+00 : f32
      %broadcast_in_dim3A_78 = vector.broadcast %broadcast_in_dim3A : f32 to vector<16xf32>
      %slice3A = vector.extract_strided_slice %mul3A_41 {offsets = [0], sizes = [1], strides = [1]} : vector<16xi32> to vector<1xi32>
      %squeeze3A = vector.extract %slice3A[0] : i32 from vector<1xi32>
      %multiple_of3A = tpu.assume_multiple %squeeze3A, 128 : i32
      %slice3A_79 = vector.extract_strided_slice %mul3A_75 {offsets = [0], sizes = [1], strides = [1]} : vector<16xi32> to vector<1xi32>
      %squeeze3A_80 = vector.extract %slice3A_79[0] : i32 from vector<1xi32>
      %multiple_of3A_81 = tpu.assume_multiple %squeeze3A_80, 128 : i32
      %dma_start3A = arith.constant 0 : i32
      %dma_start3A_82 = arith.constant 0 : i32
      %dma_start3A_83 = arith.constant 0 : i32
      %dma_start3A_84 = tpu.memref_slice %arg9[%dma_start3A, %dma_start3A_82, %dma_start3A_83] : memref<4x64x128xf32, #tpu.memory_space<vmem>> -> memref<1x64x128xf32, #tpu.memory_space<vmem>>
      %dma_start3A_85 = tpu.memref_squeeze %dma_start3A_84 : memref<1x64x128xf32, #tpu.memory_space<vmem>> -> memref<64x128xf32, #tpu.memory_space<vmem>>
      %dma_start3A_86 = arith.constant 0 : i32
      %dma_start3A_87 = tpu.memref_slice %arg4[%dma_start3A_86, %multiple_of3A] : memref<64x1000000xf32, #tpu.memory_space<hbm>> -> memref<64x128xf32, #tpu.memory_space<hbm>>
      %dma_start3A_88 = arith.constant 0 : i32
      %dma_start3A_89 = arith.constant 0 : i32
      %dma_start3A_90 = tpu.memref_slice %arg9[%dma_start3A, %dma_start3A_88, %dma_start3A_89] : memref<4x64x128xf32, #tpu.memory_space<vmem>> -> memref<1x64x128xf32, #tpu.memory_space<vmem>>
      %dma_start3A_91 = tpu.memref_squeeze %dma_start3A_90 : memref<1x64x128xf32, #tpu.memory_space<vmem>> -> memref<64x128xf32, #tpu.memory_space<vmem>>
      %dma_start3A_92 = arith.constant 0 : i32
      %dma_start3A_93 = tpu.memref_slice %arg4[%dma_start3A_92, %multiple_of3A] : memref<64x1000000xf32, #tpu.memory_space<hbm>> -> memref<64x128xf32, #tpu.memory_space<hbm>>
      tpu.enqueue_dma source(%dma_start3A_93 : memref<64x128xf32, #tpu.memory_space<hbm>>) target(%dma_start3A_91 : memref<64x128xf32, #tpu.memory_space<vmem>>) target_semaphore(%arg12 : memref<!tpu.dma_semaphore, #tpu.memory_space<semaphore_mem>>)
      %dma_start3A_94 = arith.constant 0 : i32
      %dma_start3A_95 = arith.constant 0 : i32
      %dma_start3A_96 = arith.constant 0 : i32
      %dma_start3A_97 = tpu.memref_slice %arg10[%dma_start3A_94, %dma_start3A_95, %dma_start3A_96] : memref<4x64x128xf32, #tpu.memory_space<vmem>> -> memref<1x64x128xf32, #tpu.memory_space<vmem>>
      %dma_start3A_98 = tpu.memref_squeeze %dma_start3A_97 : memref<1x64x128xf32, #tpu.memory_space<vmem>> -> memref<64x128xf32, #tpu.memory_space<vmem>>
      %dma_start3A_99 = arith.constant 0 : i32
      %dma_start3A_100 = tpu.memref_slice %arg5[%dma_start3A_99, %multiple_of3A_81] : memref<64x1000000xf32, #tpu.memory_space<hbm>> -> memref<64x128xf32, #tpu.memory_space<hbm>>
      %dma_start3A_101 = arith.constant 0 : i32
      %dma_start3A_102 = arith.constant 0 : i32
      %dma_start3A_103 = tpu.memref_slice %arg10[%dma_start3A_94, %dma_start3A_101, %dma_start3A_102] : memref<4x64x128xf32, #tpu.memory_space<vmem>> -> memref<1x64x128xf32, #tpu.memory_space<vmem>>
      %dma_start3A_104 = tpu.memref_squeeze %dma_start3A_103 : memref<1x64x128xf32, #tpu.memory_space<vmem>> -> memref<64x128xf32, #tpu.memory_space<vmem>>
      %dma_start3A_105 = arith.constant 0 : i32
      %dma_start3A_106 = tpu.memref_slice %arg5[%dma_start3A_105, %multiple_of3A_81] : memref<64x1000000xf32, #tpu.memory_space<hbm>> -> memref<64x128xf32, #tpu.memory_space<hbm>>
      tpu.enqueue_dma source(%dma_start3A_106 : memref<64x128xf32, #tpu.memory_space<hbm>>) target(%dma_start3A_104 : memref<64x128xf32, #tpu.memory_space<vmem>>) target_semaphore(%arg12 : memref<!tpu.dma_semaphore, #tpu.memory_space<semaphore_mem>>)
      %slice3A_107 = vector.extract_strided_slice %mul3A_41 {offsets = [1], sizes = [1], strides = [1]} : vector<16xi32> to vector<1xi32>
      %squeeze3A_108 = vector.extract %slice3A_107[0] : i32 from vector<1xi32>
      %multiple_of3A_109 = tpu.assume_multiple %squeeze3A_108, 128 : i32
      %slice3A_110 = vector.extract_strided_slice %mul3A_75 {offsets = [1], sizes = [1], strides = [1]} : vector<16xi32> to vector<1xi32>
      %squeeze3A_111 = vector.extract %slice3A_110[0] : i32 from vector<1xi32>
      %multiple_of3A_112 = tpu.assume_multiple %squeeze3A_111, 128 : i32
      %dma_start3A_113 = arith.constant 1 : i32
      %dma_start3A_114 = arith.constant 0 : i32
      %dma_start3A_115 = arith.constant 0 : i32
      %dma_start3A_116 = tpu.memref_slice %arg9[%dma_start3A_113, %dma_start3A_114, %dma_start3A_115] : memref<4x64x128xf32, #tpu.memory_space<vmem>> -> memref<1x64x128xf32, #tpu.memory_space<vmem>>
      %dma_start3A_117 = tpu.memref_squeeze %dma_start3A_116 : memref<1x64x128xf32, #tpu.memory_space<vmem>> -> memref<64x128xf32, #tpu.memory_space<vmem>>
      %dma_start3A_118 = arith.constant 0 : i32
      %dma_start3A_119 = tpu.memref_slice %arg4[%dma_start3A_118, %multiple_of3A_109] : memref<64x1000000xf32, #tpu.memory_space<hbm>> -> memref<64x128xf32, #tpu.memory_space<hbm>>
      %dma_start3A_120 = arith.constant 0 : i32
      %dma_start3A_121 = arith.constant 0 : i32
      %dma_start3A_122 = tpu.memref_slice %arg9[%dma_start3A_113, %dma_start3A_120, %dma_start3A_121] : memref<4x64x128xf32, #tpu.memory_space<vmem>> -> memref<1x64x128xf32, #tpu.memory_space<vmem>>
      %dma_start3A_123 = tpu.memref_squeeze %dma_start3A_122 : memref<1x64x128xf32, #tpu.memory_space<vmem>> -> memref<64x128xf32, #tpu.memory_space<vmem>>
      %dma_start3A_124 = arith.constant 0 : i32
      %dma_start3A_125 = tpu.memref_slice %arg4[%dma_start3A_124, %multiple_of3A_109] : memref<64x1000000xf32, #tpu.memory_space<hbm>> -> memref<64x128xf32, #tpu.memory_space<hbm>>
      tpu.enqueue_dma source(%dma_start3A_125 : memref<64x128xf32, #tpu.memory_space<hbm>>) target(%dma_start3A_123 : memref<64x128xf32, #tpu.memory_space<vmem>>) target_semaphore(%arg12 : memref<!tpu.dma_semaphore, #tpu.memory_space<semaphore_mem>>)
      %dma_start3A_126 = arith.constant 1 : i32
      %dma_start3A_127 = arith.constant 0 : i32
      %dma_start3A_128 = arith.constant 0 : i32
      %dma_start3A_129 = tpu.memref_slice %arg10[%dma_start3A_126, %dma_start3A_127, %dma_start3A_128] : memref<4x64x128xf32, #tpu.memory_space<vmem>> -> memref<1x64x128xf32, #tpu.memory_space<vmem>>
      %dma_start3A_130 = tpu.memref_squeeze %dma_start3A_129 : memref<1x64x128xf32, #tpu.memory_space<vmem>> -> memref<64x128xf32, #tpu.memory_space<vmem>>
      %dma_start3A_131 = arith.constant 0 : i32
      %dma_start3A_132 = tpu.memref_slice %arg5[%dma_start3A_131, %multiple_of3A_112] : memref<64x1000000xf32, #tpu.memory_space<hbm>> -> memref<64x128xf32, #tpu.memory_space<hbm>>
      %dma_start3A_133 = arith.constant 0 : i32
      %dma_start3A_134 = arith.constant 0 : i32
      %dma_start3A_135 = tpu.memref_slice %arg10[%dma_start3A_126, %dma_start3A_133, %dma_start3A_134] : memref<4x64x128xf32, #tpu.memory_space<vmem>> -> memref<1x64x128xf32, #tpu.memory_space<vmem>>
      %dma_start3A_136 = tpu.memref_squeeze %dma_start3A_135 : memref<1x64x128xf32, #tpu.memory_space<vmem>> -> memref<64x128xf32, #tpu.memory_space<vmem>>
      %dma_start3A_137 = arith.constant 0 : i32
      %dma_start3A_138 = tpu.memref_slice %arg5[%dma_start3A_137, %multiple_of3A_112] : memref<64x1000000xf32, #tpu.memory_space<hbm>> -> memref<64x128xf32, #tpu.memory_space<hbm>>
      tpu.enqueue_dma source(%dma_start3A_138 : memref<64x128xf32, #tpu.memory_space<hbm>>) target(%dma_start3A_136 : memref<64x128xf32, #tpu.memory_space<vmem>>) target_semaphore(%arg12 : memref<!tpu.dma_semaphore, #tpu.memory_space<semaphore_mem>>)
      %slice3A_139 = vector.extract_strided_slice %mul3A_41 {offsets = [2], sizes = [1], strides = [1]} : vector<16xi32> to vector<1xi32>
      %squeeze3A_140 = vector.extract %slice3A_139[0] : i32 from vector<1xi32>
      %multiple_of3A_141 = tpu.assume_multiple %squeeze3A_140, 128 : i32
      %slice3A_142 = vector.extract_strided_slice %mul3A_75 {offsets = [2], sizes = [1], strides = [1]} : vector<16xi32> to vector<1xi32>
      %squeeze3A_143 = vector.extract %slice3A_142[0] : i32 from vector<1xi32>
      %multiple_of3A_144 = tpu.assume_multiple %squeeze3A_143, 128 : i32
      %dma_start3A_145 = arith.constant 2 : i32
      %dma_start3A_146 = arith.constant 0 : i32
      %dma_start3A_147 = arith.constant 0 : i32
      %dma_start3A_148 = tpu.memref_slice %arg9[%dma_start3A_145, %dma_start3A_146, %dma_start3A_147] : memref<4x64x128xf32, #tpu.memory_space<vmem>> -> memref<1x64x128xf32, #tpu.memory_space<vmem>>
      %dma_start3A_149 = tpu.memref_squeeze %dma_start3A_148 : memref<1x64x128xf32, #tpu.memory_space<vmem>> -> memref<64x128xf32, #tpu.memory_space<vmem>>
      %dma_start3A_150 = arith.constant 0 : i32
      %dma_start3A_151 = tpu.memref_slice %arg4[%dma_start3A_150, %multiple_of3A_141] : memref<64x1000000xf32, #tpu.memory_space<hbm>> -> memref<64x128xf32, #tpu.memory_space<hbm>>
      %dma_start3A_152 = arith.constant 0 : i32
      %dma_start3A_153 = arith.constant 0 : i32
      %dma_start3A_154 = tpu.memref_slice %arg9[%dma_start3A_145, %dma_start3A_152, %dma_start3A_153] : memref<4x64x128xf32, #tpu.memory_space<vmem>> -> memref<1x64x128xf32, #tpu.memory_space<vmem>>
      %dma_start3A_155 = tpu.memref_squeeze %dma_start3A_154 : memref<1x64x128xf32, #tpu.memory_space<vmem>> -> memref<64x128xf32, #tpu.memory_space<vmem>>
      %dma_start3A_156 = arith.constant 0 : i32
      %dma_start3A_157 = tpu.memref_slice %arg4[%dma_start3A_156, %multiple_of3A_141] : memref<64x1000000xf32, #tpu.memory_space<hbm>> -> memref<64x128xf32, #tpu.memory_space<hbm>>
      tpu.enqueue_dma source(%dma_start3A_157 : memref<64x128xf32, #tpu.memory_space<hbm>>) target(%dma_start3A_155 : memref<64x128xf32, #tpu.memory_space<vmem>>) target_semaphore(%arg12 : memref<!tpu.dma_semaphore, #tpu.memory_space<semaphore_mem>>)
      %dma_start3A_158 = arith.constant 2 : i32
      %dma_start3A_159 = arith.constant 0 : i32
      %dma_start3A_160 = arith.constant 0 : i32
      %dma_start3A_161 = tpu.memref_slice %arg10[%dma_start3A_158, %dma_start3A_159, %dma_start3A_160] : memref<4x64x128xf32, #tpu.memory_space<vmem>> -> memref<1x64x128xf32, #tpu.memory_space<vmem>>
      %dma_start3A_162 = tpu.memref_squeeze %dma_start3A_161 : memref<1x64x128xf32, #tpu.memory_space<vmem>> -> memref<64x128xf32, #tpu.memory_space<vmem>>
      %dma_start3A_163 = arith.constant 0 : i32
      %dma_start3A_164 = tpu.memref_slice %arg5[%dma_start3A_163, %multiple_of3A_144] : memref<64x1000000xf32, #tpu.memory_space<hbm>> -> memref<64x128xf32, #tpu.memory_space<hbm>>
      %dma_start3A_165 = arith.constant 0 : i32
      %dma_start3A_166 = arith.constant 0 : i32
      %dma_start3A_167 = tpu.memref_slice %arg10[%dma_start3A_158, %dma_start3A_165, %dma_start3A_166] : memref<4x64x128xf32, #tpu.memory_space<vmem>> -> memref<1x64x128xf32, #tpu.memory_space<vmem>>
      %dma_start3A_168 = tpu.memref_squeeze %dma_start3A_167 : memref<1x64x128xf32, #tpu.memory_space<vmem>> -> memref<64x128xf32, #tpu.memory_space<vmem>>
      %dma_start3A_169 = arith.constant 0 : i32
      %dma_start3A_170 = tpu.memref_slice %arg5[%dma_start3A_169, %multiple_of3A_144] : memref<64x1000000xf32, #tpu.memory_space<hbm>> -> memref<64x128xf32, #tpu.memory_space<hbm>>
      tpu.enqueue_dma source(%dma_start3A_170 : memref<64x128xf32, #tpu.memory_space<hbm>>) target(%dma_start3A_168 : memref<64x128xf32, #tpu.memory_space<vmem>>) target_semaphore(%arg12 : memref<!tpu.dma_semaphore, #tpu.memory_space<semaphore_mem>>)
      %slice3A_171 = vector.extract_strided_slice %mul3A_41 {offsets = [3], sizes = [1], strides = [1]} : vector<16xi32> to vector<1xi32>
      %squeeze3A_172 = vector.extract %slice3A_171[0] : i32 from vector<1xi32>
      %multiple_of3A_173 = tpu.assume_multiple %squeeze3A_172, 128 : i32
      %slice3A_174 = vector.extract_strided_slice %mul3A_75 {offsets = [3], sizes = [1], strides = [1]} : vector<16xi32> to vector<1xi32>
      %squeeze3A_175 = vector.extract %slice3A_174[0] : i32 from vector<1xi32>
      %multiple_of3A_176 = tpu.assume_multiple %squeeze3A_175, 128 : i32
      %dma_start3A_177 = arith.constant 3 : i32
      %dma_start3A_178 = arith.constant 0 : i32
      %dma_start3A_179 = arith.constant 0 : i32
      %dma_start3A_180 = tpu.memref_slice %arg9[%dma_start3A_177, %dma_start3A_178, %dma_start3A_179] : memref<4x64x128xf32, #tpu.memory_space<vmem>> -> memref<1x64x128xf32, #tpu.memory_space<vmem>>
      %dma_start3A_181 = tpu.memref_squeeze %dma_start3A_180 : memref<1x64x128xf32, #tpu.memory_space<vmem>> -> memref<64x128xf32, #tpu.memory_space<vmem>>
      %dma_start3A_182 = arith.constant 0 : i32
      %dma_start3A_183 = tpu.memref_slice %arg4[%dma_start3A_182, %multiple_of3A_173] : memref<64x1000000xf32, #tpu.memory_space<hbm>> -> memref<64x128xf32, #tpu.memory_space<hbm>>
      %dma_start3A_184 = arith.constant 0 : i32
      %dma_start3A_185 = arith.constant 0 : i32
      %dma_start3A_186 = tpu.memref_slice %arg9[%dma_start3A_177, %dma_start3A_184, %dma_start3A_185] : memref<4x64x128xf32, #tpu.memory_space<vmem>> -> memref<1x64x128xf32, #tpu.memory_space<vmem>>
      %dma_start3A_187 = tpu.memref_squeeze %dma_start3A_186 : memref<1x64x128xf32, #tpu.memory_space<vmem>> -> memref<64x128xf32, #tpu.memory_space<vmem>>
      %dma_start3A_188 = arith.constant 0 : i32
      %dma_start3A_189 = tpu.memref_slice %arg4[%dma_start3A_188, %multiple_of3A_173] : memref<64x1000000xf32, #tpu.memory_space<hbm>> -> memref<64x128xf32, #tpu.memory_space<hbm>>
      tpu.enqueue_dma source(%dma_start3A_189 : memref<64x128xf32, #tpu.memory_space<hbm>>) target(%dma_start3A_187 : memref<64x128xf32, #tpu.memory_space<vmem>>) target_semaphore(%arg12 : memref<!tpu.dma_semaphore, #tpu.memory_space<semaphore_mem>>)
      %dma_start3A_190 = arith.constant 3 : i32
      %dma_start3A_191 = arith.constant 0 : i32
      %dma_start3A_192 = arith.constant 0 : i32
      %dma_start3A_193 = tpu.memref_slice %arg10[%dma_start3A_190, %dma_start3A_191, %dma_start3A_192] : memref<4x64x128xf32, #tpu.memory_space<vmem>> -> memref<1x64x128xf32, #tpu.memory_space<vmem>>
      %dma_start3A_194 = tpu.memref_squeeze %dma_start3A_193 : memref<1x64x128xf32, #tpu.memory_space<vmem>> -> memref<64x128xf32, #tpu.memory_space<vmem>>
      %dma_start3A_195 = arith.constant 0 : i32
      %dma_start3A_196 = tpu.memref_slice %arg5[%dma_start3A_195, %multiple_of3A_176] : memref<64x1000000xf32, #tpu.memory_space<hbm>> -> memref<64x128xf32, #tpu.memory_space<hbm>>
      %dma_start3A_197 = arith.constant 0 : i32
      %dma_start3A_198 = arith.constant 0 : i32
      %dma_start3A_199 = tpu.memref_slice %arg10[%dma_start3A_190, %dma_start3A_197, %dma_start3A_198] : memref<4x64x128xf32, #tpu.memory_space<vmem>> -> memref<1x64x128xf32, #tpu.memory_space<vmem>>
      %dma_start3A_200 = tpu.memref_squeeze %dma_start3A_199 : memref<1x64x128xf32, #tpu.memory_space<vmem>> -> memref<64x128xf32, #tpu.memory_space<vmem>>
      %dma_start3A_201 = arith.constant 0 : i32
      %dma_start3A_202 = tpu.memref_slice %arg5[%dma_start3A_201, %multiple_of3A_176] : memref<64x1000000xf32, #tpu.memory_space<hbm>> -> memref<64x128xf32, #tpu.memory_space<hbm>>
      tpu.enqueue_dma source(%dma_start3A_202 : memref<64x128xf32, #tpu.memory_space<hbm>>) target(%dma_start3A_200 : memref<64x128xf32, #tpu.memory_space<vmem>>) target_semaphore(%arg12 : memref<!tpu.dma_semaphore, #tpu.memory_space<semaphore_mem>>)
      %dma_wait3A = arith.constant 0 : i32
      %dma_wait3A_203 = arith.constant 0 : i32
      %dma_wait3A_204 = arith.constant 0 : i32
      %dma_wait3A_205 = tpu.memref_slice %arg9[%dma_wait3A, %dma_wait3A_203, %dma_wait3A_204] : memref<4x64x128xf32, #tpu.memory_space<vmem>> -> memref<1x64x128xf32, #tpu.memory_space<vmem>>
      %dma_wait3A_206 = tpu.memref_squeeze %dma_wait3A_205 : memref<1x64x128xf32, #tpu.memory_space<vmem>> -> memref<64x128xf32, #tpu.memory_space<vmem>>
      %dma_wait3A_207 = arith.constant 0 : i32
      %dma_wait3A_208 = tpu.memref_slice %arg4[%dma_wait3A_207, %multiple_of3A] : memref<64x1000000xf32, #tpu.memory_space<hbm>> -> memref<64x128xf32, #tpu.memory_space<hbm>>
      %dma_wait3A_209 = arith.constant 0 : i32
      %dma_wait3A_210 = arith.constant 0 : i32
      %dma_wait3A_211 = tpu.memref_slice %arg9[%dma_wait3A, %dma_wait3A_209, %dma_wait3A_210] : memref<4x64x128xf32, #tpu.memory_space<vmem>> -> memref<1x64x128xf32, #tpu.memory_space<vmem>>
      %dma_wait3A_212 = tpu.memref_squeeze %dma_wait3A_211 : memref<1x64x128xf32, #tpu.memory_space<vmem>> -> memref<64x128xf32, #tpu.memory_space<vmem>>
      %dma_wait3A_213 = arith.constant 0 : i32
      %dma_wait3A_214 = tpu.memref_slice %arg4[%dma_wait3A_213, %multiple_of3A] : memref<64x1000000xf32, #tpu.memory_space<hbm>> -> memref<64x128xf32, #tpu.memory_space<hbm>>
      tpu.wait_dma2 semaphore(%arg12 : memref<!tpu.dma_semaphore, #tpu.memory_space<semaphore_mem>>) src(%dma_wait3A_214 : memref<64x128xf32, #tpu.memory_space<hbm>>) dst(%dma_wait3A_212 : memref<64x128xf32, #tpu.memory_space<vmem>>)
      %dma_wait3A_215 = arith.constant 0 : i32
      %dma_wait3A_216 = arith.constant 0 : i32
      %dma_wait3A_217 = arith.constant 0 : i32
      %dma_wait3A_218 = tpu.memref_slice %arg10[%dma_wait3A_215, %dma_wait3A_216, %dma_wait3A_217] : memref<4x64x128xf32, #tpu.memory_space<vmem>> -> memref<1x64x128xf32, #tpu.memory_space<vmem>>
      %dma_wait3A_219 = tpu.memref_squeeze %dma_wait3A_218 : memref<1x64x128xf32, #tpu.memory_space<vmem>> -> memref<64x128xf32, #tpu.memory_space<vmem>>
      %dma_wait3A_220 = arith.constant 0 : i32
      %dma_wait3A_221 = tpu.memref_slice %arg5[%dma_wait3A_220, %multiple_of3A_81] : memref<64x1000000xf32, #tpu.memory_space<hbm>> -> memref<64x128xf32, #tpu.memory_space<hbm>>
      %dma_wait3A_222 = arith.constant 0 : i32
      %dma_wait3A_223 = arith.constant 0 : i32
      %dma_wait3A_224 = tpu.memref_slice %arg10[%dma_wait3A_215, %dma_wait3A_222, %dma_wait3A_223] : memref<4x64x128xf32, #tpu.memory_space<vmem>> -> memref<1x64x128xf32, #tpu.memory_space<vmem>>
      %dma_wait3A_225 = tpu.memref_squeeze %dma_wait3A_224 : memref<1x64x128xf32, #tpu.memory_space<vmem>> -> memref<64x128xf32, #tpu.memory_space<vmem>>
      %dma_wait3A_226 = arith.constant 0 : i32
      %dma_wait3A_227 = tpu.memref_slice %arg5[%dma_wait3A_226, %multiple_of3A_81] : memref<64x1000000xf32, #tpu.memory_space<hbm>> -> memref<64x128xf32, #tpu.memory_space<hbm>>
      tpu.wait_dma2 semaphore(%arg12 : memref<!tpu.dma_semaphore, #tpu.memory_space<semaphore_mem>>) src(%dma_wait3A_227 : memref<64x128xf32, #tpu.memory_space<hbm>>) dst(%dma_wait3A_225 : memref<64x128xf32, #tpu.memory_space<vmem>>)
      %dma_wait3A_228 = arith.constant 1 : i32
      %dma_wait3A_229 = arith.constant 0 : i32
      %dma_wait3A_230 = arith.constant 0 : i32
      %dma_wait3A_231 = tpu.memref_slice %arg9[%dma_wait3A_228, %dma_wait3A_229, %dma_wait3A_230] : memref<4x64x128xf32, #tpu.memory_space<vmem>> -> memref<1x64x128xf32, #tpu.memory_space<vmem>>
      %dma_wait3A_232 = tpu.memref_squeeze %dma_wait3A_231 : memref<1x64x128xf32, #tpu.memory_space<vmem>> -> memref<64x128xf32, #tpu.memory_space<vmem>>
      %dma_wait3A_233 = arith.constant 0 : i32
      %dma_wait3A_234 = tpu.memref_slice %arg4[%dma_wait3A_233, %multiple_of3A_109] : memref<64x1000000xf32, #tpu.memory_space<hbm>> -> memref<64x128xf32, #tpu.memory_space<hbm>>
      %dma_wait3A_235 = arith.constant 0 : i32
      %dma_wait3A_236 = arith.constant 0 : i32
      %dma_wait3A_237 = tpu.memref_slice %arg9[%dma_wait3A_228, %dma_wait3A_235, %dma_wait3A_236] : memref<4x64x128xf32, #tpu.memory_space<vmem>> -> memref<1x64x128xf32, #tpu.memory_space<vmem>>
      %dma_wait3A_238 = tpu.memref_squeeze %dma_wait3A_237 : memref<1x64x128xf32, #tpu.memory_space<vmem>> -> memref<64x128xf32, #tpu.memory_space<vmem>>
      %dma_wait3A_239 = arith.constant 0 : i32
      %dma_wait3A_240 = tpu.memref_slice %arg4[%dma_wait3A_239, %multiple_of3A_109] : memref<64x1000000xf32, #tpu.memory_space<hbm>> -> memref<64x128xf32, #tpu.memory_space<hbm>>
      tpu.wait_dma2 semaphore(%arg12 : memref<!tpu.dma_semaphore, #tpu.memory_space<semaphore_mem>>) src(%dma_wait3A_240 : memref<64x128xf32, #tpu.memory_space<hbm>>) dst(%dma_wait3A_238 : memref<64x128xf32, #tpu.memory_space<vmem>>)
      %dma_wait3A_241 = arith.constant 1 : i32
      %dma_wait3A_242 = arith.constant 0 : i32
      %dma_wait3A_243 = arith.constant 0 : i32
      %dma_wait3A_244 = tpu.memref_slice %arg10[%dma_wait3A_241, %dma_wait3A_242, %dma_wait3A_243] : memref<4x64x128xf32, #tpu.memory_space<vmem>> -> memref<1x64x128xf32, #tpu.memory_space<vmem>>
      %dma_wait3A_245 = tpu.memref_squeeze %dma_wait3A_244 : memref<1x64x128xf32, #tpu.memory_space<vmem>> -> memref<64x128xf32, #tpu.memory_space<vmem>>
      %dma_wait3A_246 = arith.constant 0 : i32
      %dma_wait3A_247 = tpu.memref_slice %arg5[%dma_wait3A_246, %multiple_of3A_112] : memref<64x1000000xf32, #tpu.memory_space<hbm>> -> memref<64x128xf32, #tpu.memory_space<hbm>>
      %dma_wait3A_248 = arith.constant 0 : i32
      %dma_wait3A_249 = arith.constant 0 : i32
      %dma_wait3A_250 = tpu.memref_slice %arg10[%dma_wait3A_241, %dma_wait3A_248, %dma_wait3A_249] : memref<4x64x128xf32, #tpu.memory_space<vmem>> -> memref<1x64x128xf32, #tpu.memory_space<vmem>>
      %dma_wait3A_251 = tpu.memref_squeeze %dma_wait3A_250 : memref<1x64x128xf32, #tpu.memory_space<vmem>> -> memref<64x128xf32, #tpu.memory_space<vmem>>
      %dma_wait3A_252 = arith.constant 0 : i32
      %dma_wait3A_253 = tpu.memref_slice %arg5[%dma_wait3A_252, %multiple_of3A_112] : memref<64x1000000xf32, #tpu.memory_space<hbm>> -> memref<64x128xf32, #tpu.memory_space<hbm>>
      tpu.wait_dma2 semaphore(%arg12 : memref<!tpu.dma_semaphore, #tpu.memory_space<semaphore_mem>>) src(%dma_wait3A_253 : memref<64x128xf32, #tpu.memory_space<hbm>>) dst(%dma_wait3A_251 : memref<64x128xf32, #tpu.memory_space<vmem>>)
      %dma_wait3A_254 = arith.constant 2 : i32
      %dma_wait3A_255 = arith.constant 0 : i32
      %dma_wait3A_256 = arith.constant 0 : i32
      %dma_wait3A_257 = tpu.memref_slice %arg9[%dma_wait3A_254, %dma_wait3A_255, %dma_wait3A_256] : memref<4x64x128xf32, #tpu.memory_space<vmem>> -> memref<1x64x128xf32, #tpu.memory_space<vmem>>
      %dma_wait3A_258 = tpu.memref_squeeze %dma_wait3A_257 : memref<1x64x128xf32, #tpu.memory_space<vmem>> -> memref<64x128xf32, #tpu.memory_space<vmem>>
      %dma_wait3A_259 = arith.constant 0 : i32
      %dma_wait3A_260 = tpu.memref_slice %arg4[%dma_wait3A_259, %multiple_of3A_141] : memref<64x1000000xf32, #tpu.memory_space<hbm>> -> memref<64x128xf32, #tpu.memory_space<hbm>>
      %dma_wait3A_261 = arith.constant 0 : i32
      %dma_wait3A_262 = arith.constant 0 : i32
      %dma_wait3A_263 = tpu.memref_slice %arg9[%dma_wait3A_254, %dma_wait3A_261, %dma_wait3A_262] : memref<4x64x128xf32, #tpu.memory_space<vmem>> -> memref<1x64x128xf32, #tpu.memory_space<vmem>>
      %dma_wait3A_264 = tpu.memref_squeeze %dma_wait3A_263 : memref<1x64x128xf32, #tpu.memory_space<vmem>> -> memref<64x128xf32, #tpu.memory_space<vmem>>
      %dma_wait3A_265 = arith.constant 0 : i32
      %dma_wait3A_266 = tpu.memref_slice %arg4[%dma_wait3A_265, %multiple_of3A_141] : memref<64x1000000xf32, #tpu.memory_space<hbm>> -> memref<64x128xf32, #tpu.memory_space<hbm>>
      tpu.wait_dma2 semaphore(%arg12 : memref<!tpu.dma_semaphore, #tpu.memory_space<semaphore_mem>>) src(%dma_wait3A_266 : memref<64x128xf32, #tpu.memory_space<hbm>>) dst(%dma_wait3A_264 : memref<64x128xf32, #tpu.memory_space<vmem>>)
      %dma_wait3A_267 = arith.constant 2 : i32
      %dma_wait3A_268 = arith.constant 0 : i32
      %dma_wait3A_269 = arith.constant 0 : i32
      %dma_wait3A_270 = tpu.memref_slice %arg10[%dma_wait3A_267, %dma_wait3A_268, %dma_wait3A_269] : memref<4x64x128xf32, #tpu.memory_space<vmem>> -> memref<1x64x128xf32, #tpu.memory_space<vmem>>
      %dma_wait3A_271 = tpu.memref_squeeze %dma_wait3A_270 : memref<1x64x128xf32, #tpu.memory_space<vmem>> -> memref<64x128xf32, #tpu.memory_space<vmem>>
      %dma_wait3A_272 = arith.constant 0 : i32
      %dma_wait3A_273 = tpu.memref_slice %arg5[%dma_wait3A_272, %multiple_of3A_144] : memref<64x1000000xf32, #tpu.memory_space<hbm>> -> memref<64x128xf32, #tpu.memory_space<hbm>>
      %dma_wait3A_274 = arith.constant 0 : i32
      %dma_wait3A_275 = arith.constant 0 : i32
      %dma_wait3A_276 = tpu.memref_slice %arg10[%dma_wait3A_267, %dma_wait3A_274, %dma_wait3A_275] : memref<4x64x128xf32, #tpu.memory_space<vmem>> -> memref<1x64x128xf32, #tpu.memory_space<vmem>>
      %dma_wait3A_277 = tpu.memref_squeeze %dma_wait3A_276 : memref<1x64x128xf32, #tpu.memory_space<vmem>> -> memref<64x128xf32, #tpu.memory_space<vmem>>
      %dma_wait3A_278 = arith.constant 0 : i32
      %dma_wait3A_279 = tpu.memref_slice %arg5[%dma_wait3A_278, %multiple_of3A_144] : memref<64x1000000xf32, #tpu.memory_space<hbm>> -> memref<64x128xf32, #tpu.memory_space<hbm>>
      tpu.wait_dma2 semaphore(%arg12 : memref<!tpu.dma_semaphore, #tpu.memory_space<semaphore_mem>>) src(%dma_wait3A_279 : memref<64x128xf32, #tpu.memory_space<hbm>>) dst(%dma_wait3A_277 : memref<64x128xf32, #tpu.memory_space<vmem>>)
      %dma_wait3A_280 = arith.constant 3 : i32
      %dma_wait3A_281 = arith.constant 0 : i32
      %dma_wait3A_282 = arith.constant 0 : i32
      %dma_wait3A_283 = tpu.memref_slice %arg9[%dma_wait3A_280, %dma_wait3A_281, %dma_wait3A_282] : memref<4x64x128xf32, #tpu.memory_space<vmem>> -> memref<1x64x128xf32, #tpu.memory_space<vmem>>
      %dma_wait3A_284 = tpu.memref_squeeze %dma_wait3A_283 : memref<1x64x128xf32, #tpu.memory_space<vmem>> -> memref<64x128xf32, #tpu.memory_space<vmem>>
      %dma_wait3A_285 = arith.constant 0 : i32
      %dma_wait3A_286 = tpu.memref_slice %arg4[%dma_wait3A_285, %multiple_of3A_173] : memref<64x1000000xf32, #tpu.memory_space<hbm>> -> memref<64x128xf32, #tpu.memory_space<hbm>>
      %dma_wait3A_287 = arith.constant 0 : i32
      %dma_wait3A_288 = arith.constant 0 : i32
      %dma_wait3A_289 = tpu.memref_slice %arg9[%dma_wait3A_280, %dma_wait3A_287, %dma_wait3A_288] : memref<4x64x128xf32, #tpu.memory_space<vmem>> -> memref<1x64x128xf32, #tpu.memory_space<vmem>>
      %dma_wait3A_290 = tpu.memref_squeeze %dma_wait3A_289 : memref<1x64x128xf32, #tpu.memory_space<vmem>> -> memref<64x128xf32, #tpu.memory_space<vmem>>
      %dma_wait3A_291 = arith.constant 0 : i32
      %dma_wait3A_292 = tpu.memref_slice %arg4[%dma_wait3A_291, %multiple_of3A_173] : memref<64x1000000xf32, #tpu.memory_space<hbm>> -> memref<64x128xf32, #tpu.memory_space<hbm>>
      tpu.wait_dma2 semaphore(%arg12 : memref<!tpu.dma_semaphore, #tpu.memory_space<semaphore_mem>>) src(%dma_wait3A_292 : memref<64x128xf32, #tpu.memory_space<hbm>>) dst(%dma_wait3A_290 : memref<64x128xf32, #tpu.memory_space<vmem>>)
      %dma_wait3A_293 = arith.constant 3 : i32
      %dma_wait3A_294 = arith.constant 0 : i32
      %dma_wait3A_295 = arith.constant 0 : i32
      %dma_wait3A_296 = tpu.memref_slice %arg10[%dma_wait3A_293, %dma_wait3A_294, %dma_wait3A_295] : memref<4x64x128xf32, #tpu.memory_space<vmem>> -> memref<1x64x128xf32, #tpu.memory_space<vmem>>
      %dma_wait3A_297 = tpu.memref_squeeze %dma_wait3A_296 : memref<1x64x128xf32, #tpu.memory_space<vmem>> -> memref<64x128xf32, #tpu.memory_space<vmem>>
      %dma_wait3A_298 = arith.constant 0 : i32
      %dma_wait3A_299 = tpu.memref_slice %arg5[%dma_wait3A_298, %multiple_of3A_176] : memref<64x1000000xf32, #tpu.memory_space<hbm>> -> memref<64x128xf32, #tpu.memory_space<hbm>>
      %dma_wait3A_300 = arith.constant 0 : i32
      %dma_wait3A_301 = arith.constant 0 : i32
      %dma_wait3A_302 = tpu.memref_slice %arg10[%dma_wait3A_293, %dma_wait3A_300, %dma_wait3A_301] : memref<4x64x128xf32, #tpu.memory_space<vmem>> -> memref<1x64x128xf32, #tpu.memory_space<vmem>>
      %dma_wait3A_303 = tpu.memref_squeeze %dma_wait3A_302 : memref<1x64x128xf32, #tpu.memory_space<vmem>> -> memref<64x128xf32, #tpu.memory_space<vmem>>
      %dma_wait3A_304 = arith.constant 0 : i32
      %dma_wait3A_305 = tpu.memref_slice %arg5[%dma_wait3A_304, %multiple_of3A_176] : memref<64x1000000xf32, #tpu.memory_space<hbm>> -> memref<64x128xf32, #tpu.memory_space<hbm>>
      tpu.wait_dma2 semaphore(%arg12 : memref<!tpu.dma_semaphore, #tpu.memory_space<semaphore_mem>>) src(%dma_wait3A_305 : memref<64x128xf32, #tpu.memory_space<hbm>>) dst(%dma_wait3A_303 : memref<64x128xf32, #tpu.memory_space<vmem>>)
      %slice3A_306 = vector.extract_strided_slice %sub3A_76 {offsets = [0], sizes = [1], strides = [1]} : vector<16xi32> to vector<1xi32>
      %squeeze3A_307 = vector.extract %slice3A_306[0] : i32 from vector<1xi32>
      %broadcast_in_dim3A_308 = vector.broadcast %squeeze3A_307 : i32 to vector<16xi32>
      %slice3A_309 = vector.extract_strided_slice %sub3A_77 {offsets = [0], sizes = [1], strides = [1]} : vector<16xi32> to vector<1xi32>
      %squeeze3A_310 = vector.extract %slice3A_309[0] : i32 from vector<1xi32>
      %broadcast_in_dim3A_311 = vector.broadcast %squeeze3A_310 : i32 to vector<16xi32>
      %broadcast_in_dim3A_312 = arith.constant 0.000000e+00 : f32
      %broadcast_in_dim3A_313 = vector.broadcast %broadcast_in_dim3A_312 : f32 to vector<16xf32>
      %add3A_314 = arith.constant 0 : i32
      %add3A_315 = vector.broadcast %add3A_314 : i32 to vector<16xi32>
      %add3A_316 = arith.addi %add3A_315, %iota3A : vector<16xi32>
      %gather3A = arith.constant 0 : i32
      %gather3A_317 = arith.constant 0 : i32
      %gather3A_318 = arith.constant 0 : i32
      %gather3A_319 = tpu.memref_slice %arg9[%gather3A, %gather3A_317, %gather3A_318] : memref<4x64x128xf32, #tpu.memory_space<vmem>> -> memref<1x64x128xf32, #tpu.memory_space<vmem>>
      %gather3A_320 = tpu.memref_squeeze %gather3A_319 : memref<1x64x128xf32, #tpu.memory_space<vmem>> -> memref<64x128xf32, #tpu.memory_space<vmem>>
      %gather3A_321 = tpu.vector_load_idx %gather3A_320[%add3A_316, %broadcast_in_dim3A_308] : memref<64x128xf32, #tpu.memory_space<vmem>>[vector<16xi32>, vector<16xi32>], vector<16xf32>,
      %gather3A_322 = arith.constant 0 : i32
      %gather3A_323 = arith.constant 0 : i32
      %gather3A_324 = arith.constant 0 : i32
      %gather3A_325 = tpu.memref_slice %arg10[%gather3A_322, %gather3A_323, %gather3A_324] : memref<4x64x128xf32, #tpu.memory_space<vmem>> -> memref<1x64x128xf32, #tpu.memory_space<vmem>>
      %gather3A_326 = tpu.memref_squeeze %gather3A_325 : memref<1x64x128xf32, #tpu.memory_space<vmem>> -> memref<64x128xf32, #tpu.memory_space<vmem>>
      %gather3A_327 = tpu.vector_load_idx %gather3A_326[%add3A_316, %broadcast_in_dim3A_311] : memref<64x128xf32, #tpu.memory_space<vmem>>[vector<16xi32>, vector<16xi32>], vector<16xf32>,
      %mul3A_328 = arith.mulf %gather3A_321, %gather3A_327 : vector<16xf32>
      %add3A_329 = arith.addf %broadcast_in_dim3A_313, %mul3A_328 : vector<16xf32>
      %add3A_330 = arith.constant 16 : i32
      %add3A_331 = vector.broadcast %add3A_330 : i32 to vector<16xi32>
      %add3A_332 = arith.addi %add3A_331, %iota3A : vector<16xi32>
      %gather3A_333 = arith.constant 0 : i32
      %gather3A_334 = arith.constant 0 : i32
      %gather3A_335 = arith.constant 0 : i32
      %gather3A_336 = tpu.memref_slice %arg9[%gather3A_333, %gather3A_334, %gather3A_335] : memref<4x64x128xf32, #tpu.memory_space<vmem>> -> memref<1x64x128xf32, #tpu.memory_space<vmem>>
      %gather3A_337 = tpu.memref_squeeze %gather3A_336 : memref<1x64x128xf32, #tpu.memory_space<vmem>> -> memref<64x128xf32, #tpu.memory_space<vmem>>
      %gather3A_338 = tpu.vector_load_idx %gather3A_337[%add3A_332, %broadcast_in_dim3A_308] : memref<64x128xf32, #tpu.memory_space<vmem>>[vector<16xi32>, vector<16xi32>], vector<16xf32>,
      %gather3A_339 = arith.constant 0 : i32
      %gather3A_340 = arith.constant 0 : i32
      %gather3A_341 = arith.constant 0 : i32
      %gather3A_342 = tpu.memref_slice %arg10[%gather3A_339, %gather3A_340, %gather3A_341] : memref<4x64x128xf32, #tpu.memory_space<vmem>> -> memref<1x64x128xf32, #tpu.memory_space<vmem>>
      %gather3A_343 = tpu.memref_squeeze %gather3A_342 : memref<1x64x128xf32, #tpu.memory_space<vmem>> -> memref<64x128xf32, #tpu.memory_space<vmem>>
      %gather3A_344 = tpu.vector_load_idx %gather3A_343[%add3A_332, %broadcast_in_dim3A_311] : memref<64x128xf32, #tpu.memory_space<vmem>>[vector<16xi32>, vector<16xi32>], vector<16xf32>,
      %mul3A_345 = arith.mulf %gather3A_338, %gather3A_344 : vector<16xf32>
      %add3A_346 = arith.addf %add3A_329, %mul3A_345 : vector<16xf32>
      %add3A_347 = arith.constant 32 : i32
      %add3A_348 = vector.broadcast %add3A_347 : i32 to vector<16xi32>
      %add3A_349 = arith.addi %add3A_348, %iota3A : vector<16xi32>
      %gather3A_350 = arith.constant 0 : i32
      %gather3A_351 = arith.constant 0 : i32
      %gather3A_352 = arith.constant 0 : i32
      %gather3A_353 = tpu.memref_slice %arg9[%gather3A_350, %gather3A_351, %gather3A_352] : memref<4x64x128xf32, #tpu.memory_space<vmem>> -> memref<1x64x128xf32, #tpu.memory_space<vmem>>
      %gather3A_354 = tpu.memref_squeeze %gather3A_353 : memref<1x64x128xf32, #tpu.memory_space<vmem>> -> memref<64x128xf32, #tpu.memory_space<vmem>>
      %gather3A_355 = tpu.vector_load_idx %gather3A_354[%add3A_349, %broadcast_in_dim3A_308] : memref<64x128xf32, #tpu.memory_space<vmem>>[vector<16xi32>, vector<16xi32>], vector<16xf32>,
      %gather3A_356 = arith.constant 0 : i32
      %gather3A_357 = arith.constant 0 : i32
      %gather3A_358 = arith.constant 0 : i32
      %gather3A_359 = tpu.memref_slice %arg10[%gather3A_356, %gather3A_357, %gather3A_358] : memref<4x64x128xf32, #tpu.memory_space<vmem>> -> memref<1x64x128xf32, #tpu.memory_space<vmem>>
      %gather3A_360 = tpu.memref_squeeze %gather3A_359 : memref<1x64x128xf32, #tpu.memory_space<vmem>> -> memref<64x128xf32, #tpu.memory_space<vmem>>
      %gather3A_361 = tpu.vector_load_idx %gather3A_360[%add3A_349, %broadcast_in_dim3A_311] : memref<64x128xf32, #tpu.memory_space<vmem>>[vector<16xi32>, vector<16xi32>], vector<16xf32>,
      %mul3A_362 = arith.mulf %gather3A_355, %gather3A_361 : vector<16xf32>
      %add3A_363 = arith.addf %add3A_346, %mul3A_362 : vector<16xf32>
      %add3A_364 = arith.constant 48 : i32
      %add3A_365 = vector.broadcast %add3A_364 : i32 to vector<16xi32>
      %add3A_366 = arith.addi %add3A_365, %iota3A : vector<16xi32>
      %gather3A_367 = arith.constant 0 : i32
      %gather3A_368 = arith.constant 0 : i32
      %gather3A_369 = arith.constant 0 : i32
      %gather3A_370 = tpu.memref_slice %arg9[%gather3A_367, %gather3A_368, %gather3A_369] : memref<4x64x128xf32, #tpu.memory_space<vmem>> -> memref<1x64x128xf32, #tpu.memory_space<vmem>>
      %gather3A_371 = tpu.memref_squeeze %gather3A_370 : memref<1x64x128xf32, #tpu.memory_space<vmem>> -> memref<64x128xf32, #tpu.memory_space<vmem>>
      %gather3A_372 = tpu.vector_load_idx %gather3A_371[%add3A_366, %broadcast_in_dim3A_308] : memref<64x128xf32, #tpu.memory_space<vmem>>[vector<16xi32>, vector<16xi32>], vector<16xf32>,
      %gather3A_373 = arith.constant 0 : i32
      %gather3A_374 = arith.constant 0 : i32
      %gather3A_375 = arith.constant 0 : i32
      %gather3A_376 = tpu.memref_slice %arg10[%gather3A_373, %gather3A_374, %gather3A_375] : memref<4x64x128xf32, #tpu.memory_space<vmem>> -> memref<1x64x128xf32, #tpu.memory_space<vmem>>
      %gather3A_377 = tpu.memref_squeeze %gather3A_376 : memref<1x64x128xf32, #tpu.memory_space<vmem>> -> memref<64x128xf32, #tpu.memory_space<vmem>>
      %gather3A_378 = tpu.vector_load_idx %gather3A_377[%add3A_366, %broadcast_in_dim3A_311] : memref<64x128xf32, #tpu.memory_space<vmem>>[vector<16xi32>, vector<16xi32>], vector<16xf32>,
      %mul3A_379 = arith.mulf %gather3A_372, %gather3A_378 : vector<16xf32>
      %add3A_380 = arith.addf %add3A_363, %mul3A_379 : vector<16xf32>
      %reduce_sum3A = arith.constant true
      %reduce_sum3A_381 = vector.broadcast %reduce_sum3A : i1 to vector<16xi1>
      %reduce_sum3A_382 = tpu.scan <sum>, %add3A_380 masked %reduce_sum3A_381 : vector<16xf32>, vector<16xi1> -> vector<16xf32>
      %reduce_sum3A_383 = vector.extract %reduce_sum3A_382[15] : f32 from vector<16xf32>
      %eq3A = arith.constant 0 : i32
      %eq3A_384 = vector.broadcast %eq3A : i32 to vector<16xi32>
      %eq3A_385 = arith.cmpi eq, %iota3A, %eq3A_384 : vector<16xi32>
      %broadcast_in_dim3A_386 = vector.broadcast %reduce_sum3A_383 : f32 to vector<16xf32>
      %select_n3A_387 = arith.select %eq3A_385, %broadcast_in_dim3A_386, %broadcast_in_dim3A_78 : vector<16xi1>, vector<16xf32>
      %slice3A_388 = vector.extract_strided_slice %sub3A_76 {offsets = [1], sizes = [1], strides = [1]} : vector<16xi32> to vector<1xi32>
      %squeeze3A_389 = vector.extract %slice3A_388[0] : i32 from vector<1xi32>
      %broadcast_in_dim3A_390 = vector.broadcast %squeeze3A_389 : i32 to vector<16xi32>
      %slice3A_391 = vector.extract_strided_slice %sub3A_77 {offsets = [1], sizes = [1], strides = [1]} : vector<16xi32> to vector<1xi32>
      %squeeze3A_392 = vector.extract %slice3A_391[0] : i32 from vector<1xi32>
      %broadcast_in_dim3A_393 = vector.broadcast %squeeze3A_392 : i32 to vector<16xi32>
      %broadcast_in_dim3A_394 = arith.constant 0.000000e+00 : f32
      %broadcast_in_dim3A_395 = vector.broadcast %broadcast_in_dim3A_394 : f32 to vector<16xf32>
      %add3A_396 = arith.constant 0 : i32
      %add3A_397 = vector.broadcast %add3A_396 : i32 to vector<16xi32>
      %add3A_398 = arith.addi %add3A_397, %iota3A : vector<16xi32>
      %gather3A_399 = arith.constant 1 : i32
      %gather3A_400 = arith.constant 0 : i32
      %gather3A_401 = arith.constant 0 : i32
      %gather3A_402 = tpu.memref_slice %arg9[%gather3A_399, %gather3A_400, %gather3A_401] : memref<4x64x128xf32, #tpu.memory_space<vmem>> -> memref<1x64x128xf32, #tpu.memory_space<vmem>>
      %gather3A_403 = tpu.memref_squeeze %gather3A_402 : memref<1x64x128xf32, #tpu.memory_space<vmem>> -> memref<64x128xf32, #tpu.memory_space<vmem>>
      %gather3A_404 = tpu.vector_load_idx %gather3A_403[%add3A_398, %broadcast_in_dim3A_390] : memref<64x128xf32, #tpu.memory_space<vmem>>[vector<16xi32>, vector<16xi32>], vector<16xf32>,
      %gather3A_405 = arith.constant 1 : i32
      %gather3A_406 = arith.constant 0 : i32
      %gather3A_407 = arith.constant 0 : i32
      %gather3A_408 = tpu.memref_slice %arg10[%gather3A_405, %gather3A_406, %gather3A_407] : memref<4x64x128xf32, #tpu.memory_space<vmem>> -> memref<1x64x128xf32, #tpu.memory_space<vmem>>
      %gather3A_409 = tpu.memref_squeeze %gather3A_408 : memref<1x64x128xf32, #tpu.memory_space<vmem>> -> memref<64x128xf32, #tpu.memory_space<vmem>>
      %gather3A_410 = tpu.vector_load_idx %gather3A_409[%add3A_398, %broadcast_in_dim3A_393] : memref<64x128xf32, #tpu.memory_space<vmem>>[vector<16xi32>, vector<16xi32>], vector<16xf32>,
      %mul3A_411 = arith.mulf %gather3A_404, %gather3A_410 : vector<16xf32>
      %add3A_412 = arith.addf %broadcast_in_dim3A_395, %mul3A_411 : vector<16xf32>
      %add3A_413 = arith.constant 16 : i32
      %add3A_414 = vector.broadcast %add3A_413 : i32 to vector<16xi32>
      %add3A_415 = arith.addi %add3A_414, %iota3A : vector<16xi32>
      %gather3A_416 = arith.constant 1 : i32
      %gather3A_417 = arith.constant 0 : i32
      %gather3A_418 = arith.constant 0 : i32
      %gather3A_419 = tpu.memref_slice %arg9[%gather3A_416, %gather3A_417, %gather3A_418] : memref<4x64x128xf32, #tpu.memory_space<vmem>> -> memref<1x64x128xf32, #tpu.memory_space<vmem>>
      %gather3A_420 = tpu.memref_squeeze %gather3A_419 : memref<1x64x128xf32, #tpu.memory_space<vmem>> -> memref<64x128xf32, #tpu.memory_space<vmem>>
      %gather3A_421 = tpu.vector_load_idx %gather3A_420[%add3A_415, %broadcast_in_dim3A_390] : memref<64x128xf32, #tpu.memory_space<vmem>>[vector<16xi32>, vector<16xi32>], vector<16xf32>,
      %gather3A_422 = arith.constant 1 : i32
      %gather3A_423 = arith.constant 0 : i32
      %gather3A_424 = arith.constant 0 : i32
      %gather3A_425 = tpu.memref_slice %arg10[%gather3A_422, %gather3A_423, %gather3A_424] : memref<4x64x128xf32, #tpu.memory_space<vmem>> -> memref<1x64x128xf32, #tpu.memory_space<vmem>>
      %gather3A_426 = tpu.memref_squeeze %gather3A_425 : memref<1x64x128xf32, #tpu.memory_space<vmem>> -> memref<64x128xf32, #tpu.memory_space<vmem>>
      %gather3A_427 = tpu.vector_load_idx %gather3A_426[%add3A_415, %broadcast_in_dim3A_393] : memref<64x128xf32, #tpu.memory_space<vmem>>[vector<16xi32>, vector<16xi32>], vector<16xf32>,
      %mul3A_428 = arith.mulf %gather3A_421, %gather3A_427 : vector<16xf32>
      %add3A_429 = arith.addf %add3A_412, %mul3A_428 : vector<16xf32>
      %add3A_430 = arith.constant 32 : i32
      %add3A_431 = vector.broadcast %add3A_430 : i32 to vector<16xi32>
      %add3A_432 = arith.addi %add3A_431, %iota3A : vector<16xi32>
      %gather3A_433 = arith.constant 1 : i32
      %gather3A_434 = arith.constant 0 : i32
      %gather3A_435 = arith.constant 0 : i32
      %gather3A_436 = tpu.memref_slice %arg9[%gather3A_433, %gather3A_434, %gather3A_435] : memref<4x64x128xf32, #tpu.memory_space<vmem>> -> memref<1x64x128xf32, #tpu.memory_space<vmem>>
      %gather3A_437 = tpu.memref_squeeze %gather3A_436 : memref<1x64x128xf32, #tpu.memory_space<vmem>> -> memref<64x128xf32, #tpu.memory_space<vmem>>
      %gather3A_438 = tpu.vector_load_idx %gather3A_437[%add3A_432, %broadcast_in_dim3A_390] : memref<64x128xf32, #tpu.memory_space<vmem>>[vector<16xi32>, vector<16xi32>], vector<16xf32>,
      %gather3A_439 = arith.constant 1 : i32
      %gather3A_440 = arith.constant 0 : i32
      %gather3A_441 = arith.constant 0 : i32
      %gather3A_442 = tpu.memref_slice %arg10[%gather3A_439, %gather3A_440, %gather3A_441] : memref<4x64x128xf32, #tpu.memory_space<vmem>> -> memref<1x64x128xf32, #tpu.memory_space<vmem>>
      %gather3A_443 = tpu.memref_squeeze %gather3A_442 : memref<1x64x128xf32, #tpu.memory_space<vmem>> -> memref<64x128xf32, #tpu.memory_space<vmem>>
      %gather3A_444 = tpu.vector_load_idx %gather3A_443[%add3A_432, %broadcast_in_dim3A_393] : memref<64x128xf32, #tpu.memory_space<vmem>>[vector<16xi32>, vector<16xi32>], vector<16xf32>,
      %mul3A_445 = arith.mulf %gather3A_438, %gather3A_444 : vector<16xf32>
      %add3A_446 = arith.addf %add3A_429, %mul3A_445 : vector<16xf32>
      %add3A_447 = arith.constant 48 : i32
      %add3A_448 = vector.broadcast %add3A_447 : i32 to vector<16xi32>
      %add3A_449 = arith.addi %add3A_448, %iota3A : vector<16xi32>
      %gather3A_450 = arith.constant 1 : i32
      %gather3A_451 = arith.constant 0 : i32
      %gather3A_452 = arith.constant 0 : i32
      %gather3A_453 = tpu.memref_slice %arg9[%gather3A_450, %gather3A_451, %gather3A_452] : memref<4x64x128xf32, #tpu.memory_space<vmem>> -> memref<1x64x128xf32, #tpu.memory_space<vmem>>
      %gather3A_454 = tpu.memref_squeeze %gather3A_453 : memref<1x64x128xf32, #tpu.memory_space<vmem>> -> memref<64x128xf32, #tpu.memory_space<vmem>>
      %gather3A_455 = tpu.vector_load_idx %gather3A_454[%add3A_449, %broadcast_in_dim3A_390] : memref<64x128xf32, #tpu.memory_space<vmem>>[vector<16xi32>, vector<16xi32>], vector<16xf32>,
      %gather3A_456 = arith.constant 1 : i32
      %gather3A_457 = arith.constant 0 : i32
      %gather3A_458 = arith.constant 0 : i32
      %gather3A_459 = tpu.memref_slice %arg10[%gather3A_456, %gather3A_457, %gather3A_458] : memref<4x64x128xf32, #tpu.memory_space<vmem>> -> memref<1x64x128xf32, #tpu.memory_space<vmem>>
      %gather3A_460 = tpu.memref_squeeze %gather3A_459 : memref<1x64x128xf32, #tpu.memory_space<vmem>> -> memref<64x128xf32, #tpu.memory_space<vmem>>
      %gather3A_461 = tpu.vector_load_idx %gather3A_460[%add3A_449, %broadcast_in_dim3A_393] : memref<64x128xf32, #tpu.memory_space<vmem>>[vector<16xi32>, vector<16xi32>], vector<16xf32>,
      %mul3A_462 = arith.mulf %gather3A_455, %gather3A_461 : vector<16xf32>
      %add3A_463 = arith.addf %add3A_446, %mul3A_462 : vector<16xf32>
      %reduce_sum3A_464 = arith.constant true
      %reduce_sum3A_465 = vector.broadcast %reduce_sum3A_464 : i1 to vector<16xi1>
      %reduce_sum3A_466 = tpu.scan <sum>, %add3A_463 masked %reduce_sum3A_465 : vector<16xf32>, vector<16xi1> -> vector<16xf32>
      %reduce_sum3A_467 = vector.extract %reduce_sum3A_466[15] : f32 from vector<16xf32>
      %eq3A_468 = arith.constant 1 : i32
      %eq3A_469 = vector.broadcast %eq3A_468 : i32 to vector<16xi32>
      %eq3A_470 = arith.cmpi eq, %iota3A, %eq3A_469 : vector<16xi32>
      %broadcast_in_dim3A_471 = vector.broadcast %reduce_sum3A_467 : f32 to vector<16xf32>
      %select_n3A_472 = arith.select %eq3A_470, %broadcast_in_dim3A_471, %select_n3A_387 : vector<16xi1>, vector<16xf32>
      %slice3A_473 = vector.extract_strided_slice %sub3A_76 {offsets = [2], sizes = [1], strides = [1]} : vector<16xi32> to vector<1xi32>
      %squeeze3A_474 = vector.extract %slice3A_473[0] : i32 from vector<1xi32>
      %broadcast_in_dim3A_475 = vector.broadcast %squeeze3A_474 : i32 to vector<16xi32>
      %slice3A_476 = vector.extract_strided_slice %sub3A_77 {offsets = [2], sizes = [1], strides = [1]} : vector<16xi32> to vector<1xi32>
      %squeeze3A_477 = vector.extract %slice3A_476[0] : i32 from vector<1xi32>
      %broadcast_in_dim3A_478 = vector.broadcast %squeeze3A_477 : i32 to vector<16xi32>
      %broadcast_in_dim3A_479 = arith.constant 0.000000e+00 : f32
      %broadcast_in_dim3A_480 = vector.broadcast %broadcast_in_dim3A_479 : f32 to vector<16xf32>
      %add3A_481 = arith.constant 0 : i32
      %add3A_482 = vector.broadcast %add3A_481 : i32 to vector<16xi32>
      %add3A_483 = arith.addi %add3A_482, %iota3A : vector<16xi32>
      %gather3A_484 = arith.constant 2 : i32
      %gather3A_485 = arith.constant 0 : i32
      %gather3A_486 = arith.constant 0 : i32
      %gather3A_487 = tpu.memref_slice %arg9[%gather3A_484, %gather3A_485, %gather3A_486] : memref<4x64x128xf32, #tpu.memory_space<vmem>> -> memref<1x64x128xf32, #tpu.memory_space<vmem>>
      %gather3A_488 = tpu.memref_squeeze %gather3A_487 : memref<1x64x128xf32, #tpu.memory_space<vmem>> -> memref<64x128xf32, #tpu.memory_space<vmem>>
      %gather3A_489 = tpu.vector_load_idx %gather3A_488[%add3A_483, %broadcast_in_dim3A_475] : memref<64x128xf32, #tpu.memory_space<vmem>>[vector<16xi32>, vector<16xi32>], vector<16xf32>,
      %gather3A_490 = arith.constant 2 : i32
      %gather3A_491 = arith.constant 0 : i32
      %gather3A_492 = arith.constant 0 : i32
      %gather3A_493 = tpu.memref_slice %arg10[%gather3A_490, %gather3A_491, %gather3A_492] : memref<4x64x128xf32, #tpu.memory_space<vmem>> -> memref<1x64x128xf32, #tpu.memory_space<vmem>>
      %gather3A_494 = tpu.memref_squeeze %gather3A_493 : memref<1x64x128xf32, #tpu.memory_space<vmem>> -> memref<64x128xf32, #tpu.memory_space<vmem>>
      %gather3A_495 = tpu.vector_load_idx %gather3A_494[%add3A_483, %broadcast_in_dim3A_478] : memref<64x128xf32, #tpu.memory_space<vmem>>[vector<16xi32>, vector<16xi32>], vector<16xf32>,
      %mul3A_496 = arith.mulf %gather3A_489, %gather3A_495 : vector<16xf32>
      %add3A_497 = arith.addf %broadcast_in_dim3A_480, %mul3A_496 : vector<16xf32>
      %add3A_498 = arith.constant 16 : i32
      %add3A_499 = vector.broadcast %add3A_498 : i32 to vector<16xi32>
      %add3A_500 = arith.addi %add3A_499, %iota3A : vector<16xi32>
      %gather3A_501 = arith.constant 2 : i32
      %gather3A_502 = arith.constant 0 : i32
      %gather3A_503 = arith.constant 0 : i32
      %gather3A_504 = tpu.memref_slice %arg9[%gather3A_501, %gather3A_502, %gather3A_503] : memref<4x64x128xf32, #tpu.memory_space<vmem>> -> memref<1x64x128xf32, #tpu.memory_space<vmem>>
      %gather3A_505 = tpu.memref_squeeze %gather3A_504 : memref<1x64x128xf32, #tpu.memory_space<vmem>> -> memref<64x128xf32, #tpu.memory_space<vmem>>
      %gather3A_506 = tpu.vector_load_idx %gather3A_505[%add3A_500, %broadcast_in_dim3A_475] : memref<64x128xf32, #tpu.memory_space<vmem>>[vector<16xi32>, vector<16xi32>], vector<16xf32>,
      %gather3A_507 = arith.constant 2 : i32
      %gather3A_508 = arith.constant 0 : i32
      %gather3A_509 = arith.constant 0 : i32
      %gather3A_510 = tpu.memref_slice %arg10[%gather3A_507, %gather3A_508, %gather3A_509] : memref<4x64x128xf32, #tpu.memory_space<vmem>> -> memref<1x64x128xf32, #tpu.memory_space<vmem>>
      %gather3A_511 = tpu.memref_squeeze %gather3A_510 : memref<1x64x128xf32, #tpu.memory_space<vmem>> -> memref<64x128xf32, #tpu.memory_space<vmem>>
      %gather3A_512 = tpu.vector_load_idx %gather3A_511[%add3A_500, %broadcast_in_dim3A_478] : memref<64x128xf32, #tpu.memory_space<vmem>>[vector<16xi32>, vector<16xi32>], vector<16xf32>,
      %mul3A_513 = arith.mulf %gather3A_506, %gather3A_512 : vector<16xf32>
      %add3A_514 = arith.addf %add3A_497, %mul3A_513 : vector<16xf32>
      %add3A_515 = arith.constant 32 : i32
      %add3A_516 = vector.broadcast %add3A_515 : i32 to vector<16xi32>
      %add3A_517 = arith.addi %add3A_516, %iota3A : vector<16xi32>
      %gather3A_518 = arith.constant 2 : i32
      %gather3A_519 = arith.constant 0 : i32
      %gather3A_520 = arith.constant 0 : i32
      %gather3A_521 = tpu.memref_slice %arg9[%gather3A_518, %gather3A_519, %gather3A_520] : memref<4x64x128xf32, #tpu.memory_space<vmem>> -> memref<1x64x128xf32, #tpu.memory_space<vmem>>
      %gather3A_522 = tpu.memref_squeeze %gather3A_521 : memref<1x64x128xf32, #tpu.memory_space<vmem>> -> memref<64x128xf32, #tpu.memory_space<vmem>>
      %gather3A_523 = tpu.vector_load_idx %gather3A_522[%add3A_517, %broadcast_in_dim3A_475] : memref<64x128xf32, #tpu.memory_space<vmem>>[vector<16xi32>, vector<16xi32>], vector<16xf32>,
      %gather3A_524 = arith.constant 2 : i32
      %gather3A_525 = arith.constant 0 : i32
      %gather3A_526 = arith.constant 0 : i32
      %gather3A_527 = tpu.memref_slice %arg10[%gather3A_524, %gather3A_525, %gather3A_526] : memref<4x64x128xf32, #tpu.memory_space<vmem>> -> memref<1x64x128xf32, #tpu.memory_space<vmem>>
      %gather3A_528 = tpu.memref_squeeze %gather3A_527 : memref<1x64x128xf32, #tpu.memory_space<vmem>> -> memref<64x128xf32, #tpu.memory_space<vmem>>
      %gather3A_529 = tpu.vector_load_idx %gather3A_528[%add3A_517, %broadcast_in_dim3A_478] : memref<64x128xf32, #tpu.memory_space<vmem>>[vector<16xi32>, vector<16xi32>], vector<16xf32>,
      %mul3A_530 = arith.mulf %gather3A_523, %gather3A_529 : vector<16xf32>
      %add3A_531 = arith.addf %add3A_514, %mul3A_530 : vector<16xf32>
      %add3A_532 = arith.constant 48 : i32
      %add3A_533 = vector.broadcast %add3A_532 : i32 to vector<16xi32>
      %add3A_534 = arith.addi %add3A_533, %iota3A : vector<16xi32>
      %gather3A_535 = arith.constant 2 : i32
      %gather3A_536 = arith.constant 0 : i32
      %gather3A_537 = arith.constant 0 : i32
      %gather3A_538 = tpu.memref_slice %arg9[%gather3A_535, %gather3A_536, %gather3A_537] : memref<4x64x128xf32, #tpu.memory_space<vmem>> -> memref<1x64x128xf32, #tpu.memory_space<vmem>>
      %gather3A_539 = tpu.memref_squeeze %gather3A_538 : memref<1x64x128xf32, #tpu.memory_space<vmem>> -> memref<64x128xf32, #tpu.memory_space<vmem>>
      %gather3A_540 = tpu.vector_load_idx %gather3A_539[%add3A_534, %broadcast_in_dim3A_475] : memref<64x128xf32, #tpu.memory_space<vmem>>[vector<16xi32>, vector<16xi32>], vector<16xf32>,
      %gather3A_541 = arith.constant 2 : i32
      %gather3A_542 = arith.constant 0 : i32
      %gather3A_543 = arith.constant 0 : i32
      %gather3A_544 = tpu.memref_slice %arg10[%gather3A_541, %gather3A_542, %gather3A_543] : memref<4x64x128xf32, #tpu.memory_space<vmem>> -> memref<1x64x128xf32, #tpu.memory_space<vmem>>
      %gather3A_545 = tpu.memref_squeeze %gather3A_544 : memref<1x64x128xf32, #tpu.memory_space<vmem>> -> memref<64x128xf32, #tpu.memory_space<vmem>>
      %gather3A_546 = tpu.vector_load_idx %gather3A_545[%add3A_534, %broadcast_in_dim3A_478] : memref<64x128xf32, #tpu.memory_space<vmem>>[vector<16xi32>, vector<16xi32>], vector<16xf32>,
      %mul3A_547 = arith.mulf %gather3A_540, %gather3A_546 : vector<16xf32>
      %add3A_548 = arith.addf %add3A_531, %mul3A_547 : vector<16xf32>
      %reduce_sum3A_549 = arith.constant true
      %reduce_sum3A_550 = vector.broadcast %reduce_sum3A_549 : i1 to vector<16xi1>
      %reduce_sum3A_551 = tpu.scan <sum>, %add3A_548 masked %reduce_sum3A_550 : vector<16xf32>, vector<16xi1> -> vector<16xf32>
      %reduce_sum3A_552 = vector.extract %reduce_sum3A_551[15] : f32 from vector<16xf32>
      %eq3A_553 = arith.constant 2 : i32
      %eq3A_554 = vector.broadcast %eq3A_553 : i32 to vector<16xi32>
      %eq3A_555 = arith.cmpi eq, %iota3A, %eq3A_554 : vector<16xi32>
      %broadcast_in_dim3A_556 = vector.broadcast %reduce_sum3A_552 : f32 to vector<16xf32>
      %select_n3A_557 = arith.select %eq3A_555, %broadcast_in_dim3A_556, %select_n3A_472 : vector<16xi1>, vector<16xf32>
      %slice3A_558 = vector.extract_strided_slice %sub3A_76 {offsets = [3], sizes = [1], strides = [1]} : vector<16xi32> to vector<1xi32>
      %squeeze3A_559 = vector.extract %slice3A_558[0] : i32 from vector<1xi32>
      %broadcast_in_dim3A_560 = vector.broadcast %squeeze3A_559 : i32 to vector<16xi32>
      %slice3A_561 = vector.extract_strided_slice %sub3A_77 {offsets = [3], sizes = [1], strides = [1]} : vector<16xi32> to vector<1xi32>
      %squeeze3A_562 = vector.extract %slice3A_561[0] : i32 from vector<1xi32>
      %broadcast_in_dim3A_563 = vector.broadcast %squeeze3A_562 : i32 to vector<16xi32>
      %broadcast_in_dim3A_564 = arith.constant 0.000000e+00 : f32
      %broadcast_in_dim3A_565 = vector.broadcast %broadcast_in_dim3A_564 : f32 to vector<16xf32>
      %add3A_566 = arith.constant 0 : i32
      %add3A_567 = vector.broadcast %add3A_566 : i32 to vector<16xi32>
      %add3A_568 = arith.addi %add3A_567, %iota3A : vector<16xi32>
      %gather3A_569 = arith.constant 3 : i32
      %gather3A_570 = arith.constant 0 : i32
      %gather3A_571 = arith.constant 0 : i32
      %gather3A_572 = tpu.memref_slice %arg9[%gather3A_569, %gather3A_570, %gather3A_571] : memref<4x64x128xf32, #tpu.memory_space<vmem>> -> memref<1x64x128xf32, #tpu.memory_space<vmem>>
      %gather3A_573 = tpu.memref_squeeze %gather3A_572 : memref<1x64x128xf32, #tpu.memory_space<vmem>> -> memref<64x128xf32, #tpu.memory_space<vmem>>
      %gather3A_574 = tpu.vector_load_idx %gather3A_573[%add3A_568, %broadcast_in_dim3A_560] : memref<64x128xf32, #tpu.memory_space<vmem>>[vector<16xi32>, vector<16xi32>], vector<16xf32>,
      %gather3A_575 = arith.constant 3 : i32
      %gather3A_576 = arith.constant 0 : i32
      %gather3A_577 = arith.constant 0 : i32
      %gather3A_578 = tpu.memref_slice %arg10[%gather3A_575, %gather3A_576, %gather3A_577] : memref<4x64x128xf32, #tpu.memory_space<vmem>> -> memref<1x64x128xf32, #tpu.memory_space<vmem>>
      %gather3A_579 = tpu.memref_squeeze %gather3A_578 : memref<1x64x128xf32, #tpu.memory_space<vmem>> -> memref<64x128xf32, #tpu.memory_space<vmem>>
      %gather3A_580 = tpu.vector_load_idx %gather3A_579[%add3A_568, %broadcast_in_dim3A_563] : memref<64x128xf32, #tpu.memory_space<vmem>>[vector<16xi32>, vector<16xi32>], vector<16xf32>,
      %mul3A_581 = arith.mulf %gather3A_574, %gather3A_580 : vector<16xf32>
      %add3A_582 = arith.addf %broadcast_in_dim3A_565, %mul3A_581 : vector<16xf32>
      %add3A_583 = arith.constant 16 : i32
      %add3A_584 = vector.broadcast %add3A_583 : i32 to vector<16xi32>
      %add3A_585 = arith.addi %add3A_584, %iota3A : vector<16xi32>
      %gather3A_586 = arith.constant 3 : i32
      %gather3A_587 = arith.constant 0 : i32
      %gather3A_588 = arith.constant 0 : i32
      %gather3A_589 = tpu.memref_slice %arg9[%gather3A_586, %gather3A_587, %gather3A_588] : memref<4x64x128xf32, #tpu.memory_space<vmem>> -> memref<1x64x128xf32, #tpu.memory_space<vmem>>
      %gather3A_590 = tpu.memref_squeeze %gather3A_589 : memref<1x64x128xf32, #tpu.memory_space<vmem>> -> memref<64x128xf32, #tpu.memory_space<vmem>>
      %gather3A_591 = tpu.vector_load_idx %gather3A_590[%add3A_585, %broadcast_in_dim3A_560] : memref<64x128xf32, #tpu.memory_space<vmem>>[vector<16xi32>, vector<16xi32>], vector<16xf32>,
      %gather3A_592 = arith.constant 3 : i32
      %gather3A_593 = arith.constant 0 : i32
      %gather3A_594 = arith.constant 0 : i32
      %gather3A_595 = tpu.memref_slice %arg10[%gather3A_592, %gather3A_593, %gather3A_594] : memref<4x64x128xf32, #tpu.memory_space<vmem>> -> memref<1x64x128xf32, #tpu.memory_space<vmem>>
      %gather3A_596 = tpu.memref_squeeze %gather3A_595 : memref<1x64x128xf32, #tpu.memory_space<vmem>> -> memref<64x128xf32, #tpu.memory_space<vmem>>
      %gather3A_597 = tpu.vector_load_idx %gather3A_596[%add3A_585, %broadcast_in_dim3A_563] : memref<64x128xf32, #tpu.memory_space<vmem>>[vector<16xi32>, vector<16xi32>], vector<16xf32>,
      %mul3A_598 = arith.mulf %gather3A_591, %gather3A_597 : vector<16xf32>
      %add3A_599 = arith.addf %add3A_582, %mul3A_598 : vector<16xf32>
      %add3A_600 = arith.constant 32 : i32
      %add3A_601 = vector.broadcast %add3A_600 : i32 to vector<16xi32>
      %add3A_602 = arith.addi %add3A_601, %iota3A : vector<16xi32>
      %gather3A_603 = arith.constant 3 : i32
      %gather3A_604 = arith.constant 0 : i32
      %gather3A_605 = arith.constant 0 : i32
      %gather3A_606 = tpu.memref_slice %arg9[%gather3A_603, %gather3A_604, %gather3A_605] : memref<4x64x128xf32, #tpu.memory_space<vmem>> -> memref<1x64x128xf32, #tpu.memory_space<vmem>>
      %gather3A_607 = tpu.memref_squeeze %gather3A_606 : memref<1x64x128xf32, #tpu.memory_space<vmem>> -> memref<64x128xf32, #tpu.memory_space<vmem>>
      %gather3A_608 = tpu.vector_load_idx %gather3A_607[%add3A_602, %broadcast_in_dim3A_560] : memref<64x128xf32, #tpu.memory_space<vmem>>[vector<16xi32>, vector<16xi32>], vector<16xf32>,
      %gather3A_609 = arith.constant 3 : i32
      %gather3A_610 = arith.constant 0 : i32
      %gather3A_611 = arith.constant 0 : i32
      %gather3A_612 = tpu.memref_slice %arg10[%gather3A_609, %gather3A_610, %gather3A_611] : memref<4x64x128xf32, #tpu.memory_space<vmem>> -> memref<1x64x128xf32, #tpu.memory_space<vmem>>
      %gather3A_613 = tpu.memref_squeeze %gather3A_612 : memref<1x64x128xf32, #tpu.memory_space<vmem>> -> memref<64x128xf32, #tpu.memory_space<vmem>>
      %gather3A_614 = tpu.vector_load_idx %gather3A_613[%add3A_602, %broadcast_in_dim3A_563] : memref<64x128xf32, #tpu.memory_space<vmem>>[vector<16xi32>, vector<16xi32>], vector<16xf32>,
      %mul3A_615 = arith.mulf %gather3A_608, %gather3A_614 : vector<16xf32>
      %add3A_616 = arith.addf %add3A_599, %mul3A_615 : vector<16xf32>
      %add3A_617 = arith.constant 48 : i32
      %add3A_618 = vector.broadcast %add3A_617 : i32 to vector<16xi32>
      %add3A_619 = arith.addi %add3A_618, %iota3A : vector<16xi32>
      %gather3A_620 = arith.constant 3 : i32
      %gather3A_621 = arith.constant 0 : i32
      %gather3A_622 = arith.constant 0 : i32
      %gather3A_623 = tpu.memref_slice %arg9[%gather3A_620, %gather3A_621, %gather3A_622] : memref<4x64x128xf32, #tpu.memory_space<vmem>> -> memref<1x64x128xf32, #tpu.memory_space<vmem>>
      %gather3A_624 = tpu.memref_squeeze %gather3A_623 : memref<1x64x128xf32, #tpu.memory_space<vmem>> -> memref<64x128xf32, #tpu.memory_space<vmem>>
      %gather3A_625 = tpu.vector_load_idx %gather3A_624[%add3A_619, %broadcast_in_dim3A_560] : memref<64x128xf32, #tpu.memory_space<vmem>>[vector<16xi32>, vector<16xi32>], vector<16xf32>,
      %gather3A_626 = arith.constant 3 : i32
      %gather3A_627 = arith.constant 0 : i32
      %gather3A_628 = arith.constant 0 : i32
      %gather3A_629 = tpu.memref_slice %arg10[%gather3A_626, %gather3A_627, %gather3A_628] : memref<4x64x128xf32, #tpu.memory_space<vmem>> -> memref<1x64x128xf32, #tpu.memory_space<vmem>>
      %gather3A_630 = tpu.memref_squeeze %gather3A_629 : memref<1x64x128xf32, #tpu.memory_space<vmem>> -> memref<64x128xf32, #tpu.memory_space<vmem>>
      %gather3A_631 = tpu.vector_load_idx %gather3A_630[%add3A_619, %broadcast_in_dim3A_563] : memref<64x128xf32, #tpu.memory_space<vmem>>[vector<16xi32>, vector<16xi32>], vector<16xf32>,
      %mul3A_632 = arith.mulf %gather3A_625, %gather3A_631 : vector<16xf32>
      %add3A_633 = arith.addf %add3A_616, %mul3A_632 : vector<16xf32>
      %reduce_sum3A_634 = arith.constant true
      %reduce_sum3A_635 = vector.broadcast %reduce_sum3A_634 : i1 to vector<16xi1>
      %reduce_sum3A_636 = tpu.scan <sum>, %add3A_633 masked %reduce_sum3A_635 : vector<16xf32>, vector<16xi1> -> vector<16xf32>
      %reduce_sum3A_637 = vector.extract %reduce_sum3A_636[15] : f32 from vector<16xf32>
      %eq3A_638 = arith.constant 3 : i32
      %eq3A_639 = vector.broadcast %eq3A_638 : i32 to vector<16xi32>
      %eq3A_640 = arith.cmpi eq, %iota3A, %eq3A_639 : vector<16xi32>
      %broadcast_in_dim3A_641 = vector.broadcast %reduce_sum3A_637 : f32 to vector<16xf32>
      %select_n3A_642 = arith.select %eq3A_640, %broadcast_in_dim3A_641, %select_n3A_557 : vector<16xi1>, vector<16xf32>
      %slice3A_643 = vector.extract_strided_slice %mul3A_41 {offsets = [4], sizes = [1], strides = [1]} : vector<16xi32> to vector<1xi32>
      %squeeze3A_644 = vector.extract %slice3A_643[0] : i32 from vector<1xi32>
      %multiple_of3A_645 = tpu.assume_multiple %squeeze3A_644, 128 : i32
      %slice3A_646 = vector.extract_strided_slice %mul3A_75 {offsets = [4], sizes = [1], strides = [1]} : vector<16xi32> to vector<1xi32>
      %squeeze3A_647 = vector.extract %slice3A_646[0] : i32 from vector<1xi32>
      %multiple_of3A_648 = tpu.assume_multiple %squeeze3A_647, 128 : i32
      %dma_start3A_649 = arith.constant 0 : i32
      %dma_start3A_650 = arith.constant 0 : i32
      %dma_start3A_651 = arith.constant 0 : i32
      %dma_start3A_652 = tpu.memref_slice %arg9[%dma_start3A_649, %dma_start3A_650, %dma_start3A_651] : memref<4x64x128xf32, #tpu.memory_space<vmem>> -> memref<1x64x128xf32, #tpu.memory_space<vmem>>
      %dma_start3A_653 = tpu.memref_squeeze %dma_start3A_652 : memref<1x64x128xf32, #tpu.memory_space<vmem>> -> memref<64x128xf32, #tpu.memory_space<vmem>>
      %dma_start3A_654 = arith.constant 0 : i32
      %dma_start3A_655 = tpu.memref_slice %arg4[%dma_start3A_654, %multiple_of3A_645] : memref<64x1000000xf32, #tpu.memory_space<hbm>> -> memref<64x128xf32, #tpu.memory_space<hbm>>
      %dma_start3A_656 = arith.constant 0 : i32
      %dma_start3A_657 = arith.constant 0 : i32
      %dma_start3A_658 = tpu.memref_slice %arg9[%dma_start3A_649, %dma_start3A_656, %dma_start3A_657] : memref<4x64x128xf32, #tpu.memory_space<vmem>> -> memref<1x64x128xf32, #tpu.memory_space<vmem>>
      %dma_start3A_659 = tpu.memref_squeeze %dma_start3A_658 : memref<1x64x128xf32, #tpu.memory_space<vmem>> -> memref<64x128xf32, #tpu.memory_space<vmem>>
      %dma_start3A_660 = arith.constant 0 : i32
      %dma_start3A_661 = tpu.memref_slice %arg4[%dma_start3A_660, %multiple_of3A_645] : memref<64x1000000xf32, #tpu.memory_space<hbm>> -> memref<64x128xf32, #tpu.memory_space<hbm>>
      tpu.enqueue_dma source(%dma_start3A_661 : memref<64x128xf32, #tpu.memory_space<hbm>>) target(%dma_start3A_659 : memref<64x128xf32, #tpu.memory_space<vmem>>) target_semaphore(%arg12 : memref<!tpu.dma_semaphore, #tpu.memory_space<semaphore_mem>>)
      %dma_start3A_662 = arith.constant 0 : i32
      %dma_start3A_663 = arith.constant 0 : i32
      %dma_start3A_664 = arith.constant 0 : i32
      %dma_start3A_665 = tpu.memref_slice %arg10[%dma_start3A_662, %dma_start3A_663, %dma_start3A_664] : memref<4x64x128xf32, #tpu.memory_space<vmem>> -> memref<1x64x128xf32, #tpu.memory_space<vmem>>
      %dma_start3A_666 = tpu.memref_squeeze %dma_start3A_665 : memref<1x64x128xf32, #tpu.memory_space<vmem>> -> memref<64x128xf32, #tpu.memory_space<vmem>>
      %dma_start3A_667 = arith.constant 0 : i32
      %dma_start3A_668 = tpu.memref_slice %arg5[%dma_start3A_667, %multiple_of3A_648] : memref<64x1000000xf32, #tpu.memory_space<hbm>> -> memref<64x128xf32, #tpu.memory_space<hbm>>
      %dma_start3A_669 = arith.constant 0 : i32
      %dma_start3A_670 = arith.constant 0 : i32
      %dma_start3A_671 = tpu.memref_slice %arg10[%dma_start3A_662, %dma_start3A_669, %dma_start3A_670] : memref<4x64x128xf32, #tpu.memory_space<vmem>> -> memref<1x64x128xf32, #tpu.memory_space<vmem>>
      %dma_start3A_672 = tpu.memref_squeeze %dma_start3A_671 : memref<1x64x128xf32, #tpu.memory_space<vmem>> -> memref<64x128xf32, #tpu.memory_space<vmem>>
      %dma_start3A_673 = arith.constant 0 : i32
      %dma_start3A_674 = tpu.memref_slice %arg5[%dma_start3A_673, %multiple_of3A_648] : memref<64x1000000xf32, #tpu.memory_space<hbm>> -> memref<64x128xf32, #tpu.memory_space<hbm>>
      tpu.enqueue_dma source(%dma_start3A_674 : memref<64x128xf32, #tpu.memory_space<hbm>>) target(%dma_start3A_672 : memref<64x128xf32, #tpu.memory_space<vmem>>) target_semaphore(%arg12 : memref<!tpu.dma_semaphore, #tpu.memory_space<semaphore_mem>>)
      %slice3A_675 = vector.extract_strided_slice %mul3A_41 {offsets = [5], sizes = [1], strides = [1]} : vector<16xi32> to vector<1xi32>
      %squeeze3A_676 = vector.extract %slice3A_675[0] : i32 from vector<1xi32>
      %multiple_of3A_677 = tpu.assume_multiple %squeeze3A_676, 128 : i32
      %slice3A_678 = vector.extract_strided_slice %mul3A_75 {offsets = [5], sizes = [1], strides = [1]} : vector<16xi32> to vector<1xi32>
      %squeeze3A_679 = vector.extract %slice3A_678[0] : i32 from vector<1xi32>
      %multiple_of3A_680 = tpu.assume_multiple %squeeze3A_679, 128 : i32
      %dma_start3A_681 = arith.constant 1 : i32
      %dma_start3A_682 = arith.constant 0 : i32
      %dma_start3A_683 = arith.constant 0 : i32
      %dma_start3A_684 = tpu.memref_slice %arg9[%dma_start3A_681, %dma_start3A_682, %dma_start3A_683] : memref<4x64x128xf32, #tpu.memory_space<vmem>> -> memref<1x64x128xf32, #tpu.memory_space<vmem>>
      %dma_start3A_685 = tpu.memref_squeeze %dma_start3A_684 : memref<1x64x128xf32, #tpu.memory_space<vmem>> -> memref<64x128xf32, #tpu.memory_space<vmem>>
      %dma_start3A_686 = arith.constant 0 : i32
      %dma_start3A_687 = tpu.memref_slice %arg4[%dma_start3A_686, %multiple_of3A_677] : memref<64x1000000xf32, #tpu.memory_space<hbm>> -> memref<64x128xf32, #tpu.memory_space<hbm>>
      %dma_start3A_688 = arith.constant 0 : i32
      %dma_start3A_689 = arith.constant 0 : i32
      %dma_start3A_690 = tpu.memref_slice %arg9[%dma_start3A_681, %dma_start3A_688, %dma_start3A_689] : memref<4x64x128xf32, #tpu.memory_space<vmem>> -> memref<1x64x128xf32, #tpu.memory_space<vmem>>
      %dma_start3A_691 = tpu.memref_squeeze %dma_start3A_690 : memref<1x64x128xf32, #tpu.memory_space<vmem>> -> memref<64x128xf32, #tpu.memory_space<vmem>>
      %dma_start3A_692 = arith.constant 0 : i32
      %dma_start3A_693 = tpu.memref_slice %arg4[%dma_start3A_692, %multiple_of3A_677] : memref<64x1000000xf32, #tpu.memory_space<hbm>> -> memref<64x128xf32, #tpu.memory_space<hbm>>
      tpu.enqueue_dma source(%dma_start3A_693 : memref<64x128xf32, #tpu.memory_space<hbm>>) target(%dma_start3A_691 : memref<64x128xf32, #tpu.memory_space<vmem>>) target_semaphore(%arg12 : memref<!tpu.dma_semaphore, #tpu.memory_space<semaphore_mem>>)
      %dma_start3A_694 = arith.constant 1 : i32
      %dma_start3A_695 = arith.constant 0 : i32
      %dma_start3A_696 = arith.constant 0 : i32
      %dma_start3A_697 = tpu.memref_slice %arg10[%dma_start3A_694, %dma_start3A_695, %dma_start3A_696] : memref<4x64x128xf32, #tpu.memory_space<vmem>> -> memref<1x64x128xf32, #tpu.memory_space<vmem>>
      %dma_start3A_698 = tpu.memref_squeeze %dma_start3A_697 : memref<1x64x128xf32, #tpu.memory_space<vmem>> -> memref<64x128xf32, #tpu.memory_space<vmem>>
      %dma_start3A_699 = arith.constant 0 : i32
      %dma_start3A_700 = tpu.memref_slice %arg5[%dma_start3A_699, %multiple_of3A_680] : memref<64x1000000xf32, #tpu.memory_space<hbm>> -> memref<64x128xf32, #tpu.memory_space<hbm>>
      %dma_start3A_701 = arith.constant 0 : i32
      %dma_start3A_702 = arith.constant 0 : i32
      %dma_start3A_703 = tpu.memref_slice %arg10[%dma_start3A_694, %dma_start3A_701, %dma_start3A_702] : memref<4x64x128xf32, #tpu.memory_space<vmem>> -> memref<1x64x128xf32, #tpu.memory_space<vmem>>
      %dma_start3A_704 = tpu.memref_squeeze %dma_start3A_703 : memref<1x64x128xf32, #tpu.memory_space<vmem>> -> memref<64x128xf32, #tpu.memory_space<vmem>>
      %dma_start3A_705 = arith.constant 0 : i32
      %dma_start3A_706 = tpu.memref_slice %arg5[%dma_start3A_705, %multiple_of3A_680] : memref<64x1000000xf32, #tpu.memory_space<hbm>> -> memref<64x128xf32, #tpu.memory_space<hbm>>
      tpu.enqueue_dma source(%dma_start3A_706 : memref<64x128xf32, #tpu.memory_space<hbm>>) target(%dma_start3A_704 : memref<64x128xf32, #tpu.memory_space<vmem>>) target_semaphore(%arg12 : memref<!tpu.dma_semaphore, #tpu.memory_space<semaphore_mem>>)
      %slice3A_707 = vector.extract_strided_slice %mul3A_41 {offsets = [6], sizes = [1], strides = [1]} : vector<16xi32> to vector<1xi32>
      %squeeze3A_708 = vector.extract %slice3A_707[0] : i32 from vector<1xi32>
      %multiple_of3A_709 = tpu.assume_multiple %squeeze3A_708, 128 : i32
      %slice3A_710 = vector.extract_strided_slice %mul3A_75 {offsets = [6], sizes = [1], strides = [1]} : vector<16xi32> to vector<1xi32>
      %squeeze3A_711 = vector.extract %slice3A_710[0] : i32 from vector<1xi32>
      %multiple_of3A_712 = tpu.assume_multiple %squeeze3A_711, 128 : i32
      %dma_start3A_713 = arith.constant 2 : i32
      %dma_start3A_714 = arith.constant 0 : i32
      %dma_start3A_715 = arith.constant 0 : i32
      %dma_start3A_716 = tpu.memref_slice %arg9[%dma_start3A_713, %dma_start3A_714, %dma_start3A_715] : memref<4x64x128xf32, #tpu.memory_space<vmem>> -> memref<1x64x128xf32, #tpu.memory_space<vmem>>
      %dma_start3A_717 = tpu.memref_squeeze %dma_start3A_716 : memref<1x64x128xf32, #tpu.memory_space<vmem>> -> memref<64x128xf32, #tpu.memory_space<vmem>>
      %dma_start3A_718 = arith.constant 0 : i32
      %dma_start3A_719 = tpu.memref_slice %arg4[%dma_start3A_718, %multiple_of3A_709] : memref<64x1000000xf32, #tpu.memory_space<hbm>> -> memref<64x128xf32, #tpu.memory_space<hbm>>
      %dma_start3A_720 = arith.constant 0 : i32
      %dma_start3A_721 = arith.constant 0 : i32
      %dma_start3A_722 = tpu.memref_slice %arg9[%dma_start3A_713, %dma_start3A_720, %dma_start3A_721] : memref<4x64x128xf32, #tpu.memory_space<vmem>> -> memref<1x64x128xf32, #tpu.memory_space<vmem>>
      %dma_start3A_723 = tpu.memref_squeeze %dma_start3A_722 : memref<1x64x128xf32, #tpu.memory_space<vmem>> -> memref<64x128xf32, #tpu.memory_space<vmem>>
      %dma_start3A_724 = arith.constant 0 : i32
      %dma_start3A_725 = tpu.memref_slice %arg4[%dma_start3A_724, %multiple_of3A_709] : memref<64x1000000xf32, #tpu.memory_space<hbm>> -> memref<64x128xf32, #tpu.memory_space<hbm>>
      tpu.enqueue_dma source(%dma_start3A_725 : memref<64x128xf32, #tpu.memory_space<hbm>>) target(%dma_start3A_723 : memref<64x128xf32, #tpu.memory_space<vmem>>) target_semaphore(%arg12 : memref<!tpu.dma_semaphore, #tpu.memory_space<semaphore_mem>>)
      %dma_start3A_726 = arith.constant 2 : i32
      %dma_start3A_727 = arith.constant 0 : i32
      %dma_start3A_728 = arith.constant 0 : i32
      %dma_start3A_729 = tpu.memref_slice %arg10[%dma_start3A_726, %dma_start3A_727, %dma_start3A_728] : memref<4x64x128xf32, #tpu.memory_space<vmem>> -> memref<1x64x128xf32, #tpu.memory_space<vmem>>
      %dma_start3A_730 = tpu.memref_squeeze %dma_start3A_729 : memref<1x64x128xf32, #tpu.memory_space<vmem>> -> memref<64x128xf32, #tpu.memory_space<vmem>>
      %dma_start3A_731 = arith.constant 0 : i32
      %dma_start3A_732 = tpu.memref_slice %arg5[%dma_start3A_731, %multiple_of3A_712] : memref<64x1000000xf32, #tpu.memory_space<hbm>> -> memref<64x128xf32, #tpu.memory_space<hbm>>
      %dma_start3A_733 = arith.constant 0 : i32
      %dma_start3A_734 = arith.constant 0 : i32
      %dma_start3A_735 = tpu.memref_slice %arg10[%dma_start3A_726, %dma_start3A_733, %dma_start3A_734] : memref<4x64x128xf32, #tpu.memory_space<vmem>> -> memref<1x64x128xf32, #tpu.memory_space<vmem>>
      %dma_start3A_736 = tpu.memref_squeeze %dma_start3A_735 : memref<1x64x128xf32, #tpu.memory_space<vmem>> -> memref<64x128xf32, #tpu.memory_space<vmem>>
      %dma_start3A_737 = arith.constant 0 : i32
      %dma_start3A_738 = tpu.memref_slice %arg5[%dma_start3A_737, %multiple_of3A_712] : memref<64x1000000xf32, #tpu.memory_space<hbm>> -> memref<64x128xf32, #tpu.memory_space<hbm>>
      tpu.enqueue_dma source(%dma_start3A_738 : memref<64x128xf32, #tpu.memory_space<hbm>>) target(%dma_start3A_736 : memref<64x128xf32, #tpu.memory_space<vmem>>) target_semaphore(%arg12 : memref<!tpu.dma_semaphore, #tpu.memory_space<semaphore_mem>>)
      %slice3A_739 = vector.extract_strided_slice %mul3A_41 {offsets = [7], sizes = [1], strides = [1]} : vector<16xi32> to vector<1xi32>
      %squeeze3A_740 = vector.extract %slice3A_739[0] : i32 from vector<1xi32>
      %multiple_of3A_741 = tpu.assume_multiple %squeeze3A_740, 128 : i32
      %slice3A_742 = vector.extract_strided_slice %mul3A_75 {offsets = [7], sizes = [1], strides = [1]} : vector<16xi32> to vector<1xi32>
      %squeeze3A_743 = vector.extract %slice3A_742[0] : i32 from vector<1xi32>
      %multiple_of3A_744 = tpu.assume_multiple %squeeze3A_743, 128 : i32
      %dma_start3A_745 = arith.constant 3 : i32
      %dma_start3A_746 = arith.constant 0 : i32
      %dma_start3A_747 = arith.constant 0 : i32
      %dma_start3A_748 = tpu.memref_slice %arg9[%dma_start3A_745, %dma_start3A_746, %dma_start3A_747] : memref<4x64x128xf32, #tpu.memory_space<vmem>> -> memref<1x64x128xf32, #tpu.memory_space<vmem>>
      %dma_start3A_749 = tpu.memref_squeeze %dma_start3A_748 : memref<1x64x128xf32, #tpu.memory_space<vmem>> -> memref<64x128xf32, #tpu.memory_space<vmem>>
      %dma_start3A_750 = arith.constant 0 : i32
      %dma_start3A_751 = tpu.memref_slice %arg4[%dma_start3A_750, %multiple_of3A_741] : memref<64x1000000xf32, #tpu.memory_space<hbm>> -> memref<64x128xf32, #tpu.memory_space<hbm>>
      %dma_start3A_752 = arith.constant 0 : i32
      %dma_start3A_753 = arith.constant 0 : i32
      %dma_start3A_754 = tpu.memref_slice %arg9[%dma_start3A_745, %dma_start3A_752, %dma_start3A_753] : memref<4x64x128xf32, #tpu.memory_space<vmem>> -> memref<1x64x128xf32, #tpu.memory_space<vmem>>
      %dma_start3A_755 = tpu.memref_squeeze %dma_start3A_754 : memref<1x64x128xf32, #tpu.memory_space<vmem>> -> memref<64x128xf32, #tpu.memory_space<vmem>>
      %dma_start3A_756 = arith.constant 0 : i32
      %dma_start3A_757 = tpu.memref_slice %arg4[%dma_start3A_756, %multiple_of3A_741] : memref<64x1000000xf32, #tpu.memory_space<hbm>> -> memref<64x128xf32, #tpu.memory_space<hbm>>
      tpu.enqueue_dma source(%dma_start3A_757 : memref<64x128xf32, #tpu.memory_space<hbm>>) target(%dma_start3A_755 : memref<64x128xf32, #tpu.memory_space<vmem>>) target_semaphore(%arg12 : memref<!tpu.dma_semaphore, #tpu.memory_space<semaphore_mem>>)
      %dma_start3A_758 = arith.constant 3 : i32
      %dma_start3A_759 = arith.constant 0 : i32
      %dma_start3A_760 = arith.constant 0 : i32
      %dma_start3A_761 = tpu.memref_slice %arg10[%dma_start3A_758, %dma_start3A_759, %dma_start3A_760] : memref<4x64x128xf32, #tpu.memory_space<vmem>> -> memref<1x64x128xf32, #tpu.memory_space<vmem>>
      %dma_start3A_762 = tpu.memref_squeeze %dma_start3A_761 : memref<1x64x128xf32, #tpu.memory_space<vmem>> -> memref<64x128xf32, #tpu.memory_space<vmem>>
      %dma_start3A_763 = arith.constant 0 : i32
      %dma_start3A_764 = tpu.memref_slice %arg5[%dma_start3A_763, %multiple_of3A_744] : memref<64x1000000xf32, #tpu.memory_space<hbm>> -> memref<64x128xf32, #tpu.memory_space<hbm>>
      %dma_start3A_765 = arith.constant 0 : i32
      %dma_start3A_766 = arith.constant 0 : i32
      %dma_start3A_767 = tpu.memref_slice %arg10[%dma_start3A_758, %dma_start3A_765, %dma_start3A_766] : memref<4x64x128xf32, #tpu.memory_space<vmem>> -> memref<1x64x128xf32, #tpu.memory_space<vmem>>
      %dma_start3A_768 = tpu.memref_squeeze %dma_start3A_767 : memref<1x64x128xf32, #tpu.memory_space<vmem>> -> memref<64x128xf32, #tpu.memory_space<vmem>>
      %dma_start3A_769 = arith.constant 0 : i32
      %dma_start3A_770 = tpu.memref_slice %arg5[%dma_start3A_769, %multiple_of3A_744] : memref<64x1000000xf32, #tpu.memory_space<hbm>> -> memref<64x128xf32, #tpu.memory_space<hbm>>
      tpu.enqueue_dma source(%dma_start3A_770 : memref<64x128xf32, #tpu.memory_space<hbm>>) target(%dma_start3A_768 : memref<64x128xf32, #tpu.memory_space<vmem>>) target_semaphore(%arg12 : memref<!tpu.dma_semaphore, #tpu.memory_space<semaphore_mem>>)
      %dma_wait3A_771 = arith.constant 0 : i32
      %dma_wait3A_772 = arith.constant 0 : i32
      %dma_wait3A_773 = arith.constant 0 : i32
      %dma_wait3A_774 = tpu.memref_slice %arg9[%dma_wait3A_771, %dma_wait3A_772, %dma_wait3A_773] : memref<4x64x128xf32, #tpu.memory_space<vmem>> -> memref<1x64x128xf32, #tpu.memory_space<vmem>>
      %dma_wait3A_775 = tpu.memref_squeeze %dma_wait3A_774 : memref<1x64x128xf32, #tpu.memory_space<vmem>> -> memref<64x128xf32, #tpu.memory_space<vmem>>
      %dma_wait3A_776 = arith.constant 0 : i32
      %dma_wait3A_777 = tpu.memref_slice %arg4[%dma_wait3A_776, %multiple_of3A_645] : memref<64x1000000xf32, #tpu.memory_space<hbm>> -> memref<64x128xf32, #tpu.memory_space<hbm>>
      %dma_wait3A_778 = arith.constant 0 : i32
      %dma_wait3A_779 = arith.constant 0 : i32
      %dma_wait3A_780 = tpu.memref_slice %arg9[%dma_wait3A_771, %dma_wait3A_778, %dma_wait3A_779] : memref<4x64x128xf32, #tpu.memory_space<vmem>> -> memref<1x64x128xf32, #tpu.memory_space<vmem>>
      %dma_wait3A_781 = tpu.memref_squeeze %dma_wait3A_780 : memref<1x64x128xf32, #tpu.memory_space<vmem>> -> memref<64x128xf32, #tpu.memory_space<vmem>>
      %dma_wait3A_782 = arith.constant 0 : i32
      %dma_wait3A_783 = tpu.memref_slice %arg4[%dma_wait3A_782, %multiple_of3A_645] : memref<64x1000000xf32, #tpu.memory_space<hbm>> -> memref<64x128xf32, #tpu.memory_space<hbm>>
      tpu.wait_dma2 semaphore(%arg12 : memref<!tpu.dma_semaphore, #tpu.memory_space<semaphore_mem>>) src(%dma_wait3A_783 : memref<64x128xf32, #tpu.memory_space<hbm>>) dst(%dma_wait3A_781 : memref<64x128xf32, #tpu.memory_space<vmem>>)
      %dma_wait3A_784 = arith.constant 0 : i32
      %dma_wait3A_785 = arith.constant 0 : i32
      %dma_wait3A_786 = arith.constant 0 : i32
      %dma_wait3A_787 = tpu.memref_slice %arg10[%dma_wait3A_784, %dma_wait3A_785, %dma_wait3A_786] : memref<4x64x128xf32, #tpu.memory_space<vmem>> -> memref<1x64x128xf32, #tpu.memory_space<vmem>>
      %dma_wait3A_788 = tpu.memref_squeeze %dma_wait3A_787 : memref<1x64x128xf32, #tpu.memory_space<vmem>> -> memref<64x128xf32, #tpu.memory_space<vmem>>
      %dma_wait3A_789 = arith.constant 0 : i32
      %dma_wait3A_790 = tpu.memref_slice %arg5[%dma_wait3A_789, %multiple_of3A_648] : memref<64x1000000xf32, #tpu.memory_space<hbm>> -> memref<64x128xf32, #tpu.memory_space<hbm>>
      %dma_wait3A_791 = arith.constant 0 : i32
      %dma_wait3A_792 = arith.constant 0 : i32
      %dma_wait3A_793 = tpu.memref_slice %arg10[%dma_wait3A_784, %dma_wait3A_791, %dma_wait3A_792] : memref<4x64x128xf32, #tpu.memory_space<vmem>> -> memref<1x64x128xf32, #tpu.memory_space<vmem>>
      %dma_wait3A_794 = tpu.memref_squeeze %dma_wait3A_793 : memref<1x64x128xf32, #tpu.memory_space<vmem>> -> memref<64x128xf32, #tpu.memory_space<vmem>>
      %dma_wait3A_795 = arith.constant 0 : i32
      %dma_wait3A_796 = tpu.memref_slice %arg5[%dma_wait3A_795, %multiple_of3A_648] : memref<64x1000000xf32, #tpu.memory_space<hbm>> -> memref<64x128xf32, #tpu.memory_space<hbm>>
      tpu.wait_dma2 semaphore(%arg12 : memref<!tpu.dma_semaphore, #tpu.memory_space<semaphore_mem>>) src(%dma_wait3A_796 : memref<64x128xf32, #tpu.memory_space<hbm>>) dst(%dma_wait3A_794 : memref<64x128xf32, #tpu.memory_space<vmem>>)
      %dma_wait3A_797 = arith.constant 1 : i32
      %dma_wait3A_798 = arith.constant 0 : i32
      %dma_wait3A_799 = arith.constant 0 : i32
      %dma_wait3A_800 = tpu.memref_slice %arg9[%dma_wait3A_797, %dma_wait3A_798, %dma_wait3A_799] : memref<4x64x128xf32, #tpu.memory_space<vmem>> -> memref<1x64x128xf32, #tpu.memory_space<vmem>>
      %dma_wait3A_801 = tpu.memref_squeeze %dma_wait3A_800 : memref<1x64x128xf32, #tpu.memory_space<vmem>> -> memref<64x128xf32, #tpu.memory_space<vmem>>
      %dma_wait3A_802 = arith.constant 0 : i32
      %dma_wait3A_803 = tpu.memref_slice %arg4[%dma_wait3A_802, %multiple_of3A_677] : memref<64x1000000xf32, #tpu.memory_space<hbm>> -> memref<64x128xf32, #tpu.memory_space<hbm>>
      %dma_wait3A_804 = arith.constant 0 : i32
      %dma_wait3A_805 = arith.constant 0 : i32
      %dma_wait3A_806 = tpu.memref_slice %arg9[%dma_wait3A_797, %dma_wait3A_804, %dma_wait3A_805] : memref<4x64x128xf32, #tpu.memory_space<vmem>> -> memref<1x64x128xf32, #tpu.memory_space<vmem>>
      %dma_wait3A_807 = tpu.memref_squeeze %dma_wait3A_806 : memref<1x64x128xf32, #tpu.memory_space<vmem>> -> memref<64x128xf32, #tpu.memory_space<vmem>>
      %dma_wait3A_808 = arith.constant 0 : i32
      %dma_wait3A_809 = tpu.memref_slice %arg4[%dma_wait3A_808, %multiple_of3A_677] : memref<64x1000000xf32, #tpu.memory_space<hbm>> -> memref<64x128xf32, #tpu.memory_space<hbm>>
      tpu.wait_dma2 semaphore(%arg12 : memref<!tpu.dma_semaphore, #tpu.memory_space<semaphore_mem>>) src(%dma_wait3A_809 : memref<64x128xf32, #tpu.memory_space<hbm>>) dst(%dma_wait3A_807 : memref<64x128xf32, #tpu.memory_space<vmem>>)
      %dma_wait3A_810 = arith.constant 1 : i32
      %dma_wait3A_811 = arith.constant 0 : i32
      %dma_wait3A_812 = arith.constant 0 : i32
      %dma_wait3A_813 = tpu.memref_slice %arg10[%dma_wait3A_810, %dma_wait3A_811, %dma_wait3A_812] : memref<4x64x128xf32, #tpu.memory_space<vmem>> -> memref<1x64x128xf32, #tpu.memory_space<vmem>>
      %dma_wait3A_814 = tpu.memref_squeeze %dma_wait3A_813 : memref<1x64x128xf32, #tpu.memory_space<vmem>> -> memref<64x128xf32, #tpu.memory_space<vmem>>
      %dma_wait3A_815 = arith.constant 0 : i32
      %dma_wait3A_816 = tpu.memref_slice %arg5[%dma_wait3A_815, %multiple_of3A_680] : memref<64x1000000xf32, #tpu.memory_space<hbm>> -> memref<64x128xf32, #tpu.memory_space<hbm>>
      %dma_wait3A_817 = arith.constant 0 : i32
      %dma_wait3A_818 = arith.constant 0 : i32
      %dma_wait3A_819 = tpu.memref_slice %arg10[%dma_wait3A_810, %dma_wait3A_817, %dma_wait3A_818] : memref<4x64x128xf32, #tpu.memory_space<vmem>> -> memref<1x64x128xf32, #tpu.memory_space<vmem>>
      %dma_wait3A_820 = tpu.memref_squeeze %dma_wait3A_819 : memref<1x64x128xf32, #tpu.memory_space<vmem>> -> memref<64x128xf32, #tpu.memory_space<vmem>>
      %dma_wait3A_821 = arith.constant 0 : i32
      %dma_wait3A_822 = tpu.memref_slice %arg5[%dma_wait3A_821, %multiple_of3A_680] : memref<64x1000000xf32, #tpu.memory_space<hbm>> -> memref<64x128xf32, #tpu.memory_space<hbm>>
      tpu.wait_dma2 semaphore(%arg12 : memref<!tpu.dma_semaphore, #tpu.memory_space<semaphore_mem>>) src(%dma_wait3A_822 : memref<64x128xf32, #tpu.memory_space<hbm>>) dst(%dma_wait3A_820 : memref<64x128xf32, #tpu.memory_space<vmem>>)
      %dma_wait3A_823 = arith.constant 2 : i32
      %dma_wait3A_824 = arith.constant 0 : i32
      %dma_wait3A_825 = arith.constant 0 : i32
      %dma_wait3A_826 = tpu.memref_slice %arg9[%dma_wait3A_823, %dma_wait3A_824, %dma_wait3A_825] : memref<4x64x128xf32, #tpu.memory_space<vmem>> -> memref<1x64x128xf32, #tpu.memory_space<vmem>>
      %dma_wait3A_827 = tpu.memref_squeeze %dma_wait3A_826 : memref<1x64x128xf32, #tpu.memory_space<vmem>> -> memref<64x128xf32, #tpu.memory_space<vmem>>
      %dma_wait3A_828 = arith.constant 0 : i32
      %dma_wait3A_829 = tpu.memref_slice %arg4[%dma_wait3A_828, %multiple_of3A_709] : memref<64x1000000xf32, #tpu.memory_space<hbm>> -> memref<64x128xf32, #tpu.memory_space<hbm>>
      %dma_wait3A_830 = arith.constant 0 : i32
      %dma_wait3A_831 = arith.constant 0 : i32
      %dma_wait3A_832 = tpu.memref_slice %arg9[%dma_wait3A_823, %dma_wait3A_830, %dma_wait3A_831] : memref<4x64x128xf32, #tpu.memory_space<vmem>> -> memref<1x64x128xf32, #tpu.memory_space<vmem>>
      %dma_wait3A_833 = tpu.memref_squeeze %dma_wait3A_832 : memref<1x64x128xf32, #tpu.memory_space<vmem>> -> memref<64x128xf32, #tpu.memory_space<vmem>>
      %dma_wait3A_834 = arith.constant 0 : i32
      %dma_wait3A_835 = tpu.memref_slice %arg4[%dma_wait3A_834, %multiple_of3A_709] : memref<64x1000000xf32, #tpu.memory_space<hbm>> -> memref<64x128xf32, #tpu.memory_space<hbm>>
      tpu.wait_dma2 semaphore(%arg12 : memref<!tpu.dma_semaphore, #tpu.memory_space<semaphore_mem>>) src(%dma_wait3A_835 : memref<64x128xf32, #tpu.memory_space<hbm>>) dst(%dma_wait3A_833 : memref<64x128xf32, #tpu.memory_space<vmem>>)
      %dma_wait3A_836 = arith.constant 2 : i32
      %dma_wait3A_837 = arith.constant 0 : i32
      %dma_wait3A_838 = arith.constant 0 : i32
      %dma_wait3A_839 = tpu.memref_slice %arg10[%dma_wait3A_836, %dma_wait3A_837, %dma_wait3A_838] : memref<4x64x128xf32, #tpu.memory_space<vmem>> -> memref<1x64x128xf32, #tpu.memory_space<vmem>>
      %dma_wait3A_840 = tpu.memref_squeeze %dma_wait3A_839 : memref<1x64x128xf32, #tpu.memory_space<vmem>> -> memref<64x128xf32, #tpu.memory_space<vmem>>
      %dma_wait3A_841 = arith.constant 0 : i32
      %dma_wait3A_842 = tpu.memref_slice %arg5[%dma_wait3A_841, %multiple_of3A_712] : memref<64x1000000xf32, #tpu.memory_space<hbm>> -> memref<64x128xf32, #tpu.memory_space<hbm>>
      %dma_wait3A_843 = arith.constant 0 : i32
      %dma_wait3A_844 = arith.constant 0 : i32
      %dma_wait3A_845 = tpu.memref_slice %arg10[%dma_wait3A_836, %dma_wait3A_843, %dma_wait3A_844] : memref<4x64x128xf32, #tpu.memory_space<vmem>> -> memref<1x64x128xf32, #tpu.memory_space<vmem>>
      %dma_wait3A_846 = tpu.memref_squeeze %dma_wait3A_845 : memref<1x64x128xf32, #tpu.memory_space<vmem>> -> memref<64x128xf32, #tpu.memory_space<vmem>>
      %dma_wait3A_847 = arith.constant 0 : i32
      %dma_wait3A_848 = tpu.memref_slice %arg5[%dma_wait3A_847, %multiple_of3A_712] : memref<64x1000000xf32, #tpu.memory_space<hbm>> -> memref<64x128xf32, #tpu.memory_space<hbm>>
      tpu.wait_dma2 semaphore(%arg12 : memref<!tpu.dma_semaphore, #tpu.memory_space<semaphore_mem>>) src(%dma_wait3A_848 : memref<64x128xf32, #tpu.memory_space<hbm>>) dst(%dma_wait3A_846 : memref<64x128xf32, #tpu.memory_space<vmem>>)
      %dma_wait3A_849 = arith.constant 3 : i32
      %dma_wait3A_850 = arith.constant 0 : i32
      %dma_wait3A_851 = arith.constant 0 : i32
      %dma_wait3A_852 = tpu.memref_slice %arg9[%dma_wait3A_849, %dma_wait3A_850, %dma_wait3A_851] : memref<4x64x128xf32, #tpu.memory_space<vmem>> -> memref<1x64x128xf32, #tpu.memory_space<vmem>>
      %dma_wait3A_853 = tpu.memref_squeeze %dma_wait3A_852 : memref<1x64x128xf32, #tpu.memory_space<vmem>> -> memref<64x128xf32, #tpu.memory_space<vmem>>
      %dma_wait3A_854 = arith.constant 0 : i32
      %dma_wait3A_855 = tpu.memref_slice %arg4[%dma_wait3A_854, %multiple_of3A_741] : memref<64x1000000xf32, #tpu.memory_space<hbm>> -> memref<64x128xf32, #tpu.memory_space<hbm>>
      %dma_wait3A_856 = arith.constant 0 : i32
      %dma_wait3A_857 = arith.constant 0 : i32
      %dma_wait3A_858 = tpu.memref_slice %arg9[%dma_wait3A_849, %dma_wait3A_856, %dma_wait3A_857] : memref<4x64x128xf32, #tpu.memory_space<vmem>> -> memref<1x64x128xf32, #tpu.memory_space<vmem>>
      %dma_wait3A_859 = tpu.memref_squeeze %dma_wait3A_858 : memref<1x64x128xf32, #tpu.memory_space<vmem>> -> memref<64x128xf32, #tpu.memory_space<vmem>>
      %dma_wait3A_860 = arith.constant 0 : i32
      %dma_wait3A_861 = tpu.memref_slice %arg4[%dma_wait3A_860, %multiple_of3A_741] : memref<64x1000000xf32, #tpu.memory_space<hbm>> -> memref<64x128xf32, #tpu.memory_space<hbm>>
      tpu.wait_dma2 semaphore(%arg12 : memref<!tpu.dma_semaphore, #tpu.memory_space<semaphore_mem>>) src(%dma_wait3A_861 : memref<64x128xf32, #tpu.memory_space<hbm>>) dst(%dma_wait3A_859 : memref<64x128xf32, #tpu.memory_space<vmem>>)
      %dma_wait3A_862 = arith.constant 3 : i32
      %dma_wait3A_863 = arith.constant 0 : i32
      %dma_wait3A_864 = arith.constant 0 : i32
      %dma_wait3A_865 = tpu.memref_slice %arg10[%dma_wait3A_862, %dma_wait3A_863, %dma_wait3A_864] : memref<4x64x128xf32, #tpu.memory_space<vmem>> -> memref<1x64x128xf32, #tpu.memory_space<vmem>>
      %dma_wait3A_866 = tpu.memref_squeeze %dma_wait3A_865 : memref<1x64x128xf32, #tpu.memory_space<vmem>> -> memref<64x128xf32, #tpu.memory_space<vmem>>
      %dma_wait3A_867 = arith.constant 0 : i32
      %dma_wait3A_868 = tpu.memref_slice %arg5[%dma_wait3A_867, %multiple_of3A_744] : memref<64x1000000xf32, #tpu.memory_space<hbm>> -> memref<64x128xf32, #tpu.memory_space<hbm>>
      %dma_wait3A_869 = arith.constant 0 : i32
      %dma_wait3A_870 = arith.constant 0 : i32
      %dma_wait3A_871 = tpu.memref_slice %arg10[%dma_wait3A_862, %dma_wait3A_869, %dma_wait3A_870] : memref<4x64x128xf32, #tpu.memory_space<vmem>> -> memref<1x64x128xf32, #tpu.memory_space<vmem>>
      %dma_wait3A_872 = tpu.memref_squeeze %dma_wait3A_871 : memref<1x64x128xf32, #tpu.memory_space<vmem>> -> memref<64x128xf32, #tpu.memory_space<vmem>>
      %dma_wait3A_873 = arith.constant 0 : i32
      %dma_wait3A_874 = tpu.memref_slice %arg5[%dma_wait3A_873, %multiple_of3A_744] : memref<64x1000000xf32, #tpu.memory_space<hbm>> -> memref<64x128xf32, #tpu.memory_space<hbm>>
      tpu.wait_dma2 semaphore(%arg12 : memref<!tpu.dma_semaphore, #tpu.memory_space<semaphore_mem>>) src(%dma_wait3A_874 : memref<64x128xf32, #tpu.memory_space<hbm>>) dst(%dma_wait3A_872 : memref<64x128xf32, #tpu.memory_space<vmem>>)
      %slice3A_875 = vector.extract_strided_slice %sub3A_76 {offsets = [4], sizes = [1], strides = [1]} : vector<16xi32> to vector<1xi32>
      %squeeze3A_876 = vector.extract %slice3A_875[0] : i32 from vector<1xi32>
      %broadcast_in_dim3A_877 = vector.broadcast %squeeze3A_876 : i32 to vector<16xi32>
      %slice3A_878 = vector.extract_strided_slice %sub3A_77 {offsets = [4], sizes = [1], strides = [1]} : vector<16xi32> to vector<1xi32>
      %squeeze3A_879 = vector.extract %slice3A_878[0] : i32 from vector<1xi32>
      %broadcast_in_dim3A_880 = vector.broadcast %squeeze3A_879 : i32 to vector<16xi32>
      %broadcast_in_dim3A_881 = arith.constant 0.000000e+00 : f32
      %broadcast_in_dim3A_882 = vector.broadcast %broadcast_in_dim3A_881 : f32 to vector<16xf32>
      %add3A_883 = arith.constant 0 : i32
      %add3A_884 = vector.broadcast %add3A_883 : i32 to vector<16xi32>
      %add3A_885 = arith.addi %add3A_884, %iota3A : vector<16xi32>
      %gather3A_886 = arith.constant 0 : i32
      %gather3A_887 = arith.constant 0 : i32
      %gather3A_888 = arith.constant 0 : i32
      %gather3A_889 = tpu.memref_slice %arg9[%gather3A_886, %gather3A_887, %gather3A_888] : memref<4x64x128xf32, #tpu.memory_space<vmem>> -> memref<1x64x128xf32, #tpu.memory_space<vmem>>
      %gather3A_890 = tpu.memref_squeeze %gather3A_889 : memref<1x64x128xf32, #tpu.memory_space<vmem>> -> memref<64x128xf32, #tpu.memory_space<vmem>>
      %gather3A_891 = tpu.vector_load_idx %gather3A_890[%add3A_885, %broadcast_in_dim3A_877] : memref<64x128xf32, #tpu.memory_space<vmem>>[vector<16xi32>, vector<16xi32>], vector<16xf32>,
      %gather3A_892 = arith.constant 0 : i32
      %gather3A_893 = arith.constant 0 : i32
      %gather3A_894 = arith.constant 0 : i32
      %gather3A_895 = tpu.memref_slice %arg10[%gather3A_892, %gather3A_893, %gather3A_894] : memref<4x64x128xf32, #tpu.memory_space<vmem>> -> memref<1x64x128xf32, #tpu.memory_space<vmem>>
      %gather3A_896 = tpu.memref_squeeze %gather3A_895 : memref<1x64x128xf32, #tpu.memory_space<vmem>> -> memref<64x128xf32, #tpu.memory_space<vmem>>
      %gather3A_897 = tpu.vector_load_idx %gather3A_896[%add3A_885, %broadcast_in_dim3A_880] : memref<64x128xf32, #tpu.memory_space<vmem>>[vector<16xi32>, vector<16xi32>], vector<16xf32>,
      %mul3A_898 = arith.mulf %gather3A_891, %gather3A_897 : vector<16xf32>
      %add3A_899 = arith.addf %broadcast_in_dim3A_882, %mul3A_898 : vector<16xf32>
      %add3A_900 = arith.constant 16 : i32
      %add3A_901 = vector.broadcast %add3A_900 : i32 to vector<16xi32>
      %add3A_902 = arith.addi %add3A_901, %iota3A : vector<16xi32>
      %gather3A_903 = arith.constant 0 : i32
      %gather3A_904 = arith.constant 0 : i32
      %gather3A_905 = arith.constant 0 : i32
      %gather3A_906 = tpu.memref_slice %arg9[%gather3A_903, %gather3A_904, %gather3A_905] : memref<4x64x128xf32, #tpu.memory_space<vmem>> -> memref<1x64x128xf32, #tpu.memory_space<vmem>>
      %gather3A_907 = tpu.memref_squeeze %gather3A_906 : memref<1x64x128xf32, #tpu.memory_space<vmem>> -> memref<64x128xf32, #tpu.memory_space<vmem>>
      %gather3A_908 = tpu.vector_load_idx %gather3A_907[%add3A_902, %broadcast_in_dim3A_877] : memref<64x128xf32, #tpu.memory_space<vmem>>[vector<16xi32>, vector<16xi32>], vector<16xf32>,
      %gather3A_909 = arith.constant 0 : i32
      %gather3A_910 = arith.constant 0 : i32
      %gather3A_911 = arith.constant 0 : i32
      %gather3A_912 = tpu.memref_slice %arg10[%gather3A_909, %gather3A_910, %gather3A_911] : memref<4x64x128xf32, #tpu.memory_space<vmem>> -> memref<1x64x128xf32, #tpu.memory_space<vmem>>
      %gather3A_913 = tpu.memref_squeeze %gather3A_912 : memref<1x64x128xf32, #tpu.memory_space<vmem>> -> memref<64x128xf32, #tpu.memory_space<vmem>>
      %gather3A_914 = tpu.vector_load_idx %gather3A_913[%add3A_902, %broadcast_in_dim3A_880] : memref<64x128xf32, #tpu.memory_space<vmem>>[vector<16xi32>, vector<16xi32>], vector<16xf32>,
      %mul3A_915 = arith.mulf %gather3A_908, %gather3A_914 : vector<16xf32>
      %add3A_916 = arith.addf %add3A_899, %mul3A_915 : vector<16xf32>
      %add3A_917 = arith.constant 32 : i32
      %add3A_918 = vector.broadcast %add3A_917 : i32 to vector<16xi32>
      %add3A_919 = arith.addi %add3A_918, %iota3A : vector<16xi32>
      %gather3A_920 = arith.constant 0 : i32
      %gather3A_921 = arith.constant 0 : i32
      %gather3A_922 = arith.constant 0 : i32
      %gather3A_923 = tpu.memref_slice %arg9[%gather3A_920, %gather3A_921, %gather3A_922] : memref<4x64x128xf32, #tpu.memory_space<vmem>> -> memref<1x64x128xf32, #tpu.memory_space<vmem>>
      %gather3A_924 = tpu.memref_squeeze %gather3A_923 : memref<1x64x128xf32, #tpu.memory_space<vmem>> -> memref<64x128xf32, #tpu.memory_space<vmem>>
      %gather3A_925 = tpu.vector_load_idx %gather3A_924[%add3A_919, %broadcast_in_dim3A_877] : memref<64x128xf32, #tpu.memory_space<vmem>>[vector<16xi32>, vector<16xi32>], vector<16xf32>,
      %gather3A_926 = arith.constant 0 : i32
      %gather3A_927 = arith.constant 0 : i32
      %gather3A_928 = arith.constant 0 : i32
      %gather3A_929 = tpu.memref_slice %arg10[%gather3A_926, %gather3A_927, %gather3A_928] : memref<4x64x128xf32, #tpu.memory_space<vmem>> -> memref<1x64x128xf32, #tpu.memory_space<vmem>>
      %gather3A_930 = tpu.memref_squeeze %gather3A_929 : memref<1x64x128xf32, #tpu.memory_space<vmem>> -> memref<64x128xf32, #tpu.memory_space<vmem>>
      %gather3A_931 = tpu.vector_load_idx %gather3A_930[%add3A_919, %broadcast_in_dim3A_880] : memref<64x128xf32, #tpu.memory_space<vmem>>[vector<16xi32>, vector<16xi32>], vector<16xf32>,
      %mul3A_932 = arith.mulf %gather3A_925, %gather3A_931 : vector<16xf32>
      %add3A_933 = arith.addf %add3A_916, %mul3A_932 : vector<16xf32>
      %add3A_934 = arith.constant 48 : i32
      %add3A_935 = vector.broadcast %add3A_934 : i32 to vector<16xi32>
      %add3A_936 = arith.addi %add3A_935, %iota3A : vector<16xi32>
      %gather3A_937 = arith.constant 0 : i32
      %gather3A_938 = arith.constant 0 : i32
      %gather3A_939 = arith.constant 0 : i32
      %gather3A_940 = tpu.memref_slice %arg9[%gather3A_937, %gather3A_938, %gather3A_939] : memref<4x64x128xf32, #tpu.memory_space<vmem>> -> memref<1x64x128xf32, #tpu.memory_space<vmem>>
      %gather3A_941 = tpu.memref_squeeze %gather3A_940 : memref<1x64x128xf32, #tpu.memory_space<vmem>> -> memref<64x128xf32, #tpu.memory_space<vmem>>
      %gather3A_942 = tpu.vector_load_idx %gather3A_941[%add3A_936, %broadcast_in_dim3A_877] : memref<64x128xf32, #tpu.memory_space<vmem>>[vector<16xi32>, vector<16xi32>], vector<16xf32>,
      %gather3A_943 = arith.constant 0 : i32
      %gather3A_944 = arith.constant 0 : i32
      %gather3A_945 = arith.constant 0 : i32
      %gather3A_946 = tpu.memref_slice %arg10[%gather3A_943, %gather3A_944, %gather3A_945] : memref<4x64x128xf32, #tpu.memory_space<vmem>> -> memref<1x64x128xf32, #tpu.memory_space<vmem>>
      %gather3A_947 = tpu.memref_squeeze %gather3A_946 : memref<1x64x128xf32, #tpu.memory_space<vmem>> -> memref<64x128xf32, #tpu.memory_space<vmem>>
      %gather3A_948 = tpu.vector_load_idx %gather3A_947[%add3A_936, %broadcast_in_dim3A_880] : memref<64x128xf32, #tpu.memory_space<vmem>>[vector<16xi32>, vector<16xi32>], vector<16xf32>,
      %mul3A_949 = arith.mulf %gather3A_942, %gather3A_948 : vector<16xf32>
      %add3A_950 = arith.addf %add3A_933, %mul3A_949 : vector<16xf32>
      %reduce_sum3A_951 = arith.constant true
      %reduce_sum3A_952 = vector.broadcast %reduce_sum3A_951 : i1 to vector<16xi1>
      %reduce_sum3A_953 = tpu.scan <sum>, %add3A_950 masked %reduce_sum3A_952 : vector<16xf32>, vector<16xi1> -> vector<16xf32>
      %reduce_sum3A_954 = vector.extract %reduce_sum3A_953[15] : f32 from vector<16xf32>
      %eq3A_955 = arith.constant 4 : i32
      %eq3A_956 = vector.broadcast %eq3A_955 : i32 to vector<16xi32>
      %eq3A_957 = arith.cmpi eq, %iota3A, %eq3A_956 : vector<16xi32>
      %broadcast_in_dim3A_958 = vector.broadcast %reduce_sum3A_954 : f32 to vector<16xf32>
      %select_n3A_959 = arith.select %eq3A_957, %broadcast_in_dim3A_958, %select_n3A_642 : vector<16xi1>, vector<16xf32>
      %slice3A_960 = vector.extract_strided_slice %sub3A_76 {offsets = [5], sizes = [1], strides = [1]} : vector<16xi32> to vector<1xi32>
      %squeeze3A_961 = vector.extract %slice3A_960[0] : i32 from vector<1xi32>
      %broadcast_in_dim3A_962 = vector.broadcast %squeeze3A_961 : i32 to vector<16xi32>
      %slice3A_963 = vector.extract_strided_slice %sub3A_77 {offsets = [5], sizes = [1], strides = [1]} : vector<16xi32> to vector<1xi32>
      %squeeze3A_964 = vector.extract %slice3A_963[0] : i32 from vector<1xi32>
      %broadcast_in_dim3A_965 = vector.broadcast %squeeze3A_964 : i32 to vector<16xi32>
      %broadcast_in_dim3A_966 = arith.constant 0.000000e+00 : f32
      %broadcast_in_dim3A_967 = vector.broadcast %broadcast_in_dim3A_966 : f32 to vector<16xf32>
      %add3A_968 = arith.constant 0 : i32
      %add3A_969 = vector.broadcast %add3A_968 : i32 to vector<16xi32>
      %add3A_970 = arith.addi %add3A_969, %iota3A : vector<16xi32>
      %gather3A_971 = arith.constant 1 : i32
      %gather3A_972 = arith.constant 0 : i32
      %gather3A_973 = arith.constant 0 : i32
      %gather3A_974 = tpu.memref_slice %arg9[%gather3A_971, %gather3A_972, %gather3A_973] : memref<4x64x128xf32, #tpu.memory_space<vmem>> -> memref<1x64x128xf32, #tpu.memory_space<vmem>>
      %gather3A_975 = tpu.memref_squeeze %gather3A_974 : memref<1x64x128xf32, #tpu.memory_space<vmem>> -> memref<64x128xf32, #tpu.memory_space<vmem>>
      %gather3A_976 = tpu.vector_load_idx %gather3A_975[%add3A_970, %broadcast_in_dim3A_962] : memref<64x128xf32, #tpu.memory_space<vmem>>[vector<16xi32>, vector<16xi32>], vector<16xf32>,
      %gather3A_977 = arith.constant 1 : i32
      %gather3A_978 = arith.constant 0 : i32
      %gather3A_979 = arith.constant 0 : i32
      %gather3A_980 = tpu.memref_slice %arg10[%gather3A_977, %gather3A_978, %gather3A_979] : memref<4x64x128xf32, #tpu.memory_space<vmem>> -> memref<1x64x128xf32, #tpu.memory_space<vmem>>
      %gather3A_981 = tpu.memref_squeeze %gather3A_980 : memref<1x64x128xf32, #tpu.memory_space<vmem>> -> memref<64x128xf32, #tpu.memory_space<vmem>>
      %gather3A_982 = tpu.vector_load_idx %gather3A_981[%add3A_970, %broadcast_in_dim3A_965] : memref<64x128xf32, #tpu.memory_space<vmem>>[vector<16xi32>, vector<16xi32>], vector<16xf32>,
      %mul3A_983 = arith.mulf %gather3A_976, %gather3A_982 : vector<16xf32>
      %add3A_984 = arith.addf %broadcast_in_dim3A_967, %mul3A_983 : vector<16xf32>
      %add3A_985 = arith.constant 16 : i32
      %add3A_986 = vector.broadcast %add3A_985 : i32 to vector<16xi32>
      %add3A_987 = arith.addi %add3A_986, %iota3A : vector<16xi32>
      %gather3A_988 = arith.constant 1 : i32
      %gather3A_989 = arith.constant 0 : i32
      %gather3A_990 = arith.constant 0 : i32
      %gather3A_991 = tpu.memref_slice %arg9[%gather3A_988, %gather3A_989, %gather3A_990] : memref<4x64x128xf32, #tpu.memory_space<vmem>> -> memref<1x64x128xf32, #tpu.memory_space<vmem>>
      %gather3A_992 = tpu.memref_squeeze %gather3A_991 : memref<1x64x128xf32, #tpu.memory_space<vmem>> -> memref<64x128xf32, #tpu.memory_space<vmem>>
      %gather3A_993 = tpu.vector_load_idx %gather3A_992[%add3A_987, %broadcast_in_dim3A_962] : memref<64x128xf32, #tpu.memory_space<vmem>>[vector<16xi32>, vector<16xi32>], vector<16xf32>,
      %gather3A_994 = arith.constant 1 : i32
      %gather3A_995 = arith.constant 0 : i32
      %gather3A_996 = arith.constant 0 : i32
      %gather3A_997 = tpu.memref_slice %arg10[%gather3A_994, %gather3A_995, %gather3A_996] : memref<4x64x128xf32, #tpu.memory_space<vmem>> -> memref<1x64x128xf32, #tpu.memory_space<vmem>>
      %gather3A_998 = tpu.memref_squeeze %gather3A_997 : memref<1x64x128xf32, #tpu.memory_space<vmem>> -> memref<64x128xf32, #tpu.memory_space<vmem>>
      %gather3A_999 = tpu.vector_load_idx %gather3A_998[%add3A_987, %broadcast_in_dim3A_965] : memref<64x128xf32, #tpu.memory_space<vmem>>[vector<16xi32>, vector<16xi32>], vector<16xf32>,
      %mul3A_1000 = arith.mulf %gather3A_993, %gather3A_999 : vector<16xf32>
      %add3A_1001 = arith.addf %add3A_984, %mul3A_1000 : vector<16xf32>
      %add3A_1002 = arith.constant 32 : i32
      %add3A_1003 = vector.broadcast %add3A_1002 : i32 to vector<16xi32>
      %add3A_1004 = arith.addi %add3A_1003, %iota3A : vector<16xi32>
      %gather3A_1005 = arith.constant 1 : i32
      %gather3A_1006 = arith.constant 0 : i32
      %gather3A_1007 = arith.constant 0 : i32
      %gather3A_1008 = tpu.memref_slice %arg9[%gather3A_1005, %gather3A_1006, %gather3A_1007] : memref<4x64x128xf32, #tpu.memory_space<vmem>> -> memref<1x64x128xf32, #tpu.memory_space<vmem>>
      %gather3A_1009 = tpu.memref_squeeze %gather3A_1008 : memref<1x64x128xf32, #tpu.memory_space<vmem>> -> memref<64x128xf32, #tpu.memory_space<vmem>>
      %gather3A_1010 = tpu.vector_load_idx %gather3A_1009[%add3A_1004, %broadcast_in_dim3A_962] : memref<64x128xf32, #tpu.memory_space<vmem>>[vector<16xi32>, vector<16xi32>], vector<16xf32>,
      %gather3A_1011 = arith.constant 1 : i32
      %gather3A_1012 = arith.constant 0 : i32
      %gather3A_1013 = arith.constant 0 : i32
      %gather3A_1014 = tpu.memref_slice %arg10[%gather3A_1011, %gather3A_1012, %gather3A_1013] : memref<4x64x128xf32, #tpu.memory_space<vmem>> -> memref<1x64x128xf32, #tpu.memory_space<vmem>>
      %gather3A_1015 = tpu.memref_squeeze %gather3A_1014 : memref<1x64x128xf32, #tpu.memory_space<vmem>> -> memref<64x128xf32, #tpu.memory_space<vmem>>
      %gather3A_1016 = tpu.vector_load_idx %gather3A_1015[%add3A_1004, %broadcast_in_dim3A_965] : memref<64x128xf32, #tpu.memory_space<vmem>>[vector<16xi32>, vector<16xi32>], vector<16xf32>,
      %mul3A_1017 = arith.mulf %gather3A_1010, %gather3A_1016 : vector<16xf32>
      %add3A_1018 = arith.addf %add3A_1001, %mul3A_1017 : vector<16xf32>
      %add3A_1019 = arith.constant 48 : i32
      %add3A_1020 = vector.broadcast %add3A_1019 : i32 to vector<16xi32>
      %add3A_1021 = arith.addi %add3A_1020, %iota3A : vector<16xi32>
      %gather3A_1022 = arith.constant 1 : i32
      %gather3A_1023 = arith.constant 0 : i32
      %gather3A_1024 = arith.constant 0 : i32
      %gather3A_1025 = tpu.memref_slice %arg9[%gather3A_1022, %gather3A_1023, %gather3A_1024] : memref<4x64x128xf32, #tpu.memory_space<vmem>> -> memref<1x64x128xf32, #tpu.memory_space<vmem>>
      %gather3A_1026 = tpu.memref_squeeze %gather3A_1025 : memref<1x64x128xf32, #tpu.memory_space<vmem>> -> memref<64x128xf32, #tpu.memory_space<vmem>>
      %gather3A_1027 = tpu.vector_load_idx %gather3A_1026[%add3A_1021, %broadcast_in_dim3A_962] : memref<64x128xf32, #tpu.memory_space<vmem>>[vector<16xi32>, vector<16xi32>], vector<16xf32>,
      %gather3A_1028 = arith.constant 1 : i32
      %gather3A_1029 = arith.constant 0 : i32
      %gather3A_1030 = arith.constant 0 : i32
      %gather3A_1031 = tpu.memref_slice %arg10[%gather3A_1028, %gather3A_1029, %gather3A_1030] : memref<4x64x128xf32, #tpu.memory_space<vmem>> -> memref<1x64x128xf32, #tpu.memory_space<vmem>>
      %gather3A_1032 = tpu.memref_squeeze %gather3A_1031 : memref<1x64x128xf32, #tpu.memory_space<vmem>> -> memref<64x128xf32, #tpu.memory_space<vmem>>
      %gather3A_1033 = tpu.vector_load_idx %gather3A_1032[%add3A_1021, %broadcast_in_dim3A_965] : memref<64x128xf32, #tpu.memory_space<vmem>>[vector<16xi32>, vector<16xi32>], vector<16xf32>,
      %mul3A_1034 = arith.mulf %gather3A_1027, %gather3A_1033 : vector<16xf32>
      %add3A_1035 = arith.addf %add3A_1018, %mul3A_1034 : vector<16xf32>
      %reduce_sum3A_1036 = arith.constant true
      %reduce_sum3A_1037 = vector.broadcast %reduce_sum3A_1036 : i1 to vector<16xi1>
      %reduce_sum3A_1038 = tpu.scan <sum>, %add3A_1035 masked %reduce_sum3A_1037 : vector<16xf32>, vector<16xi1> -> vector<16xf32>
      %reduce_sum3A_1039 = vector.extract %reduce_sum3A_1038[15] : f32 from vector<16xf32>
      %eq3A_1040 = arith.constant 5 : i32
      %eq3A_1041 = vector.broadcast %eq3A_1040 : i32 to vector<16xi32>
      %eq3A_1042 = arith.cmpi eq, %iota3A, %eq3A_1041 : vector<16xi32>
      %broadcast_in_dim3A_1043 = vector.broadcast %reduce_sum3A_1039 : f32 to vector<16xf32>
      %select_n3A_1044 = arith.select %eq3A_1042, %broadcast_in_dim3A_1043, %select_n3A_959 : vector<16xi1>, vector<16xf32>
      %slice3A_1045 = vector.extract_strided_slice %sub3A_76 {offsets = [6], sizes = [1], strides = [1]} : vector<16xi32> to vector<1xi32>
      %squeeze3A_1046 = vector.extract %slice3A_1045[0] : i32 from vector<1xi32>
      %broadcast_in_dim3A_1047 = vector.broadcast %squeeze3A_1046 : i32 to vector<16xi32>
      %slice3A_1048 = vector.extract_strided_slice %sub3A_77 {offsets = [6], sizes = [1], strides = [1]} : vector<16xi32> to vector<1xi32>
      %squeeze3A_1049 = vector.extract %slice3A_1048[0] : i32 from vector<1xi32>
      %broadcast_in_dim3A_1050 = vector.broadcast %squeeze3A_1049 : i32 to vector<16xi32>
      %broadcast_in_dim3A_1051 = arith.constant 0.000000e+00 : f32
      %broadcast_in_dim3A_1052 = vector.broadcast %broadcast_in_dim3A_1051 : f32 to vector<16xf32>
      %add3A_1053 = arith.constant 0 : i32
      %add3A_1054 = vector.broadcast %add3A_1053 : i32 to vector<16xi32>
      %add3A_1055 = arith.addi %add3A_1054, %iota3A : vector<16xi32>
      %gather3A_1056 = arith.constant 2 : i32
      %gather3A_1057 = arith.constant 0 : i32
      %gather3A_1058 = arith.constant 0 : i32
      %gather3A_1059 = tpu.memref_slice %arg9[%gather3A_1056, %gather3A_1057, %gather3A_1058] : memref<4x64x128xf32, #tpu.memory_space<vmem>> -> memref<1x64x128xf32, #tpu.memory_space<vmem>>
      %gather3A_1060 = tpu.memref_squeeze %gather3A_1059 : memref<1x64x128xf32, #tpu.memory_space<vmem>> -> memref<64x128xf32, #tpu.memory_space<vmem>>
      %gather3A_1061 = tpu.vector_load_idx %gather3A_1060[%add3A_1055, %broadcast_in_dim3A_1047] : memref<64x128xf32, #tpu.memory_space<vmem>>[vector<16xi32>, vector<16xi32>], vector<16xf32>,
      %gather3A_1062 = arith.constant 2 : i32
      %gather3A_1063 = arith.constant 0 : i32
      %gather3A_1064 = arith.constant 0 : i32
      %gather3A_1065 = tpu.memref_slice %arg10[%gather3A_1062, %gather3A_1063, %gather3A_1064] : memref<4x64x128xf32, #tpu.memory_space<vmem>> -> memref<1x64x128xf32, #tpu.memory_space<vmem>>
      %gather3A_1066 = tpu.memref_squeeze %gather3A_1065 : memref<1x64x128xf32, #tpu.memory_space<vmem>> -> memref<64x128xf32, #tpu.memory_space<vmem>>
      %gather3A_1067 = tpu.vector_load_idx %gather3A_1066[%add3A_1055, %broadcast_in_dim3A_1050] : memref<64x128xf32, #tpu.memory_space<vmem>>[vector<16xi32>, vector<16xi32>], vector<16xf32>,
      %mul3A_1068 = arith.mulf %gather3A_1061, %gather3A_1067 : vector<16xf32>
      %add3A_1069 = arith.addf %broadcast_in_dim3A_1052, %mul3A_1068 : vector<16xf32>
      %add3A_1070 = arith.constant 16 : i32
      %add3A_1071 = vector.broadcast %add3A_1070 : i32 to vector<16xi32>
      %add3A_1072 = arith.addi %add3A_1071, %iota3A : vector<16xi32>
      %gather3A_1073 = arith.constant 2 : i32
      %gather3A_1074 = arith.constant 0 : i32
      %gather3A_1075 = arith.constant 0 : i32
      %gather3A_1076 = tpu.memref_slice %arg9[%gather3A_1073, %gather3A_1074, %gather3A_1075] : memref<4x64x128xf32, #tpu.memory_space<vmem>> -> memref<1x64x128xf32, #tpu.memory_space<vmem>>
      %gather3A_1077 = tpu.memref_squeeze %gather3A_1076 : memref<1x64x128xf32, #tpu.memory_space<vmem>> -> memref<64x128xf32, #tpu.memory_space<vmem>>
      %gather3A_1078 = tpu.vector_load_idx %gather3A_1077[%add3A_1072, %broadcast_in_dim3A_1047] : memref<64x128xf32, #tpu.memory_space<vmem>>[vector<16xi32>, vector<16xi32>], vector<16xf32>,
      %gather3A_1079 = arith.constant 2 : i32
      %gather3A_1080 = arith.constant 0 : i32
      %gather3A_1081 = arith.constant 0 : i32
      %gather3A_1082 = tpu.memref_slice %arg10[%gather3A_1079, %gather3A_1080, %gather3A_1081] : memref<4x64x128xf32, #tpu.memory_space<vmem>> -> memref<1x64x128xf32, #tpu.memory_space<vmem>>
      %gather3A_1083 = tpu.memref_squeeze %gather3A_1082 : memref<1x64x128xf32, #tpu.memory_space<vmem>> -> memref<64x128xf32, #tpu.memory_space<vmem>>
      %gather3A_1084 = tpu.vector_load_idx %gather3A_1083[%add3A_1072, %broadcast_in_dim3A_1050] : memref<64x128xf32, #tpu.memory_space<vmem>>[vector<16xi32>, vector<16xi32>], vector<16xf32>,
      %mul3A_1085 = arith.mulf %gather3A_1078, %gather3A_1084 : vector<16xf32>
      %add3A_1086 = arith.addf %add3A_1069, %mul3A_1085 : vector<16xf32>
      %add3A_1087 = arith.constant 32 : i32
      %add3A_1088 = vector.broadcast %add3A_1087 : i32 to vector<16xi32>
      %add3A_1089 = arith.addi %add3A_1088, %iota3A : vector<16xi32>
      %gather3A_1090 = arith.constant 2 : i32
      %gather3A_1091 = arith.constant 0 : i32
      %gather3A_1092 = arith.constant 0 : i32
      %gather3A_1093 = tpu.memref_slice %arg9[%gather3A_1090, %gather3A_1091, %gather3A_1092] : memref<4x64x128xf32, #tpu.memory_space<vmem>> -> memref<1x64x128xf32, #tpu.memory_space<vmem>>
      %gather3A_1094 = tpu.memref_squeeze %gather3A_1093 : memref<1x64x128xf32, #tpu.memory_space<vmem>> -> memref<64x128xf32, #tpu.memory_space<vmem>>
      %gather3A_1095 = tpu.vector_load_idx %gather3A_1094[%add3A_1089, %broadcast_in_dim3A_1047] : memref<64x128xf32, #tpu.memory_space<vmem>>[vector<16xi32>, vector<16xi32>], vector<16xf32>,
      %gather3A_1096 = arith.constant 2 : i32
      %gather3A_1097 = arith.constant 0 : i32
      %gather3A_1098 = arith.constant 0 : i32
      %gather3A_1099 = tpu.memref_slice %arg10[%gather3A_1096, %gather3A_1097, %gather3A_1098] : memref<4x64x128xf32, #tpu.memory_space<vmem>> -> memref<1x64x128xf32, #tpu.memory_space<vmem>>
      %gather3A_1100 = tpu.memref_squeeze %gather3A_1099 : memref<1x64x128xf32, #tpu.memory_space<vmem>> -> memref<64x128xf32, #tpu.memory_space<vmem>>
      %gather3A_1101 = tpu.vector_load_idx %gather3A_1100[%add3A_1089, %broadcast_in_dim3A_1050] : memref<64x128xf32, #tpu.memory_space<vmem>>[vector<16xi32>, vector<16xi32>], vector<16xf32>,
      %mul3A_1102 = arith.mulf %gather3A_1095, %gather3A_1101 : vector<16xf32>
      %add3A_1103 = arith.addf %add3A_1086, %mul3A_1102 : vector<16xf32>
      %add3A_1104 = arith.constant 48 : i32
      %add3A_1105 = vector.broadcast %add3A_1104 : i32 to vector<16xi32>
      %add3A_1106 = arith.addi %add3A_1105, %iota3A : vector<16xi32>
      %gather3A_1107 = arith.constant 2 : i32
      %gather3A_1108 = arith.constant 0 : i32
      %gather3A_1109 = arith.constant 0 : i32
      %gather3A_1110 = tpu.memref_slice %arg9[%gather3A_1107, %gather3A_1108, %gather3A_1109] : memref<4x64x128xf32, #tpu.memory_space<vmem>> -> memref<1x64x128xf32, #tpu.memory_space<vmem>>
      %gather3A_1111 = tpu.memref_squeeze %gather3A_1110 : memref<1x64x128xf32, #tpu.memory_space<vmem>> -> memref<64x128xf32, #tpu.memory_space<vmem>>
      %gather3A_1112 = tpu.vector_load_idx %gather3A_1111[%add3A_1106, %broadcast_in_dim3A_1047] : memref<64x128xf32, #tpu.memory_space<vmem>>[vector<16xi32>, vector<16xi32>], vector<16xf32>,
      %gather3A_1113 = arith.constant 2 : i32
      %gather3A_1114 = arith.constant 0 : i32
      %gather3A_1115 = arith.constant 0 : i32
      %gather3A_1116 = tpu.memref_slice %arg10[%gather3A_1113, %gather3A_1114, %gather3A_1115] : memref<4x64x128xf32, #tpu.memory_space<vmem>> -> memref<1x64x128xf32, #tpu.memory_space<vmem>>
      %gather3A_1117 = tpu.memref_squeeze %gather3A_1116 : memref<1x64x128xf32, #tpu.memory_space<vmem>> -> memref<64x128xf32, #tpu.memory_space<vmem>>
      %gather3A_1118 = tpu.vector_load_idx %gather3A_1117[%add3A_1106, %broadcast_in_dim3A_1050] : memref<64x128xf32, #tpu.memory_space<vmem>>[vector<16xi32>, vector<16xi32>], vector<16xf32>,
      %mul3A_1119 = arith.mulf %gather3A_1112, %gather3A_1118 : vector<16xf32>
      %add3A_1120 = arith.addf %add3A_1103, %mul3A_1119 : vector<16xf32>
      %reduce_sum3A_1121 = arith.constant true
      %reduce_sum3A_1122 = vector.broadcast %reduce_sum3A_1121 : i1 to vector<16xi1>
      %reduce_sum3A_1123 = tpu.scan <sum>, %add3A_1120 masked %reduce_sum3A_1122 : vector<16xf32>, vector<16xi1> -> vector<16xf32>
      %reduce_sum3A_1124 = vector.extract %reduce_sum3A_1123[15] : f32 from vector<16xf32>
      %eq3A_1125 = arith.constant 6 : i32
      %eq3A_1126 = vector.broadcast %eq3A_1125 : i32 to vector<16xi32>
      %eq3A_1127 = arith.cmpi eq, %iota3A, %eq3A_1126 : vector<16xi32>
      %broadcast_in_dim3A_1128 = vector.broadcast %reduce_sum3A_1124 : f32 to vector<16xf32>
      %select_n3A_1129 = arith.select %eq3A_1127, %broadcast_in_dim3A_1128, %select_n3A_1044 : vector<16xi1>, vector<16xf32>
      %slice3A_1130 = vector.extract_strided_slice %sub3A_76 {offsets = [7], sizes = [1], strides = [1]} : vector<16xi32> to vector<1xi32>
      %squeeze3A_1131 = vector.extract %slice3A_1130[0] : i32 from vector<1xi32>
      %broadcast_in_dim3A_1132 = vector.broadcast %squeeze3A_1131 : i32 to vector<16xi32>
      %slice3A_1133 = vector.extract_strided_slice %sub3A_77 {offsets = [7], sizes = [1], strides = [1]} : vector<16xi32> to vector<1xi32>
      %squeeze3A_1134 = vector.extract %slice3A_1133[0] : i32 from vector<1xi32>
      %broadcast_in_dim3A_1135 = vector.broadcast %squeeze3A_1134 : i32 to vector<16xi32>
      %broadcast_in_dim3A_1136 = arith.constant 0.000000e+00 : f32
      %broadcast_in_dim3A_1137 = vector.broadcast %broadcast_in_dim3A_1136 : f32 to vector<16xf32>
      %add3A_1138 = arith.constant 0 : i32
      %add3A_1139 = vector.broadcast %add3A_1138 : i32 to vector<16xi32>
      %add3A_1140 = arith.addi %add3A_1139, %iota3A : vector<16xi32>
      %gather3A_1141 = arith.constant 3 : i32
      %gather3A_1142 = arith.constant 0 : i32
      %gather3A_1143 = arith.constant 0 : i32
      %gather3A_1144 = tpu.memref_slice %arg9[%gather3A_1141, %gather3A_1142, %gather3A_1143] : memref<4x64x128xf32, #tpu.memory_space<vmem>> -> memref<1x64x128xf32, #tpu.memory_space<vmem>>
      %gather3A_1145 = tpu.memref_squeeze %gather3A_1144 : memref<1x64x128xf32, #tpu.memory_space<vmem>> -> memref<64x128xf32, #tpu.memory_space<vmem>>
      %gather3A_1146 = tpu.vector_load_idx %gather3A_1145[%add3A_1140, %broadcast_in_dim3A_1132] : memref<64x128xf32, #tpu.memory_space<vmem>>[vector<16xi32>, vector<16xi32>], vector<16xf32>,
      %gather3A_1147 = arith.constant 3 : i32
      %gather3A_1148 = arith.constant 0 : i32
      %gather3A_1149 = arith.constant 0 : i32
      %gather3A_1150 = tpu.memref_slice %arg10[%gather3A_1147, %gather3A_1148, %gather3A_1149] : memref<4x64x128xf32, #tpu.memory_space<vmem>> -> memref<1x64x128xf32, #tpu.memory_space<vmem>>
      %gather3A_1151 = tpu.memref_squeeze %gather3A_1150 : memref<1x64x128xf32, #tpu.memory_space<vmem>> -> memref<64x128xf32, #tpu.memory_space<vmem>>
      %gather3A_1152 = tpu.vector_load_idx %gather3A_1151[%add3A_1140, %broadcast_in_dim3A_1135] : memref<64x128xf32, #tpu.memory_space<vmem>>[vector<16xi32>, vector<16xi32>], vector<16xf32>,
      %mul3A_1153 = arith.mulf %gather3A_1146, %gather3A_1152 : vector<16xf32>
      %add3A_1154 = arith.addf %broadcast_in_dim3A_1137, %mul3A_1153 : vector<16xf32>
      %add3A_1155 = arith.constant 16 : i32
      %add3A_1156 = vector.broadcast %add3A_1155 : i32 to vector<16xi32>
      %add3A_1157 = arith.addi %add3A_1156, %iota3A : vector<16xi32>
      %gather3A_1158 = arith.constant 3 : i32
      %gather3A_1159 = arith.constant 0 : i32
      %gather3A_1160 = arith.constant 0 : i32
      %gather3A_1161 = tpu.memref_slice %arg9[%gather3A_1158, %gather3A_1159, %gather3A_1160] : memref<4x64x128xf32, #tpu.memory_space<vmem>> -> memref<1x64x128xf32, #tpu.memory_space<vmem>>
      %gather3A_1162 = tpu.memref_squeeze %gather3A_1161 : memref<1x64x128xf32, #tpu.memory_space<vmem>> -> memref<64x128xf32, #tpu.memory_space<vmem>>
      %gather3A_1163 = tpu.vector_load_idx %gather3A_1162[%add3A_1157, %broadcast_in_dim3A_1132] : memref<64x128xf32, #tpu.memory_space<vmem>>[vector<16xi32>, vector<16xi32>], vector<16xf32>,
      %gather3A_1164 = arith.constant 3 : i32
      %gather3A_1165 = arith.constant 0 : i32
      %gather3A_1166 = arith.constant 0 : i32
      %gather3A_1167 = tpu.memref_slice %arg10[%gather3A_1164, %gather3A_1165, %gather3A_1166] : memref<4x64x128xf32, #tpu.memory_space<vmem>> -> memref<1x64x128xf32, #tpu.memory_space<vmem>>
      %gather3A_1168 = tpu.memref_squeeze %gather3A_1167 : memref<1x64x128xf32, #tpu.memory_space<vmem>> -> memref<64x128xf32, #tpu.memory_space<vmem>>
      %gather3A_1169 = tpu.vector_load_idx %gather3A_1168[%add3A_1157, %broadcast_in_dim3A_1135] : memref<64x128xf32, #tpu.memory_space<vmem>>[vector<16xi32>, vector<16xi32>], vector<16xf32>,
      %mul3A_1170 = arith.mulf %gather3A_1163, %gather3A_1169 : vector<16xf32>
      %add3A_1171 = arith.addf %add3A_1154, %mul3A_1170 : vector<16xf32>
      %add3A_1172 = arith.constant 32 : i32
      %add3A_1173 = vector.broadcast %add3A_1172 : i32 to vector<16xi32>
      %add3A_1174 = arith.addi %add3A_1173, %iota3A : vector<16xi32>
      %gather3A_1175 = arith.constant 3 : i32
      %gather3A_1176 = arith.constant 0 : i32
      %gather3A_1177 = arith.constant 0 : i32
      %gather3A_1178 = tpu.memref_slice %arg9[%gather3A_1175, %gather3A_1176, %gather3A_1177] : memref<4x64x128xf32, #tpu.memory_space<vmem>> -> memref<1x64x128xf32, #tpu.memory_space<vmem>>
      %gather3A_1179 = tpu.memref_squeeze %gather3A_1178 : memref<1x64x128xf32, #tpu.memory_space<vmem>> -> memref<64x128xf32, #tpu.memory_space<vmem>>
      %gather3A_1180 = tpu.vector_load_idx %gather3A_1179[%add3A_1174, %broadcast_in_dim3A_1132] : memref<64x128xf32, #tpu.memory_space<vmem>>[vector<16xi32>, vector<16xi32>], vector<16xf32>,
      %gather3A_1181 = arith.constant 3 : i32
      %gather3A_1182 = arith.constant 0 : i32
      %gather3A_1183 = arith.constant 0 : i32
      %gather3A_1184 = tpu.memref_slice %arg10[%gather3A_1181, %gather3A_1182, %gather3A_1183] : memref<4x64x128xf32, #tpu.memory_space<vmem>> -> memref<1x64x128xf32, #tpu.memory_space<vmem>>
      %gather3A_1185 = tpu.memref_squeeze %gather3A_1184 : memref<1x64x128xf32, #tpu.memory_space<vmem>> -> memref<64x128xf32, #tpu.memory_space<vmem>>
      %gather3A_1186 = tpu.vector_load_idx %gather3A_1185[%add3A_1174, %broadcast_in_dim3A_1135] : memref<64x128xf32, #tpu.memory_space<vmem>>[vector<16xi32>, vector<16xi32>], vector<16xf32>,
      %mul3A_1187 = arith.mulf %gather3A_1180, %gather3A_1186 : vector<16xf32>
      %add3A_1188 = arith.addf %add3A_1171, %mul3A_1187 : vector<16xf32>
      %add3A_1189 = arith.constant 48 : i32
      %add3A_1190 = vector.broadcast %add3A_1189 : i32 to vector<16xi32>
      %add3A_1191 = arith.addi %add3A_1190, %iota3A : vector<16xi32>
      %gather3A_1192 = arith.constant 3 : i32
      %gather3A_1193 = arith.constant 0 : i32
      %gather3A_1194 = arith.constant 0 : i32
      %gather3A_1195 = tpu.memref_slice %arg9[%gather3A_1192, %gather3A_1193, %gather3A_1194] : memref<4x64x128xf32, #tpu.memory_space<vmem>> -> memref<1x64x128xf32, #tpu.memory_space<vmem>>
      %gather3A_1196 = tpu.memref_squeeze %gather3A_1195 : memref<1x64x128xf32, #tpu.memory_space<vmem>> -> memref<64x128xf32, #tpu.memory_space<vmem>>
      %gather3A_1197 = tpu.vector_load_idx %gather3A_1196[%add3A_1191, %broadcast_in_dim3A_1132] : memref<64x128xf32, #tpu.memory_space<vmem>>[vector<16xi32>, vector<16xi32>], vector<16xf32>,
      %gather3A_1198 = arith.constant 3 : i32
      %gather3A_1199 = arith.constant 0 : i32
      %gather3A_1200 = arith.constant 0 : i32
      %gather3A_1201 = tpu.memref_slice %arg10[%gather3A_1198, %gather3A_1199, %gather3A_1200] : memref<4x64x128xf32, #tpu.memory_space<vmem>> -> memref<1x64x128xf32, #tpu.memory_space<vmem>>
      %gather3A_1202 = tpu.memref_squeeze %gather3A_1201 : memref<1x64x128xf32, #tpu.memory_space<vmem>> -> memref<64x128xf32, #tpu.memory_space<vmem>>
      %gather3A_1203 = tpu.vector_load_idx %gather3A_1202[%add3A_1191, %broadcast_in_dim3A_1135] : memref<64x128xf32, #tpu.memory_space<vmem>>[vector<16xi32>, vector<16xi32>], vector<16xf32>,
      %mul3A_1204 = arith.mulf %gather3A_1197, %gather3A_1203 : vector<16xf32>
      %add3A_1205 = arith.addf %add3A_1188, %mul3A_1204 : vector<16xf32>
      %reduce_sum3A_1206 = arith.constant true
      %reduce_sum3A_1207 = vector.broadcast %reduce_sum3A_1206 : i1 to vector<16xi1>
      %reduce_sum3A_1208 = tpu.scan <sum>, %add3A_1205 masked %reduce_sum3A_1207 : vector<16xf32>, vector<16xi1> -> vector<16xf32>
      %reduce_sum3A_1209 = vector.extract %reduce_sum3A_1208[15] : f32 from vector<16xf32>
      %eq3A_1210 = arith.constant 7 : i32
      %eq3A_1211 = vector.broadcast %eq3A_1210 : i32 to vector<16xi32>
      %eq3A_1212 = arith.cmpi eq, %iota3A, %eq3A_1211 : vector<16xi32>
      %broadcast_in_dim3A_1213 = vector.broadcast %reduce_sum3A_1209 : f32 to vector<16xf32>
      %select_n3A_1214 = arith.select %eq3A_1212, %broadcast_in_dim3A_1213, %select_n3A_1129 : vector<16xi1>, vector<16xf32>
      %slice3A_1215 = vector.extract_strided_slice %mul3A_41 {offsets = [8], sizes = [1], strides = [1]} : vector<16xi32> to vector<1xi32>
      %squeeze3A_1216 = vector.extract %slice3A_1215[0] : i32 from vector<1xi32>
      %multiple_of3A_1217 = tpu.assume_multiple %squeeze3A_1216, 128 : i32
      %slice3A_1218 = vector.extract_strided_slice %mul3A_75 {offsets = [8], sizes = [1], strides = [1]} : vector<16xi32> to vector<1xi32>
      %squeeze3A_1219 = vector.extract %slice3A_1218[0] : i32 from vector<1xi32>
      %multiple_of3A_1220 = tpu.assume_multiple %squeeze3A_1219, 128 : i32
      %dma_start3A_1221 = arith.constant 0 : i32
      %dma_start3A_1222 = arith.constant 0 : i32
      %dma_start3A_1223 = arith.constant 0 : i32
      %dma_start3A_1224 = tpu.memref_slice %arg9[%dma_start3A_1221, %dma_start3A_1222, %dma_start3A_1223] : memref<4x64x128xf32, #tpu.memory_space<vmem>> -> memref<1x64x128xf32, #tpu.memory_space<vmem>>
      %dma_start3A_1225 = tpu.memref_squeeze %dma_start3A_1224 : memref<1x64x128xf32, #tpu.memory_space<vmem>> -> memref<64x128xf32, #tpu.memory_space<vmem>>
      %dma_start3A_1226 = arith.constant 0 : i32
      %dma_start3A_1227 = tpu.memref_slice %arg4[%dma_start3A_1226, %multiple_of3A_1217] : memref<64x1000000xf32, #tpu.memory_space<hbm>> -> memref<64x128xf32, #tpu.memory_space<hbm>>
      %dma_start3A_1228 = arith.constant 0 : i32
      %dma_start3A_1229 = arith.constant 0 : i32
      %dma_start3A_1230 = tpu.memref_slice %arg9[%dma_start3A_1221, %dma_start3A_1228, %dma_start3A_1229] : memref<4x64x128xf32, #tpu.memory_space<vmem>> -> memref<1x64x128xf32, #tpu.memory_space<vmem>>
      %dma_start3A_1231 = tpu.memref_squeeze %dma_start3A_1230 : memref<1x64x128xf32, #tpu.memory_space<vmem>> -> memref<64x128xf32, #tpu.memory_space<vmem>>
      %dma_start3A_1232 = arith.constant 0 : i32
      %dma_start3A_1233 = tpu.memref_slice %arg4[%dma_start3A_1232, %multiple_of3A_1217] : memref<64x1000000xf32, #tpu.memory_space<hbm>> -> memref<64x128xf32, #tpu.memory_space<hbm>>
      tpu.enqueue_dma source(%dma_start3A_1233 : memref<64x128xf32, #tpu.memory_space<hbm>>) target(%dma_start3A_1231 : memref<64x128xf32, #tpu.memory_space<vmem>>) target_semaphore(%arg12 : memref<!tpu.dma_semaphore, #tpu.memory_space<semaphore_mem>>)
      %dma_start3A_1234 = arith.constant 0 : i32
      %dma_start3A_1235 = arith.constant 0 : i32
      %dma_start3A_1236 = arith.constant 0 : i32
      %dma_start3A_1237 = tpu.memref_slice %arg10[%dma_start3A_1234, %dma_start3A_1235, %dma_start3A_1236] : memref<4x64x128xf32, #tpu.memory_space<vmem>> -> memref<1x64x128xf32, #tpu.memory_space<vmem>>
      %dma_start3A_1238 = tpu.memref_squeeze %dma_start3A_1237 : memref<1x64x128xf32, #tpu.memory_space<vmem>> -> memref<64x128xf32, #tpu.memory_space<vmem>>
      %dma_start3A_1239 = arith.constant 0 : i32
      %dma_start3A_1240 = tpu.memref_slice %arg5[%dma_start3A_1239, %multiple_of3A_1220] : memref<64x1000000xf32, #tpu.memory_space<hbm>> -> memref<64x128xf32, #tpu.memory_space<hbm>>
      %dma_start3A_1241 = arith.constant 0 : i32
      %dma_start3A_1242 = arith.constant 0 : i32
      %dma_start3A_1243 = tpu.memref_slice %arg10[%dma_start3A_1234, %dma_start3A_1241, %dma_start3A_1242] : memref<4x64x128xf32, #tpu.memory_space<vmem>> -> memref<1x64x128xf32, #tpu.memory_space<vmem>>
      %dma_start3A_1244 = tpu.memref_squeeze %dma_start3A_1243 : memref<1x64x128xf32, #tpu.memory_space<vmem>> -> memref<64x128xf32, #tpu.memory_space<vmem>>
      %dma_start3A_1245 = arith.constant 0 : i32
      %dma_start3A_1246 = tpu.memref_slice %arg5[%dma_start3A_1245, %multiple_of3A_1220] : memref<64x1000000xf32, #tpu.memory_space<hbm>> -> memref<64x128xf32, #tpu.memory_space<hbm>>
      tpu.enqueue_dma source(%dma_start3A_1246 : memref<64x128xf32, #tpu.memory_space<hbm>>) target(%dma_start3A_1244 : memref<64x128xf32, #tpu.memory_space<vmem>>) target_semaphore(%arg12 : memref<!tpu.dma_semaphore, #tpu.memory_space<semaphore_mem>>)
      %slice3A_1247 = vector.extract_strided_slice %mul3A_41 {offsets = [9], sizes = [1], strides = [1]} : vector<16xi32> to vector<1xi32>
      %squeeze3A_1248 = vector.extract %slice3A_1247[0] : i32 from vector<1xi32>
      %multiple_of3A_1249 = tpu.assume_multiple %squeeze3A_1248, 128 : i32
      %slice3A_1250 = vector.extract_strided_slice %mul3A_75 {offsets = [9], sizes = [1], strides = [1]} : vector<16xi32> to vector<1xi32>
      %squeeze3A_1251 = vector.extract %slice3A_1250[0] : i32 from vector<1xi32>
      %multiple_of3A_1252 = tpu.assume_multiple %squeeze3A_1251, 128 : i32
      %dma_start3A_1253 = arith.constant 1 : i32
      %dma_start3A_1254 = arith.constant 0 : i32
      %dma_start3A_1255 = arith.constant 0 : i32
      %dma_start3A_1256 = tpu.memref_slice %arg9[%dma_start3A_1253, %dma_start3A_1254, %dma_start3A_1255] : memref<4x64x128xf32, #tpu.memory_space<vmem>> -> memref<1x64x128xf32, #tpu.memory_space<vmem>>
      %dma_start3A_1257 = tpu.memref_squeeze %dma_start3A_1256 : memref<1x64x128xf32, #tpu.memory_space<vmem>> -> memref<64x128xf32, #tpu.memory_space<vmem>>
      %dma_start3A_1258 = arith.constant 0 : i32
      %dma_start3A_1259 = tpu.memref_slice %arg4[%dma_start3A_1258, %multiple_of3A_1249] : memref<64x1000000xf32, #tpu.memory_space<hbm>> -> memref<64x128xf32, #tpu.memory_space<hbm>>
      %dma_start3A_1260 = arith.constant 0 : i32
      %dma_start3A_1261 = arith.constant 0 : i32
      %dma_start3A_1262 = tpu.memref_slice %arg9[%dma_start3A_1253, %dma_start3A_1260, %dma_start3A_1261] : memref<4x64x128xf32, #tpu.memory_space<vmem>> -> memref<1x64x128xf32, #tpu.memory_space<vmem>>
      %dma_start3A_1263 = tpu.memref_squeeze %dma_start3A_1262 : memref<1x64x128xf32, #tpu.memory_space<vmem>> -> memref<64x128xf32, #tpu.memory_space<vmem>>
      %dma_start3A_1264 = arith.constant 0 : i32
      %dma_start3A_1265 = tpu.memref_slice %arg4[%dma_start3A_1264, %multiple_of3A_1249] : memref<64x1000000xf32, #tpu.memory_space<hbm>> -> memref<64x128xf32, #tpu.memory_space<hbm>>
      tpu.enqueue_dma source(%dma_start3A_1265 : memref<64x128xf32, #tpu.memory_space<hbm>>) target(%dma_start3A_1263 : memref<64x128xf32, #tpu.memory_space<vmem>>) target_semaphore(%arg12 : memref<!tpu.dma_semaphore, #tpu.memory_space<semaphore_mem>>)
      %dma_start3A_1266 = arith.constant 1 : i32
      %dma_start3A_1267 = arith.constant 0 : i32
      %dma_start3A_1268 = arith.constant 0 : i32
      %dma_start3A_1269 = tpu.memref_slice %arg10[%dma_start3A_1266, %dma_start3A_1267, %dma_start3A_1268] : memref<4x64x128xf32, #tpu.memory_space<vmem>> -> memref<1x64x128xf32, #tpu.memory_space<vmem>>
      %dma_start3A_1270 = tpu.memref_squeeze %dma_start3A_1269 : memref<1x64x128xf32, #tpu.memory_space<vmem>> -> memref<64x128xf32, #tpu.memory_space<vmem>>
      %dma_start3A_1271 = arith.constant 0 : i32
      %dma_start3A_1272 = tpu.memref_slice %arg5[%dma_start3A_1271, %multiple_of3A_1252] : memref<64x1000000xf32, #tpu.memory_space<hbm>> -> memref<64x128xf32, #tpu.memory_space<hbm>>
      %dma_start3A_1273 = arith.constant 0 : i32
      %dma_start3A_1274 = arith.constant 0 : i32
      %dma_start3A_1275 = tpu.memref_slice %arg10[%dma_start3A_1266, %dma_start3A_1273, %dma_start3A_1274] : memref<4x64x128xf32, #tpu.memory_space<vmem>> -> memref<1x64x128xf32, #tpu.memory_space<vmem>>
      %dma_start3A_1276 = tpu.memref_squeeze %dma_start3A_1275 : memref<1x64x128xf32, #tpu.memory_space<vmem>> -> memref<64x128xf32, #tpu.memory_space<vmem>>
      %dma_start3A_1277 = arith.constant 0 : i32
      %dma_start3A_1278 = tpu.memref_slice %arg5[%dma_start3A_1277, %multiple_of3A_1252] : memref<64x1000000xf32, #tpu.memory_space<hbm>> -> memref<64x128xf32, #tpu.memory_space<hbm>>
      tpu.enqueue_dma source(%dma_start3A_1278 : memref<64x128xf32, #tpu.memory_space<hbm>>) target(%dma_start3A_1276 : memref<64x128xf32, #tpu.memory_space<vmem>>) target_semaphore(%arg12 : memref<!tpu.dma_semaphore, #tpu.memory_space<semaphore_mem>>)
      %slice3A_1279 = vector.extract_strided_slice %mul3A_41 {offsets = [10], sizes = [1], strides = [1]} : vector<16xi32> to vector<1xi32>
      %squeeze3A_1280 = vector.extract %slice3A_1279[0] : i32 from vector<1xi32>
      %multiple_of3A_1281 = tpu.assume_multiple %squeeze3A_1280, 128 : i32
      %slice3A_1282 = vector.extract_strided_slice %mul3A_75 {offsets = [10], sizes = [1], strides = [1]} : vector<16xi32> to vector<1xi32>
      %squeeze3A_1283 = vector.extract %slice3A_1282[0] : i32 from vector<1xi32>
      %multiple_of3A_1284 = tpu.assume_multiple %squeeze3A_1283, 128 : i32
      %dma_start3A_1285 = arith.constant 2 : i32
      %dma_start3A_1286 = arith.constant 0 : i32
      %dma_start3A_1287 = arith.constant 0 : i32
      %dma_start3A_1288 = tpu.memref_slice %arg9[%dma_start3A_1285, %dma_start3A_1286, %dma_start3A_1287] : memref<4x64x128xf32, #tpu.memory_space<vmem>> -> memref<1x64x128xf32, #tpu.memory_space<vmem>>
      %dma_start3A_1289 = tpu.memref_squeeze %dma_start3A_1288 : memref<1x64x128xf32, #tpu.memory_space<vmem>> -> memref<64x128xf32, #tpu.memory_space<vmem>>
      %dma_start3A_1290 = arith.constant 0 : i32
      %dma_start3A_1291 = tpu.memref_slice %arg4[%dma_start3A_1290, %multiple_of3A_1281] : memref<64x1000000xf32, #tpu.memory_space<hbm>> -> memref<64x128xf32, #tpu.memory_space<hbm>>
      %dma_start3A_1292 = arith.constant 0 : i32
      %dma_start3A_1293 = arith.constant 0 : i32
      %dma_start3A_1294 = tpu.memref_slice %arg9[%dma_start3A_1285, %dma_start3A_1292, %dma_start3A_1293] : memref<4x64x128xf32, #tpu.memory_space<vmem>> -> memref<1x64x128xf32, #tpu.memory_space<vmem>>
      %dma_start3A_1295 = tpu.memref_squeeze %dma_start3A_1294 : memref<1x64x128xf32, #tpu.memory_space<vmem>> -> memref<64x128xf32, #tpu.memory_space<vmem>>
      %dma_start3A_1296 = arith.constant 0 : i32
      %dma_start3A_1297 = tpu.memref_slice %arg4[%dma_start3A_1296, %multiple_of3A_1281] : memref<64x1000000xf32, #tpu.memory_space<hbm>> -> memref<64x128xf32, #tpu.memory_space<hbm>>
      tpu.enqueue_dma source(%dma_start3A_1297 : memref<64x128xf32, #tpu.memory_space<hbm>>) target(%dma_start3A_1295 : memref<64x128xf32, #tpu.memory_space<vmem>>) target_semaphore(%arg12 : memref<!tpu.dma_semaphore, #tpu.memory_space<semaphore_mem>>)
      %dma_start3A_1298 = arith.constant 2 : i32
      %dma_start3A_1299 = arith.constant 0 : i32
      %dma_start3A_1300 = arith.constant 0 : i32
      %dma_start3A_1301 = tpu.memref_slice %arg10[%dma_start3A_1298, %dma_start3A_1299, %dma_start3A_1300] : memref<4x64x128xf32, #tpu.memory_space<vmem>> -> memref<1x64x128xf32, #tpu.memory_space<vmem>>
      %dma_start3A_1302 = tpu.memref_squeeze %dma_start3A_1301 : memref<1x64x128xf32, #tpu.memory_space<vmem>> -> memref<64x128xf32, #tpu.memory_space<vmem>>
      %dma_start3A_1303 = arith.constant 0 : i32
      %dma_start3A_1304 = tpu.memref_slice %arg5[%dma_start3A_1303, %multiple_of3A_1284] : memref<64x1000000xf32, #tpu.memory_space<hbm>> -> memref<64x128xf32, #tpu.memory_space<hbm>>
      %dma_start3A_1305 = arith.constant 0 : i32
      %dma_start3A_1306 = arith.constant 0 : i32
      %dma_start3A_1307 = tpu.memref_slice %arg10[%dma_start3A_1298, %dma_start3A_1305, %dma_start3A_1306] : memref<4x64x128xf32, #tpu.memory_space<vmem>> -> memref<1x64x128xf32, #tpu.memory_space<vmem>>
      %dma_start3A_1308 = tpu.memref_squeeze %dma_start3A_1307 : memref<1x64x128xf32, #tpu.memory_space<vmem>> -> memref<64x128xf32, #tpu.memory_space<vmem>>
      %dma_start3A_1309 = arith.constant 0 : i32
      %dma_start3A_1310 = tpu.memref_slice %arg5[%dma_start3A_1309, %multiple_of3A_1284] : memref<64x1000000xf32, #tpu.memory_space<hbm>> -> memref<64x128xf32, #tpu.memory_space<hbm>>
      tpu.enqueue_dma source(%dma_start3A_1310 : memref<64x128xf32, #tpu.memory_space<hbm>>) target(%dma_start3A_1308 : memref<64x128xf32, #tpu.memory_space<vmem>>) target_semaphore(%arg12 : memref<!tpu.dma_semaphore, #tpu.memory_space<semaphore_mem>>)
      %slice3A_1311 = vector.extract_strided_slice %mul3A_41 {offsets = [11], sizes = [1], strides = [1]} : vector<16xi32> to vector<1xi32>
      %squeeze3A_1312 = vector.extract %slice3A_1311[0] : i32 from vector<1xi32>
      %multiple_of3A_1313 = tpu.assume_multiple %squeeze3A_1312, 128 : i32
      %slice3A_1314 = vector.extract_strided_slice %mul3A_75 {offsets = [11], sizes = [1], strides = [1]} : vector<16xi32> to vector<1xi32>
      %squeeze3A_1315 = vector.extract %slice3A_1314[0] : i32 from vector<1xi32>
      %multiple_of3A_1316 = tpu.assume_multiple %squeeze3A_1315, 128 : i32
      %dma_start3A_1317 = arith.constant 3 : i32
      %dma_start3A_1318 = arith.constant 0 : i32
      %dma_start3A_1319 = arith.constant 0 : i32
      %dma_start3A_1320 = tpu.memref_slice %arg9[%dma_start3A_1317, %dma_start3A_1318, %dma_start3A_1319] : memref<4x64x128xf32, #tpu.memory_space<vmem>> -> memref<1x64x128xf32, #tpu.memory_space<vmem>>
      %dma_start3A_1321 = tpu.memref_squeeze %dma_start3A_1320 : memref<1x64x128xf32, #tpu.memory_space<vmem>> -> memref<64x128xf32, #tpu.memory_space<vmem>>
      %dma_start3A_1322 = arith.constant 0 : i32
      %dma_start3A_1323 = tpu.memref_slice %arg4[%dma_start3A_1322, %multiple_of3A_1313] : memref<64x1000000xf32, #tpu.memory_space<hbm>> -> memref<64x128xf32, #tpu.memory_space<hbm>>
      %dma_start3A_1324 = arith.constant 0 : i32
      %dma_start3A_1325 = arith.constant 0 : i32
      %dma_start3A_1326 = tpu.memref_slice %arg9[%dma_start3A_1317, %dma_start3A_1324, %dma_start3A_1325] : memref<4x64x128xf32, #tpu.memory_space<vmem>> -> memref<1x64x128xf32, #tpu.memory_space<vmem>>
      %dma_start3A_1327 = tpu.memref_squeeze %dma_start3A_1326 : memref<1x64x128xf32, #tpu.memory_space<vmem>> -> memref<64x128xf32, #tpu.memory_space<vmem>>
      %dma_start3A_1328 = arith.constant 0 : i32
      %dma_start3A_1329 = tpu.memref_slice %arg4[%dma_start3A_1328, %multiple_of3A_1313] : memref<64x1000000xf32, #tpu.memory_space<hbm>> -> memref<64x128xf32, #tpu.memory_space<hbm>>
      tpu.enqueue_dma source(%dma_start3A_1329 : memref<64x128xf32, #tpu.memory_space<hbm>>) target(%dma_start3A_1327 : memref<64x128xf32, #tpu.memory_space<vmem>>) target_semaphore(%arg12 : memref<!tpu.dma_semaphore, #tpu.memory_space<semaphore_mem>>)
      %dma_start3A_1330 = arith.constant 3 : i32
      %dma_start3A_1331 = arith.constant 0 : i32
      %dma_start3A_1332 = arith.constant 0 : i32
      %dma_start3A_1333 = tpu.memref_slice %arg10[%dma_start3A_1330, %dma_start3A_1331, %dma_start3A_1332] : memref<4x64x128xf32, #tpu.memory_space<vmem>> -> memref<1x64x128xf32, #tpu.memory_space<vmem>>
      %dma_start3A_1334 = tpu.memref_squeeze %dma_start3A_1333 : memref<1x64x128xf32, #tpu.memory_space<vmem>> -> memref<64x128xf32, #tpu.memory_space<vmem>>
      %dma_start3A_1335 = arith.constant 0 : i32
      %dma_start3A_1336 = tpu.memref_slice %arg5[%dma_start3A_1335, %multiple_of3A_1316] : memref<64x1000000xf32, #tpu.memory_space<hbm>> -> memref<64x128xf32, #tpu.memory_space<hbm>>
      %dma_start3A_1337 = arith.constant 0 : i32
      %dma_start3A_1338 = arith.constant 0 : i32
      %dma_start3A_1339 = tpu.memref_slice %arg10[%dma_start3A_1330, %dma_start3A_1337, %dma_start3A_1338] : memref<4x64x128xf32, #tpu.memory_space<vmem>> -> memref<1x64x128xf32, #tpu.memory_space<vmem>>
      %dma_start3A_1340 = tpu.memref_squeeze %dma_start3A_1339 : memref<1x64x128xf32, #tpu.memory_space<vmem>> -> memref<64x128xf32, #tpu.memory_space<vmem>>
      %dma_start3A_1341 = arith.constant 0 : i32
      %dma_start3A_1342 = tpu.memref_slice %arg5[%dma_start3A_1341, %multiple_of3A_1316] : memref<64x1000000xf32, #tpu.memory_space<hbm>> -> memref<64x128xf32, #tpu.memory_space<hbm>>
      tpu.enqueue_dma source(%dma_start3A_1342 : memref<64x128xf32, #tpu.memory_space<hbm>>) target(%dma_start3A_1340 : memref<64x128xf32, #tpu.memory_space<vmem>>) target_semaphore(%arg12 : memref<!tpu.dma_semaphore, #tpu.memory_space<semaphore_mem>>)
      %dma_wait3A_1343 = arith.constant 0 : i32
      %dma_wait3A_1344 = arith.constant 0 : i32
      %dma_wait3A_1345 = arith.constant 0 : i32
      %dma_wait3A_1346 = tpu.memref_slice %arg9[%dma_wait3A_1343, %dma_wait3A_1344, %dma_wait3A_1345] : memref<4x64x128xf32, #tpu.memory_space<vmem>> -> memref<1x64x128xf32, #tpu.memory_space<vmem>>
      %dma_wait3A_1347 = tpu.memref_squeeze %dma_wait3A_1346 : memref<1x64x128xf32, #tpu.memory_space<vmem>> -> memref<64x128xf32, #tpu.memory_space<vmem>>
      %dma_wait3A_1348 = arith.constant 0 : i32
      %dma_wait3A_1349 = tpu.memref_slice %arg4[%dma_wait3A_1348, %multiple_of3A_1217] : memref<64x1000000xf32, #tpu.memory_space<hbm>> -> memref<64x128xf32, #tpu.memory_space<hbm>>
      %dma_wait3A_1350 = arith.constant 0 : i32
      %dma_wait3A_1351 = arith.constant 0 : i32
      %dma_wait3A_1352 = tpu.memref_slice %arg9[%dma_wait3A_1343, %dma_wait3A_1350, %dma_wait3A_1351] : memref<4x64x128xf32, #tpu.memory_space<vmem>> -> memref<1x64x128xf32, #tpu.memory_space<vmem>>
      %dma_wait3A_1353 = tpu.memref_squeeze %dma_wait3A_1352 : memref<1x64x128xf32, #tpu.memory_space<vmem>> -> memref<64x128xf32, #tpu.memory_space<vmem>>
      %dma_wait3A_1354 = arith.constant 0 : i32
      %dma_wait3A_1355 = tpu.memref_slice %arg4[%dma_wait3A_1354, %multiple_of3A_1217] : memref<64x1000000xf32, #tpu.memory_space<hbm>> -> memref<64x128xf32, #tpu.memory_space<hbm>>
      tpu.wait_dma2 semaphore(%arg12 : memref<!tpu.dma_semaphore, #tpu.memory_space<semaphore_mem>>) src(%dma_wait3A_1355 : memref<64x128xf32, #tpu.memory_space<hbm>>) dst(%dma_wait3A_1353 : memref<64x128xf32, #tpu.memory_space<vmem>>)
      %dma_wait3A_1356 = arith.constant 0 : i32
      %dma_wait3A_1357 = arith.constant 0 : i32
      %dma_wait3A_1358 = arith.constant 0 : i32
      %dma_wait3A_1359 = tpu.memref_slice %arg10[%dma_wait3A_1356, %dma_wait3A_1357, %dma_wait3A_1358] : memref<4x64x128xf32, #tpu.memory_space<vmem>> -> memref<1x64x128xf32, #tpu.memory_space<vmem>>
      %dma_wait3A_1360 = tpu.memref_squeeze %dma_wait3A_1359 : memref<1x64x128xf32, #tpu.memory_space<vmem>> -> memref<64x128xf32, #tpu.memory_space<vmem>>
      %dma_wait3A_1361 = arith.constant 0 : i32
      %dma_wait3A_1362 = tpu.memref_slice %arg5[%dma_wait3A_1361, %multiple_of3A_1220] : memref<64x1000000xf32, #tpu.memory_space<hbm>> -> memref<64x128xf32, #tpu.memory_space<hbm>>
      %dma_wait3A_1363 = arith.constant 0 : i32
      %dma_wait3A_1364 = arith.constant 0 : i32
      %dma_wait3A_1365 = tpu.memref_slice %arg10[%dma_wait3A_1356, %dma_wait3A_1363, %dma_wait3A_1364] : memref<4x64x128xf32, #tpu.memory_space<vmem>> -> memref<1x64x128xf32, #tpu.memory_space<vmem>>
      %dma_wait3A_1366 = tpu.memref_squeeze %dma_wait3A_1365 : memref<1x64x128xf32, #tpu.memory_space<vmem>> -> memref<64x128xf32, #tpu.memory_space<vmem>>
      %dma_wait3A_1367 = arith.constant 0 : i32
      %dma_wait3A_1368 = tpu.memref_slice %arg5[%dma_wait3A_1367, %multiple_of3A_1220] : memref<64x1000000xf32, #tpu.memory_space<hbm>> -> memref<64x128xf32, #tpu.memory_space<hbm>>
      tpu.wait_dma2 semaphore(%arg12 : memref<!tpu.dma_semaphore, #tpu.memory_space<semaphore_mem>>) src(%dma_wait3A_1368 : memref<64x128xf32, #tpu.memory_space<hbm>>) dst(%dma_wait3A_1366 : memref<64x128xf32, #tpu.memory_space<vmem>>)
      %dma_wait3A_1369 = arith.constant 1 : i32
      %dma_wait3A_1370 = arith.constant 0 : i32
      %dma_wait3A_1371 = arith.constant 0 : i32
      %dma_wait3A_1372 = tpu.memref_slice %arg9[%dma_wait3A_1369, %dma_wait3A_1370, %dma_wait3A_1371] : memref<4x64x128xf32, #tpu.memory_space<vmem>> -> memref<1x64x128xf32, #tpu.memory_space<vmem>>
      %dma_wait3A_1373 = tpu.memref_squeeze %dma_wait3A_1372 : memref<1x64x128xf32, #tpu.memory_space<vmem>> -> memref<64x128xf32, #tpu.memory_space<vmem>>
      %dma_wait3A_1374 = arith.constant 0 : i32
      %dma_wait3A_1375 = tpu.memref_slice %arg4[%dma_wait3A_1374, %multiple_of3A_1249] : memref<64x1000000xf32, #tpu.memory_space<hbm>> -> memref<64x128xf32, #tpu.memory_space<hbm>>
      %dma_wait3A_1376 = arith.constant 0 : i32
      %dma_wait3A_1377 = arith.constant 0 : i32
      %dma_wait3A_1378 = tpu.memref_slice %arg9[%dma_wait3A_1369, %dma_wait3A_1376, %dma_wait3A_1377] : memref<4x64x128xf32, #tpu.memory_space<vmem>> -> memref<1x64x128xf32, #tpu.memory_space<vmem>>
      %dma_wait3A_1379 = tpu.memref_squeeze %dma_wait3A_1378 : memref<1x64x128xf32, #tpu.memory_space<vmem>> -> memref<64x128xf32, #tpu.memory_space<vmem>>
      %dma_wait3A_1380 = arith.constant 0 : i32
      %dma_wait3A_1381 = tpu.memref_slice %arg4[%dma_wait3A_1380, %multiple_of3A_1249] : memref<64x1000000xf32, #tpu.memory_space<hbm>> -> memref<64x128xf32, #tpu.memory_space<hbm>>
      tpu.wait_dma2 semaphore(%arg12 : memref<!tpu.dma_semaphore, #tpu.memory_space<semaphore_mem>>) src(%dma_wait3A_1381 : memref<64x128xf32, #tpu.memory_space<hbm>>) dst(%dma_wait3A_1379 : memref<64x128xf32, #tpu.memory_space<vmem>>)
      %dma_wait3A_1382 = arith.constant 1 : i32
      %dma_wait3A_1383 = arith.constant 0 : i32
      %dma_wait3A_1384 = arith.constant 0 : i32
      %dma_wait3A_1385 = tpu.memref_slice %arg10[%dma_wait3A_1382, %dma_wait3A_1383, %dma_wait3A_1384] : memref<4x64x128xf32, #tpu.memory_space<vmem>> -> memref<1x64x128xf32, #tpu.memory_space<vmem>>
      %dma_wait3A_1386 = tpu.memref_squeeze %dma_wait3A_1385 : memref<1x64x128xf32, #tpu.memory_space<vmem>> -> memref<64x128xf32, #tpu.memory_space<vmem>>
      %dma_wait3A_1387 = arith.constant 0 : i32
      %dma_wait3A_1388 = tpu.memref_slice %arg5[%dma_wait3A_1387, %multiple_of3A_1252] : memref<64x1000000xf32, #tpu.memory_space<hbm>> -> memref<64x128xf32, #tpu.memory_space<hbm>>
      %dma_wait3A_1389 = arith.constant 0 : i32
      %dma_wait3A_1390 = arith.constant 0 : i32
      %dma_wait3A_1391 = tpu.memref_slice %arg10[%dma_wait3A_1382, %dma_wait3A_1389, %dma_wait3A_1390] : memref<4x64x128xf32, #tpu.memory_space<vmem>> -> memref<1x64x128xf32, #tpu.memory_space<vmem>>
      %dma_wait3A_1392 = tpu.memref_squeeze %dma_wait3A_1391 : memref<1x64x128xf32, #tpu.memory_space<vmem>> -> memref<64x128xf32, #tpu.memory_space<vmem>>
      %dma_wait3A_1393 = arith.constant 0 : i32
      %dma_wait3A_1394 = tpu.memref_slice %arg5[%dma_wait3A_1393, %multiple_of3A_1252] : memref<64x1000000xf32, #tpu.memory_space<hbm>> -> memref<64x128xf32, #tpu.memory_space<hbm>>
      tpu.wait_dma2 semaphore(%arg12 : memref<!tpu.dma_semaphore, #tpu.memory_space<semaphore_mem>>) src(%dma_wait3A_1394 : memref<64x128xf32, #tpu.memory_space<hbm>>) dst(%dma_wait3A_1392 : memref<64x128xf32, #tpu.memory_space<vmem>>)
      %dma_wait3A_1395 = arith.constant 2 : i32
      %dma_wait3A_1396 = arith.constant 0 : i32
      %dma_wait3A_1397 = arith.constant 0 : i32
      %dma_wait3A_1398 = tpu.memref_slice %arg9[%dma_wait3A_1395, %dma_wait3A_1396, %dma_wait3A_1397] : memref<4x64x128xf32, #tpu.memory_space<vmem>> -> memref<1x64x128xf32, #tpu.memory_space<vmem>>
      %dma_wait3A_1399 = tpu.memref_squeeze %dma_wait3A_1398 : memref<1x64x128xf32, #tpu.memory_space<vmem>> -> memref<64x128xf32, #tpu.memory_space<vmem>>
      %dma_wait3A_1400 = arith.constant 0 : i32
      %dma_wait3A_1401 = tpu.memref_slice %arg4[%dma_wait3A_1400, %multiple_of3A_1281] : memref<64x1000000xf32, #tpu.memory_space<hbm>> -> memref<64x128xf32, #tpu.memory_space<hbm>>
      %dma_wait3A_1402 = arith.constant 0 : i32
      %dma_wait3A_1403 = arith.constant 0 : i32
      %dma_wait3A_1404 = tpu.memref_slice %arg9[%dma_wait3A_1395, %dma_wait3A_1402, %dma_wait3A_1403] : memref<4x64x128xf32, #tpu.memory_space<vmem>> -> memref<1x64x128xf32, #tpu.memory_space<vmem>>
      %dma_wait3A_1405 = tpu.memref_squeeze %dma_wait3A_1404 : memref<1x64x128xf32, #tpu.memory_space<vmem>> -> memref<64x128xf32, #tpu.memory_space<vmem>>
      %dma_wait3A_1406 = arith.constant 0 : i32
      %dma_wait3A_1407 = tpu.memref_slice %arg4[%dma_wait3A_1406, %multiple_of3A_1281] : memref<64x1000000xf32, #tpu.memory_space<hbm>> -> memref<64x128xf32, #tpu.memory_space<hbm>>
      tpu.wait_dma2 semaphore(%arg12 : memref<!tpu.dma_semaphore, #tpu.memory_space<semaphore_mem>>) src(%dma_wait3A_1407 : memref<64x128xf32, #tpu.memory_space<hbm>>) dst(%dma_wait3A_1405 : memref<64x128xf32, #tpu.memory_space<vmem>>)
      %dma_wait3A_1408 = arith.constant 2 : i32
      %dma_wait3A_1409 = arith.constant 0 : i32
      %dma_wait3A_1410 = arith.constant 0 : i32
      %dma_wait3A_1411 = tpu.memref_slice %arg10[%dma_wait3A_1408, %dma_wait3A_1409, %dma_wait3A_1410] : memref<4x64x128xf32, #tpu.memory_space<vmem>> -> memref<1x64x128xf32, #tpu.memory_space<vmem>>
      %dma_wait3A_1412 = tpu.memref_squeeze %dma_wait3A_1411 : memref<1x64x128xf32, #tpu.memory_space<vmem>> -> memref<64x128xf32, #tpu.memory_space<vmem>>
      %dma_wait3A_1413 = arith.constant 0 : i32
      %dma_wait3A_1414 = tpu.memref_slice %arg5[%dma_wait3A_1413, %multiple_of3A_1284] : memref<64x1000000xf32, #tpu.memory_space<hbm>> -> memref<64x128xf32, #tpu.memory_space<hbm>>
      %dma_wait3A_1415 = arith.constant 0 : i32
      %dma_wait3A_1416 = arith.constant 0 : i32
      %dma_wait3A_1417 = tpu.memref_slice %arg10[%dma_wait3A_1408, %dma_wait3A_1415, %dma_wait3A_1416] : memref<4x64x128xf32, #tpu.memory_space<vmem>> -> memref<1x64x128xf32, #tpu.memory_space<vmem>>
      %dma_wait3A_1418 = tpu.memref_squeeze %dma_wait3A_1417 : memref<1x64x128xf32, #tpu.memory_space<vmem>> -> memref<64x128xf32, #tpu.memory_space<vmem>>
      %dma_wait3A_1419 = arith.constant 0 : i32
      %dma_wait3A_1420 = tpu.memref_slice %arg5[%dma_wait3A_1419, %multiple_of3A_1284] : memref<64x1000000xf32, #tpu.memory_space<hbm>> -> memref<64x128xf32, #tpu.memory_space<hbm>>
      tpu.wait_dma2 semaphore(%arg12 : memref<!tpu.dma_semaphore, #tpu.memory_space<semaphore_mem>>) src(%dma_wait3A_1420 : memref<64x128xf32, #tpu.memory_space<hbm>>) dst(%dma_wait3A_1418 : memref<64x128xf32, #tpu.memory_space<vmem>>)
      %dma_wait3A_1421 = arith.constant 3 : i32
      %dma_wait3A_1422 = arith.constant 0 : i32
      %dma_wait3A_1423 = arith.constant 0 : i32
      %dma_wait3A_1424 = tpu.memref_slice %arg9[%dma_wait3A_1421, %dma_wait3A_1422, %dma_wait3A_1423] : memref<4x64x128xf32, #tpu.memory_space<vmem>> -> memref<1x64x128xf32, #tpu.memory_space<vmem>>
      %dma_wait3A_1425 = tpu.memref_squeeze %dma_wait3A_1424 : memref<1x64x128xf32, #tpu.memory_space<vmem>> -> memref<64x128xf32, #tpu.memory_space<vmem>>
      %dma_wait3A_1426 = arith.constant 0 : i32
      %dma_wait3A_1427 = tpu.memref_slice %arg4[%dma_wait3A_1426, %multiple_of3A_1313] : memref<64x1000000xf32, #tpu.memory_space<hbm>> -> memref<64x128xf32, #tpu.memory_space<hbm>>
      %dma_wait3A_1428 = arith.constant 0 : i32
      %dma_wait3A_1429 = arith.constant 0 : i32
      %dma_wait3A_1430 = tpu.memref_slice %arg9[%dma_wait3A_1421, %dma_wait3A_1428, %dma_wait3A_1429] : memref<4x64x128xf32, #tpu.memory_space<vmem>> -> memref<1x64x128xf32, #tpu.memory_space<vmem>>
      %dma_wait3A_1431 = tpu.memref_squeeze %dma_wait3A_1430 : memref<1x64x128xf32, #tpu.memory_space<vmem>> -> memref<64x128xf32, #tpu.memory_space<vmem>>
      %dma_wait3A_1432 = arith.constant 0 : i32
      %dma_wait3A_1433 = tpu.memref_slice %arg4[%dma_wait3A_1432, %multiple_of3A_1313] : memref<64x1000000xf32, #tpu.memory_space<hbm>> -> memref<64x128xf32, #tpu.memory_space<hbm>>
      tpu.wait_dma2 semaphore(%arg12 : memref<!tpu.dma_semaphore, #tpu.memory_space<semaphore_mem>>) src(%dma_wait3A_1433 : memref<64x128xf32, #tpu.memory_space<hbm>>) dst(%dma_wait3A_1431 : memref<64x128xf32, #tpu.memory_space<vmem>>)
      %dma_wait3A_1434 = arith.constant 3 : i32
      %dma_wait3A_1435 = arith.constant 0 : i32
      %dma_wait3A_1436 = arith.constant 0 : i32
      %dma_wait3A_1437 = tpu.memref_slice %arg10[%dma_wait3A_1434, %dma_wait3A_1435, %dma_wait3A_1436] : memref<4x64x128xf32, #tpu.memory_space<vmem>> -> memref<1x64x128xf32, #tpu.memory_space<vmem>>
      %dma_wait3A_1438 = tpu.memref_squeeze %dma_wait3A_1437 : memref<1x64x128xf32, #tpu.memory_space<vmem>> -> memref<64x128xf32, #tpu.memory_space<vmem>>
      %dma_wait3A_1439 = arith.constant 0 : i32
      %dma_wait3A_1440 = tpu.memref_slice %arg5[%dma_wait3A_1439, %multiple_of3A_1316] : memref<64x1000000xf32, #tpu.memory_space<hbm>> -> memref<64x128xf32, #tpu.memory_space<hbm>>
      %dma_wait3A_1441 = arith.constant 0 : i32
      %dma_wait3A_1442 = arith.constant 0 : i32
      %dma_wait3A_1443 = tpu.memref_slice %arg10[%dma_wait3A_1434, %dma_wait3A_1441, %dma_wait3A_1442] : memref<4x64x128xf32, #tpu.memory_space<vmem>> -> memref<1x64x128xf32, #tpu.memory_space<vmem>>
      %dma_wait3A_1444 = tpu.memref_squeeze %dma_wait3A_1443 : memref<1x64x128xf32, #tpu.memory_space<vmem>> -> memref<64x128xf32, #tpu.memory_space<vmem>>
      %dma_wait3A_1445 = arith.constant 0 : i32
      %dma_wait3A_1446 = tpu.memref_slice %arg5[%dma_wait3A_1445, %multiple_of3A_1316] : memref<64x1000000xf32, #tpu.memory_space<hbm>> -> memref<64x128xf32, #tpu.memory_space<hbm>>
      tpu.wait_dma2 semaphore(%arg12 : memref<!tpu.dma_semaphore, #tpu.memory_space<semaphore_mem>>) src(%dma_wait3A_1446 : memref<64x128xf32, #tpu.memory_space<hbm>>) dst(%dma_wait3A_1444 : memref<64x128xf32, #tpu.memory_space<vmem>>)
      %slice3A_1447 = vector.extract_strided_slice %sub3A_76 {offsets = [8], sizes = [1], strides = [1]} : vector<16xi32> to vector<1xi32>
      %squeeze3A_1448 = vector.extract %slice3A_1447[0] : i32 from vector<1xi32>
      %broadcast_in_dim3A_1449 = vector.broadcast %squeeze3A_1448 : i32 to vector<16xi32>
      %slice3A_1450 = vector.extract_strided_slice %sub3A_77 {offsets = [8], sizes = [1], strides = [1]} : vector<16xi32> to vector<1xi32>
      %squeeze3A_1451 = vector.extract %slice3A_1450[0] : i32 from vector<1xi32>
      %broadcast_in_dim3A_1452 = vector.broadcast %squeeze3A_1451 : i32 to vector<16xi32>
      %broadcast_in_dim3A_1453 = arith.constant 0.000000e+00 : f32
      %broadcast_in_dim3A_1454 = vector.broadcast %broadcast_in_dim3A_1453 : f32 to vector<16xf32>
      %add3A_1455 = arith.constant 0 : i32
      %add3A_1456 = vector.broadcast %add3A_1455 : i32 to vector<16xi32>
      %add3A_1457 = arith.addi %add3A_1456, %iota3A : vector<16xi32>
      %gather3A_1458 = arith.constant 0 : i32
      %gather3A_1459 = arith.constant 0 : i32
      %gather3A_1460 = arith.constant 0 : i32
      %gather3A_1461 = tpu.memref_slice %arg9[%gather3A_1458, %gather3A_1459, %gather3A_1460] : memref<4x64x128xf32, #tpu.memory_space<vmem>> -> memref<1x64x128xf32, #tpu.memory_space<vmem>>
      %gather3A_1462 = tpu.memref_squeeze %gather3A_1461 : memref<1x64x128xf32, #tpu.memory_space<vmem>> -> memref<64x128xf32, #tpu.memory_space<vmem>>
      %gather3A_1463 = tpu.vector_load_idx %gather3A_1462[%add3A_1457, %broadcast_in_dim3A_1449] : memref<64x128xf32, #tpu.memory_space<vmem>>[vector<16xi32>, vector<16xi32>], vector<16xf32>,
      %gather3A_1464 = arith.constant 0 : i32
      %gather3A_1465 = arith.constant 0 : i32
      %gather3A_1466 = arith.constant 0 : i32
      %gather3A_1467 = tpu.memref_slice %arg10[%gather3A_1464, %gather3A_1465, %gather3A_1466] : memref<4x64x128xf32, #tpu.memory_space<vmem>> -> memref<1x64x128xf32, #tpu.memory_space<vmem>>
      %gather3A_1468 = tpu.memref_squeeze %gather3A_1467 : memref<1x64x128xf32, #tpu.memory_space<vmem>> -> memref<64x128xf32, #tpu.memory_space<vmem>>
      %gather3A_1469 = tpu.vector_load_idx %gather3A_1468[%add3A_1457, %broadcast_in_dim3A_1452] : memref<64x128xf32, #tpu.memory_space<vmem>>[vector<16xi32>, vector<16xi32>], vector<16xf32>,
      %mul3A_1470 = arith.mulf %gather3A_1463, %gather3A_1469 : vector<16xf32>
      %add3A_1471 = arith.addf %broadcast_in_dim3A_1454, %mul3A_1470 : vector<16xf32>
      %add3A_1472 = arith.constant 16 : i32
      %add3A_1473 = vector.broadcast %add3A_1472 : i32 to vector<16xi32>
      %add3A_1474 = arith.addi %add3A_1473, %iota3A : vector<16xi32>
      %gather3A_1475 = arith.constant 0 : i32
      %gather3A_1476 = arith.constant 0 : i32
      %gather3A_1477 = arith.constant 0 : i32
      %gather3A_1478 = tpu.memref_slice %arg9[%gather3A_1475, %gather3A_1476, %gather3A_1477] : memref<4x64x128xf32, #tpu.memory_space<vmem>> -> memref<1x64x128xf32, #tpu.memory_space<vmem>>
      %gather3A_1479 = tpu.memref_squeeze %gather3A_1478 : memref<1x64x128xf32, #tpu.memory_space<vmem>> -> memref<64x128xf32, #tpu.memory_space<vmem>>
      %gather3A_1480 = tpu.vector_load_idx %gather3A_1479[%add3A_1474, %broadcast_in_dim3A_1449] : memref<64x128xf32, #tpu.memory_space<vmem>>[vector<16xi32>, vector<16xi32>], vector<16xf32>,
      %gather3A_1481 = arith.constant 0 : i32
      %gather3A_1482 = arith.constant 0 : i32
      %gather3A_1483 = arith.constant 0 : i32
      %gather3A_1484 = tpu.memref_slice %arg10[%gather3A_1481, %gather3A_1482, %gather3A_1483] : memref<4x64x128xf32, #tpu.memory_space<vmem>> -> memref<1x64x128xf32, #tpu.memory_space<vmem>>
      %gather3A_1485 = tpu.memref_squeeze %gather3A_1484 : memref<1x64x128xf32, #tpu.memory_space<vmem>> -> memref<64x128xf32, #tpu.memory_space<vmem>>
      %gather3A_1486 = tpu.vector_load_idx %gather3A_1485[%add3A_1474, %broadcast_in_dim3A_1452] : memref<64x128xf32, #tpu.memory_space<vmem>>[vector<16xi32>, vector<16xi32>], vector<16xf32>,
      %mul3A_1487 = arith.mulf %gather3A_1480, %gather3A_1486 : vector<16xf32>
      %add3A_1488 = arith.addf %add3A_1471, %mul3A_1487 : vector<16xf32>
      %add3A_1489 = arith.constant 32 : i32
      %add3A_1490 = vector.broadcast %add3A_1489 : i32 to vector<16xi32>
      %add3A_1491 = arith.addi %add3A_1490, %iota3A : vector<16xi32>
      %gather3A_1492 = arith.constant 0 : i32
      %gather3A_1493 = arith.constant 0 : i32
      %gather3A_1494 = arith.constant 0 : i32
      %gather3A_1495 = tpu.memref_slice %arg9[%gather3A_1492, %gather3A_1493, %gather3A_1494] : memref<4x64x128xf32, #tpu.memory_space<vmem>> -> memref<1x64x128xf32, #tpu.memory_space<vmem>>
      %gather3A_1496 = tpu.memref_squeeze %gather3A_1495 : memref<1x64x128xf32, #tpu.memory_space<vmem>> -> memref<64x128xf32, #tpu.memory_space<vmem>>
      %gather3A_1497 = tpu.vector_load_idx %gather3A_1496[%add3A_1491, %broadcast_in_dim3A_1449] : memref<64x128xf32, #tpu.memory_space<vmem>>[vector<16xi32>, vector<16xi32>], vector<16xf32>,
      %gather3A_1498 = arith.constant 0 : i32
      %gather3A_1499 = arith.constant 0 : i32
      %gather3A_1500 = arith.constant 0 : i32
      %gather3A_1501 = tpu.memref_slice %arg10[%gather3A_1498, %gather3A_1499, %gather3A_1500] : memref<4x64x128xf32, #tpu.memory_space<vmem>> -> memref<1x64x128xf32, #tpu.memory_space<vmem>>
      %gather3A_1502 = tpu.memref_squeeze %gather3A_1501 : memref<1x64x128xf32, #tpu.memory_space<vmem>> -> memref<64x128xf32, #tpu.memory_space<vmem>>
      %gather3A_1503 = tpu.vector_load_idx %gather3A_1502[%add3A_1491, %broadcast_in_dim3A_1452] : memref<64x128xf32, #tpu.memory_space<vmem>>[vector<16xi32>, vector<16xi32>], vector<16xf32>,
      %mul3A_1504 = arith.mulf %gather3A_1497, %gather3A_1503 : vector<16xf32>
      %add3A_1505 = arith.addf %add3A_1488, %mul3A_1504 : vector<16xf32>
      %add3A_1506 = arith.constant 48 : i32
      %add3A_1507 = vector.broadcast %add3A_1506 : i32 to vector<16xi32>
      %add3A_1508 = arith.addi %add3A_1507, %iota3A : vector<16xi32>
      %gather3A_1509 = arith.constant 0 : i32
      %gather3A_1510 = arith.constant 0 : i32
      %gather3A_1511 = arith.constant 0 : i32
      %gather3A_1512 = tpu.memref_slice %arg9[%gather3A_1509, %gather3A_1510, %gather3A_1511] : memref<4x64x128xf32, #tpu.memory_space<vmem>> -> memref<1x64x128xf32, #tpu.memory_space<vmem>>
      %gather3A_1513 = tpu.memref_squeeze %gather3A_1512 : memref<1x64x128xf32, #tpu.memory_space<vmem>> -> memref<64x128xf32, #tpu.memory_space<vmem>>
      %gather3A_1514 = tpu.vector_load_idx %gather3A_1513[%add3A_1508, %broadcast_in_dim3A_1449] : memref<64x128xf32, #tpu.memory_space<vmem>>[vector<16xi32>, vector<16xi32>], vector<16xf32>,
      %gather3A_1515 = arith.constant 0 : i32
      %gather3A_1516 = arith.constant 0 : i32
      %gather3A_1517 = arith.constant 0 : i32
      %gather3A_1518 = tpu.memref_slice %arg10[%gather3A_1515, %gather3A_1516, %gather3A_1517] : memref<4x64x128xf32, #tpu.memory_space<vmem>> -> memref<1x64x128xf32, #tpu.memory_space<vmem>>
      %gather3A_1519 = tpu.memref_squeeze %gather3A_1518 : memref<1x64x128xf32, #tpu.memory_space<vmem>> -> memref<64x128xf32, #tpu.memory_space<vmem>>
      %gather3A_1520 = tpu.vector_load_idx %gather3A_1519[%add3A_1508, %broadcast_in_dim3A_1452] : memref<64x128xf32, #tpu.memory_space<vmem>>[vector<16xi32>, vector<16xi32>], vector<16xf32>,
      %mul3A_1521 = arith.mulf %gather3A_1514, %gather3A_1520 : vector<16xf32>
      %add3A_1522 = arith.addf %add3A_1505, %mul3A_1521 : vector<16xf32>
      %reduce_sum3A_1523 = arith.constant true
      %reduce_sum3A_1524 = vector.broadcast %reduce_sum3A_1523 : i1 to vector<16xi1>
      %reduce_sum3A_1525 = tpu.scan <sum>, %add3A_1522 masked %reduce_sum3A_1524 : vector<16xf32>, vector<16xi1> -> vector<16xf32>
      %reduce_sum3A_1526 = vector.extract %reduce_sum3A_1525[15] : f32 from vector<16xf32>
      %eq3A_1527 = arith.constant 8 : i32
      %eq3A_1528 = vector.broadcast %eq3A_1527 : i32 to vector<16xi32>
      %eq3A_1529 = arith.cmpi eq, %iota3A, %eq3A_1528 : vector<16xi32>
      %broadcast_in_dim3A_1530 = vector.broadcast %reduce_sum3A_1526 : f32 to vector<16xf32>
      %select_n3A_1531 = arith.select %eq3A_1529, %broadcast_in_dim3A_1530, %select_n3A_1214 : vector<16xi1>, vector<16xf32>
      %slice3A_1532 = vector.extract_strided_slice %sub3A_76 {offsets = [9], sizes = [1], strides = [1]} : vector<16xi32> to vector<1xi32>
      %squeeze3A_1533 = vector.extract %slice3A_1532[0] : i32 from vector<1xi32>
      %broadcast_in_dim3A_1534 = vector.broadcast %squeeze3A_1533 : i32 to vector<16xi32>
      %slice3A_1535 = vector.extract_strided_slice %sub3A_77 {offsets = [9], sizes = [1], strides = [1]} : vector<16xi32> to vector<1xi32>
      %squeeze3A_1536 = vector.extract %slice3A_1535[0] : i32 from vector<1xi32>
      %broadcast_in_dim3A_1537 = vector.broadcast %squeeze3A_1536 : i32 to vector<16xi32>
      %broadcast_in_dim3A_1538 = arith.constant 0.000000e+00 : f32
      %broadcast_in_dim3A_1539 = vector.broadcast %broadcast_in_dim3A_1538 : f32 to vector<16xf32>
      %add3A_1540 = arith.constant 0 : i32
      %add3A_1541 = vector.broadcast %add3A_1540 : i32 to vector<16xi32>
      %add3A_1542 = arith.addi %add3A_1541, %iota3A : vector<16xi32>
      %gather3A_1543 = arith.constant 1 : i32
      %gather3A_1544 = arith.constant 0 : i32
      %gather3A_1545 = arith.constant 0 : i32
      %gather3A_1546 = tpu.memref_slice %arg9[%gather3A_1543, %gather3A_1544, %gather3A_1545] : memref<4x64x128xf32, #tpu.memory_space<vmem>> -> memref<1x64x128xf32, #tpu.memory_space<vmem>>
      %gather3A_1547 = tpu.memref_squeeze %gather3A_1546 : memref<1x64x128xf32, #tpu.memory_space<vmem>> -> memref<64x128xf32, #tpu.memory_space<vmem>>
      %gather3A_1548 = tpu.vector_load_idx %gather3A_1547[%add3A_1542, %broadcast_in_dim3A_1534] : memref<64x128xf32, #tpu.memory_space<vmem>>[vector<16xi32>, vector<16xi32>], vector<16xf32>,
      %gather3A_1549 = arith.constant 1 : i32
      %gather3A_1550 = arith.constant 0 : i32
      %gather3A_1551 = arith.constant 0 : i32
      %gather3A_1552 = tpu.memref_slice %arg10[%gather3A_1549, %gather3A_1550, %gather3A_1551] : memref<4x64x128xf32, #tpu.memory_space<vmem>> -> memref<1x64x128xf32, #tpu.memory_space<vmem>>
      %gather3A_1553 = tpu.memref_squeeze %gather3A_1552 : memref<1x64x128xf32, #tpu.memory_space<vmem>> -> memref<64x128xf32, #tpu.memory_space<vmem>>
      %gather3A_1554 = tpu.vector_load_idx %gather3A_1553[%add3A_1542, %broadcast_in_dim3A_1537] : memref<64x128xf32, #tpu.memory_space<vmem>>[vector<16xi32>, vector<16xi32>], vector<16xf32>,
      %mul3A_1555 = arith.mulf %gather3A_1548, %gather3A_1554 : vector<16xf32>
      %add3A_1556 = arith.addf %broadcast_in_dim3A_1539, %mul3A_1555 : vector<16xf32>
      %add3A_1557 = arith.constant 16 : i32
      %add3A_1558 = vector.broadcast %add3A_1557 : i32 to vector<16xi32>
      %add3A_1559 = arith.addi %add3A_1558, %iota3A : vector<16xi32>
      %gather3A_1560 = arith.constant 1 : i32
      %gather3A_1561 = arith.constant 0 : i32
      %gather3A_1562 = arith.constant 0 : i32
      %gather3A_1563 = tpu.memref_slice %arg9[%gather3A_1560, %gather3A_1561, %gather3A_1562] : memref<4x64x128xf32, #tpu.memory_space<vmem>> -> memref<1x64x128xf32, #tpu.memory_space<vmem>>
      %gather3A_1564 = tpu.memref_squeeze %gather3A_1563 : memref<1x64x128xf32, #tpu.memory_space<vmem>> -> memref<64x128xf32, #tpu.memory_space<vmem>>
      %gather3A_1565 = tpu.vector_load_idx %gather3A_1564[%add3A_1559, %broadcast_in_dim3A_1534] : memref<64x128xf32, #tpu.memory_space<vmem>>[vector<16xi32>, vector<16xi32>], vector<16xf32>,
      %gather3A_1566 = arith.constant 1 : i32
      %gather3A_1567 = arith.constant 0 : i32
      %gather3A_1568 = arith.constant 0 : i32
      %gather3A_1569 = tpu.memref_slice %arg10[%gather3A_1566, %gather3A_1567, %gather3A_1568] : memref<4x64x128xf32, #tpu.memory_space<vmem>> -> memref<1x64x128xf32, #tpu.memory_space<vmem>>
      %gather3A_1570 = tpu.memref_squeeze %gather3A_1569 : memref<1x64x128xf32, #tpu.memory_space<vmem>> -> memref<64x128xf32, #tpu.memory_space<vmem>>
      %gather3A_1571 = tpu.vector_load_idx %gather3A_1570[%add3A_1559, %broadcast_in_dim3A_1537] : memref<64x128xf32, #tpu.memory_space<vmem>>[vector<16xi32>, vector<16xi32>], vector<16xf32>,
      %mul3A_1572 = arith.mulf %gather3A_1565, %gather3A_1571 : vector<16xf32>
      %add3A_1573 = arith.addf %add3A_1556, %mul3A_1572 : vector<16xf32>
      %add3A_1574 = arith.constant 32 : i32
      %add3A_1575 = vector.broadcast %add3A_1574 : i32 to vector<16xi32>
      %add3A_1576 = arith.addi %add3A_1575, %iota3A : vector<16xi32>
      %gather3A_1577 = arith.constant 1 : i32
      %gather3A_1578 = arith.constant 0 : i32
      %gather3A_1579 = arith.constant 0 : i32
      %gather3A_1580 = tpu.memref_slice %arg9[%gather3A_1577, %gather3A_1578, %gather3A_1579] : memref<4x64x128xf32, #tpu.memory_space<vmem>> -> memref<1x64x128xf32, #tpu.memory_space<vmem>>
      %gather3A_1581 = tpu.memref_squeeze %gather3A_1580 : memref<1x64x128xf32, #tpu.memory_space<vmem>> -> memref<64x128xf32, #tpu.memory_space<vmem>>
      %gather3A_1582 = tpu.vector_load_idx %gather3A_1581[%add3A_1576, %broadcast_in_dim3A_1534] : memref<64x128xf32, #tpu.memory_space<vmem>>[vector<16xi32>, vector<16xi32>], vector<16xf32>,
      %gather3A_1583 = arith.constant 1 : i32
      %gather3A_1584 = arith.constant 0 : i32
      %gather3A_1585 = arith.constant 0 : i32
      %gather3A_1586 = tpu.memref_slice %arg10[%gather3A_1583, %gather3A_1584, %gather3A_1585] : memref<4x64x128xf32, #tpu.memory_space<vmem>> -> memref<1x64x128xf32, #tpu.memory_space<vmem>>
      %gather3A_1587 = tpu.memref_squeeze %gather3A_1586 : memref<1x64x128xf32, #tpu.memory_space<vmem>> -> memref<64x128xf32, #tpu.memory_space<vmem>>
      %gather3A_1588 = tpu.vector_load_idx %gather3A_1587[%add3A_1576, %broadcast_in_dim3A_1537] : memref<64x128xf32, #tpu.memory_space<vmem>>[vector<16xi32>, vector<16xi32>], vector<16xf32>,
      %mul3A_1589 = arith.mulf %gather3A_1582, %gather3A_1588 : vector<16xf32>
      %add3A_1590 = arith.addf %add3A_1573, %mul3A_1589 : vector<16xf32>
      %add3A_1591 = arith.constant 48 : i32
      %add3A_1592 = vector.broadcast %add3A_1591 : i32 to vector<16xi32>
      %add3A_1593 = arith.addi %add3A_1592, %iota3A : vector<16xi32>
      %gather3A_1594 = arith.constant 1 : i32
      %gather3A_1595 = arith.constant 0 : i32
      %gather3A_1596 = arith.constant 0 : i32
      %gather3A_1597 = tpu.memref_slice %arg9[%gather3A_1594, %gather3A_1595, %gather3A_1596] : memref<4x64x128xf32, #tpu.memory_space<vmem>> -> memref<1x64x128xf32, #tpu.memory_space<vmem>>
      %gather3A_1598 = tpu.memref_squeeze %gather3A_1597 : memref<1x64x128xf32, #tpu.memory_space<vmem>> -> memref<64x128xf32, #tpu.memory_space<vmem>>
      %gather3A_1599 = tpu.vector_load_idx %gather3A_1598[%add3A_1593, %broadcast_in_dim3A_1534] : memref<64x128xf32, #tpu.memory_space<vmem>>[vector<16xi32>, vector<16xi32>], vector<16xf32>,
      %gather3A_1600 = arith.constant 1 : i32
      %gather3A_1601 = arith.constant 0 : i32
      %gather3A_1602 = arith.constant 0 : i32
      %gather3A_1603 = tpu.memref_slice %arg10[%gather3A_1600, %gather3A_1601, %gather3A_1602] : memref<4x64x128xf32, #tpu.memory_space<vmem>> -> memref<1x64x128xf32, #tpu.memory_space<vmem>>
      %gather3A_1604 = tpu.memref_squeeze %gather3A_1603 : memref<1x64x128xf32, #tpu.memory_space<vmem>> -> memref<64x128xf32, #tpu.memory_space<vmem>>
      %gather3A_1605 = tpu.vector_load_idx %gather3A_1604[%add3A_1593, %broadcast_in_dim3A_1537] : memref<64x128xf32, #tpu.memory_space<vmem>>[vector<16xi32>, vector<16xi32>], vector<16xf32>,
      %mul3A_1606 = arith.mulf %gather3A_1599, %gather3A_1605 : vector<16xf32>
      %add3A_1607 = arith.addf %add3A_1590, %mul3A_1606 : vector<16xf32>
      %reduce_sum3A_1608 = arith.constant true
      %reduce_sum3A_1609 = vector.broadcast %reduce_sum3A_1608 : i1 to vector<16xi1>
      %reduce_sum3A_1610 = tpu.scan <sum>, %add3A_1607 masked %reduce_sum3A_1609 : vector<16xf32>, vector<16xi1> -> vector<16xf32>
      %reduce_sum3A_1611 = vector.extract %reduce_sum3A_1610[15] : f32 from vector<16xf32>
      %eq3A_1612 = arith.constant 9 : i32
      %eq3A_1613 = vector.broadcast %eq3A_1612 : i32 to vector<16xi32>
      %eq3A_1614 = arith.cmpi eq, %iota3A, %eq3A_1613 : vector<16xi32>
      %broadcast_in_dim3A_1615 = vector.broadcast %reduce_sum3A_1611 : f32 to vector<16xf32>
      %select_n3A_1616 = arith.select %eq3A_1614, %broadcast_in_dim3A_1615, %select_n3A_1531 : vector<16xi1>, vector<16xf32>
      %slice3A_1617 = vector.extract_strided_slice %sub3A_76 {offsets = [10], sizes = [1], strides = [1]} : vector<16xi32> to vector<1xi32>
      %squeeze3A_1618 = vector.extract %slice3A_1617[0] : i32 from vector<1xi32>
      %broadcast_in_dim3A_1619 = vector.broadcast %squeeze3A_1618 : i32 to vector<16xi32>
      %slice3A_1620 = vector.extract_strided_slice %sub3A_77 {offsets = [10], sizes = [1], strides = [1]} : vector<16xi32> to vector<1xi32>
      %squeeze3A_1621 = vector.extract %slice3A_1620[0] : i32 from vector<1xi32>
      %broadcast_in_dim3A_1622 = vector.broadcast %squeeze3A_1621 : i32 to vector<16xi32>
      %broadcast_in_dim3A_1623 = arith.constant 0.000000e+00 : f32
      %broadcast_in_dim3A_1624 = vector.broadcast %broadcast_in_dim3A_1623 : f32 to vector<16xf32>
      %add3A_1625 = arith.constant 0 : i32
      %add3A_1626 = vector.broadcast %add3A_1625 : i32 to vector<16xi32>
      %add3A_1627 = arith.addi %add3A_1626, %iota3A : vector<16xi32>
      %gather3A_1628 = arith.constant 2 : i32
      %gather3A_1629 = arith.constant 0 : i32
      %gather3A_1630 = arith.constant 0 : i32
      %gather3A_1631 = tpu.memref_slice %arg9[%gather3A_1628, %gather3A_1629, %gather3A_1630] : memref<4x64x128xf32, #tpu.memory_space<vmem>> -> memref<1x64x128xf32, #tpu.memory_space<vmem>>
      %gather3A_1632 = tpu.memref_squeeze %gather3A_1631 : memref<1x64x128xf32, #tpu.memory_space<vmem>> -> memref<64x128xf32, #tpu.memory_space<vmem>>
      %gather3A_1633 = tpu.vector_load_idx %gather3A_1632[%add3A_1627, %broadcast_in_dim3A_1619] : memref<64x128xf32, #tpu.memory_space<vmem>>[vector<16xi32>, vector<16xi32>], vector<16xf32>,
      %gather3A_1634 = arith.constant 2 : i32
      %gather3A_1635 = arith.constant 0 : i32
      %gather3A_1636 = arith.constant 0 : i32
      %gather3A_1637 = tpu.memref_slice %arg10[%gather3A_1634, %gather3A_1635, %gather3A_1636] : memref<4x64x128xf32, #tpu.memory_space<vmem>> -> memref<1x64x128xf32, #tpu.memory_space<vmem>>
      %gather3A_1638 = tpu.memref_squeeze %gather3A_1637 : memref<1x64x128xf32, #tpu.memory_space<vmem>> -> memref<64x128xf32, #tpu.memory_space<vmem>>
      %gather3A_1639 = tpu.vector_load_idx %gather3A_1638[%add3A_1627, %broadcast_in_dim3A_1622] : memref<64x128xf32, #tpu.memory_space<vmem>>[vector<16xi32>, vector<16xi32>], vector<16xf32>,
      %mul3A_1640 = arith.mulf %gather3A_1633, %gather3A_1639 : vector<16xf32>
      %add3A_1641 = arith.addf %broadcast_in_dim3A_1624, %mul3A_1640 : vector<16xf32>
      %add3A_1642 = arith.constant 16 : i32
      %add3A_1643 = vector.broadcast %add3A_1642 : i32 to vector<16xi32>
      %add3A_1644 = arith.addi %add3A_1643, %iota3A : vector<16xi32>
      %gather3A_1645 = arith.constant 2 : i32
      %gather3A_1646 = arith.constant 0 : i32
      %gather3A_1647 = arith.constant 0 : i32
      %gather3A_1648 = tpu.memref_slice %arg9[%gather3A_1645, %gather3A_1646, %gather3A_1647] : memref<4x64x128xf32, #tpu.memory_space<vmem>> -> memref<1x64x128xf32, #tpu.memory_space<vmem>>
      %gather3A_1649 = tpu.memref_squeeze %gather3A_1648 : memref<1x64x128xf32, #tpu.memory_space<vmem>> -> memref<64x128xf32, #tpu.memory_space<vmem>>
      %gather3A_1650 = tpu.vector_load_idx %gather3A_1649[%add3A_1644, %broadcast_in_dim3A_1619] : memref<64x128xf32, #tpu.memory_space<vmem>>[vector<16xi32>, vector<16xi32>], vector<16xf32>,
      %gather3A_1651 = arith.constant 2 : i32
      %gather3A_1652 = arith.constant 0 : i32
      %gather3A_1653 = arith.constant 0 : i32
      %gather3A_1654 = tpu.memref_slice %arg10[%gather3A_1651, %gather3A_1652, %gather3A_1653] : memref<4x64x128xf32, #tpu.memory_space<vmem>> -> memref<1x64x128xf32, #tpu.memory_space<vmem>>
      %gather3A_1655 = tpu.memref_squeeze %gather3A_1654 : memref<1x64x128xf32, #tpu.memory_space<vmem>> -> memref<64x128xf32, #tpu.memory_space<vmem>>
      %gather3A_1656 = tpu.vector_load_idx %gather3A_1655[%add3A_1644, %broadcast_in_dim3A_1622] : memref<64x128xf32, #tpu.memory_space<vmem>>[vector<16xi32>, vector<16xi32>], vector<16xf32>,
      %mul3A_1657 = arith.mulf %gather3A_1650, %gather3A_1656 : vector<16xf32>
      %add3A_1658 = arith.addf %add3A_1641, %mul3A_1657 : vector<16xf32>
      %add3A_1659 = arith.constant 32 : i32
      %add3A_1660 = vector.broadcast %add3A_1659 : i32 to vector<16xi32>
      %add3A_1661 = arith.addi %add3A_1660, %iota3A : vector<16xi32>
      %gather3A_1662 = arith.constant 2 : i32
      %gather3A_1663 = arith.constant 0 : i32
      %gather3A_1664 = arith.constant 0 : i32
      %gather3A_1665 = tpu.memref_slice %arg9[%gather3A_1662, %gather3A_1663, %gather3A_1664] : memref<4x64x128xf32, #tpu.memory_space<vmem>> -> memref<1x64x128xf32, #tpu.memory_space<vmem>>
      %gather3A_1666 = tpu.memref_squeeze %gather3A_1665 : memref<1x64x128xf32, #tpu.memory_space<vmem>> -> memref<64x128xf32, #tpu.memory_space<vmem>>
      %gather3A_1667 = tpu.vector_load_idx %gather3A_1666[%add3A_1661, %broadcast_in_dim3A_1619] : memref<64x128xf32, #tpu.memory_space<vmem>>[vector<16xi32>, vector<16xi32>], vector<16xf32>,
      %gather3A_1668 = arith.constant 2 : i32
      %gather3A_1669 = arith.constant 0 : i32
      %gather3A_1670 = arith.constant 0 : i32
      %gather3A_1671 = tpu.memref_slice %arg10[%gather3A_1668, %gather3A_1669, %gather3A_1670] : memref<4x64x128xf32, #tpu.memory_space<vmem>> -> memref<1x64x128xf32, #tpu.memory_space<vmem>>
      %gather3A_1672 = tpu.memref_squeeze %gather3A_1671 : memref<1x64x128xf32, #tpu.memory_space<vmem>> -> memref<64x128xf32, #tpu.memory_space<vmem>>
      %gather3A_1673 = tpu.vector_load_idx %gather3A_1672[%add3A_1661, %broadcast_in_dim3A_1622] : memref<64x128xf32, #tpu.memory_space<vmem>>[vector<16xi32>, vector<16xi32>], vector<16xf32>,
      %mul3A_1674 = arith.mulf %gather3A_1667, %gather3A_1673 : vector<16xf32>
      %add3A_1675 = arith.addf %add3A_1658, %mul3A_1674 : vector<16xf32>
      %add3A_1676 = arith.constant 48 : i32
      %add3A_1677 = vector.broadcast %add3A_1676 : i32 to vector<16xi32>
      %add3A_1678 = arith.addi %add3A_1677, %iota3A : vector<16xi32>
      %gather3A_1679 = arith.constant 2 : i32
      %gather3A_1680 = arith.constant 0 : i32
      %gather3A_1681 = arith.constant 0 : i32
      %gather3A_1682 = tpu.memref_slice %arg9[%gather3A_1679, %gather3A_1680, %gather3A_1681] : memref<4x64x128xf32, #tpu.memory_space<vmem>> -> memref<1x64x128xf32, #tpu.memory_space<vmem>>
      %gather3A_1683 = tpu.memref_squeeze %gather3A_1682 : memref<1x64x128xf32, #tpu.memory_space<vmem>> -> memref<64x128xf32, #tpu.memory_space<vmem>>
      %gather3A_1684 = tpu.vector_load_idx %gather3A_1683[%add3A_1678, %broadcast_in_dim3A_1619] : memref<64x128xf32, #tpu.memory_space<vmem>>[vector<16xi32>, vector<16xi32>], vector<16xf32>,
      %gather3A_1685 = arith.constant 2 : i32
      %gather3A_1686 = arith.constant 0 : i32
      %gather3A_1687 = arith.constant 0 : i32
      %gather3A_1688 = tpu.memref_slice %arg10[%gather3A_1685, %gather3A_1686, %gather3A_1687] : memref<4x64x128xf32, #tpu.memory_space<vmem>> -> memref<1x64x128xf32, #tpu.memory_space<vmem>>
      %gather3A_1689 = tpu.memref_squeeze %gather3A_1688 : memref<1x64x128xf32, #tpu.memory_space<vmem>> -> memref<64x128xf32, #tpu.memory_space<vmem>>
      %gather3A_1690 = tpu.vector_load_idx %gather3A_1689[%add3A_1678, %broadcast_in_dim3A_1622] : memref<64x128xf32, #tpu.memory_space<vmem>>[vector<16xi32>, vector<16xi32>], vector<16xf32>,
      %mul3A_1691 = arith.mulf %gather3A_1684, %gather3A_1690 : vector<16xf32>
      %add3A_1692 = arith.addf %add3A_1675, %mul3A_1691 : vector<16xf32>
      %reduce_sum3A_1693 = arith.constant true
      %reduce_sum3A_1694 = vector.broadcast %reduce_sum3A_1693 : i1 to vector<16xi1>
      %reduce_sum3A_1695 = tpu.scan <sum>, %add3A_1692 masked %reduce_sum3A_1694 : vector<16xf32>, vector<16xi1> -> vector<16xf32>
      %reduce_sum3A_1696 = vector.extract %reduce_sum3A_1695[15] : f32 from vector<16xf32>
      %eq3A_1697 = arith.constant 10 : i32
      %eq3A_1698 = vector.broadcast %eq3A_1697 : i32 to vector<16xi32>
      %eq3A_1699 = arith.cmpi eq, %iota3A, %eq3A_1698 : vector<16xi32>
      %broadcast_in_dim3A_1700 = vector.broadcast %reduce_sum3A_1696 : f32 to vector<16xf32>
      %select_n3A_1701 = arith.select %eq3A_1699, %broadcast_in_dim3A_1700, %select_n3A_1616 : vector<16xi1>, vector<16xf32>
      %slice3A_1702 = vector.extract_strided_slice %sub3A_76 {offsets = [11], sizes = [1], strides = [1]} : vector<16xi32> to vector<1xi32>
      %squeeze3A_1703 = vector.extract %slice3A_1702[0] : i32 from vector<1xi32>
      %broadcast_in_dim3A_1704 = vector.broadcast %squeeze3A_1703 : i32 to vector<16xi32>
      %slice3A_1705 = vector.extract_strided_slice %sub3A_77 {offsets = [11], sizes = [1], strides = [1]} : vector<16xi32> to vector<1xi32>
      %squeeze3A_1706 = vector.extract %slice3A_1705[0] : i32 from vector<1xi32>
      %broadcast_in_dim3A_1707 = vector.broadcast %squeeze3A_1706 : i32 to vector<16xi32>
      %broadcast_in_dim3A_1708 = arith.constant 0.000000e+00 : f32
      %broadcast_in_dim3A_1709 = vector.broadcast %broadcast_in_dim3A_1708 : f32 to vector<16xf32>
      %add3A_1710 = arith.constant 0 : i32
      %add3A_1711 = vector.broadcast %add3A_1710 : i32 to vector<16xi32>
      %add3A_1712 = arith.addi %add3A_1711, %iota3A : vector<16xi32>
      %gather3A_1713 = arith.constant 3 : i32
      %gather3A_1714 = arith.constant 0 : i32
      %gather3A_1715 = arith.constant 0 : i32
      %gather3A_1716 = tpu.memref_slice %arg9[%gather3A_1713, %gather3A_1714, %gather3A_1715] : memref<4x64x128xf32, #tpu.memory_space<vmem>> -> memref<1x64x128xf32, #tpu.memory_space<vmem>>
      %gather3A_1717 = tpu.memref_squeeze %gather3A_1716 : memref<1x64x128xf32, #tpu.memory_space<vmem>> -> memref<64x128xf32, #tpu.memory_space<vmem>>
      %gather3A_1718 = tpu.vector_load_idx %gather3A_1717[%add3A_1712, %broadcast_in_dim3A_1704] : memref<64x128xf32, #tpu.memory_space<vmem>>[vector<16xi32>, vector<16xi32>], vector<16xf32>,
      %gather3A_1719 = arith.constant 3 : i32
      %gather3A_1720 = arith.constant 0 : i32
      %gather3A_1721 = arith.constant 0 : i32
      %gather3A_1722 = tpu.memref_slice %arg10[%gather3A_1719, %gather3A_1720, %gather3A_1721] : memref<4x64x128xf32, #tpu.memory_space<vmem>> -> memref<1x64x128xf32, #tpu.memory_space<vmem>>
      %gather3A_1723 = tpu.memref_squeeze %gather3A_1722 : memref<1x64x128xf32, #tpu.memory_space<vmem>> -> memref<64x128xf32, #tpu.memory_space<vmem>>
      %gather3A_1724 = tpu.vector_load_idx %gather3A_1723[%add3A_1712, %broadcast_in_dim3A_1707] : memref<64x128xf32, #tpu.memory_space<vmem>>[vector<16xi32>, vector<16xi32>], vector<16xf32>,
      %mul3A_1725 = arith.mulf %gather3A_1718, %gather3A_1724 : vector<16xf32>
      %add3A_1726 = arith.addf %broadcast_in_dim3A_1709, %mul3A_1725 : vector<16xf32>
      %add3A_1727 = arith.constant 16 : i32
      %add3A_1728 = vector.broadcast %add3A_1727 : i32 to vector<16xi32>
      %add3A_1729 = arith.addi %add3A_1728, %iota3A : vector<16xi32>
      %gather3A_1730 = arith.constant 3 : i32
      %gather3A_1731 = arith.constant 0 : i32
      %gather3A_1732 = arith.constant 0 : i32
      %gather3A_1733 = tpu.memref_slice %arg9[%gather3A_1730, %gather3A_1731, %gather3A_1732] : memref<4x64x128xf32, #tpu.memory_space<vmem>> -> memref<1x64x128xf32, #tpu.memory_space<vmem>>
      %gather3A_1734 = tpu.memref_squeeze %gather3A_1733 : memref<1x64x128xf32, #tpu.memory_space<vmem>> -> memref<64x128xf32, #tpu.memory_space<vmem>>
      %gather3A_1735 = tpu.vector_load_idx %gather3A_1734[%add3A_1729, %broadcast_in_dim3A_1704] : memref<64x128xf32, #tpu.memory_space<vmem>>[vector<16xi32>, vector<16xi32>], vector<16xf32>,
      %gather3A_1736 = arith.constant 3 : i32
      %gather3A_1737 = arith.constant 0 : i32
      %gather3A_1738 = arith.constant 0 : i32
      %gather3A_1739 = tpu.memref_slice %arg10[%gather3A_1736, %gather3A_1737, %gather3A_1738] : memref<4x64x128xf32, #tpu.memory_space<vmem>> -> memref<1x64x128xf32, #tpu.memory_space<vmem>>
      %gather3A_1740 = tpu.memref_squeeze %gather3A_1739 : memref<1x64x128xf32, #tpu.memory_space<vmem>> -> memref<64x128xf32, #tpu.memory_space<vmem>>
      %gather3A_1741 = tpu.vector_load_idx %gather3A_1740[%add3A_1729, %broadcast_in_dim3A_1707] : memref<64x128xf32, #tpu.memory_space<vmem>>[vector<16xi32>, vector<16xi32>], vector<16xf32>,
      %mul3A_1742 = arith.mulf %gather3A_1735, %gather3A_1741 : vector<16xf32>
      %add3A_1743 = arith.addf %add3A_1726, %mul3A_1742 : vector<16xf32>
      %add3A_1744 = arith.constant 32 : i32
      %add3A_1745 = vector.broadcast %add3A_1744 : i32 to vector<16xi32>
      %add3A_1746 = arith.addi %add3A_1745, %iota3A : vector<16xi32>
      %gather3A_1747 = arith.constant 3 : i32
      %gather3A_1748 = arith.constant 0 : i32
      %gather3A_1749 = arith.constant 0 : i32
      %gather3A_1750 = tpu.memref_slice %arg9[%gather3A_1747, %gather3A_1748, %gather3A_1749] : memref<4x64x128xf32, #tpu.memory_space<vmem>> -> memref<1x64x128xf32, #tpu.memory_space<vmem>>
      %gather3A_1751 = tpu.memref_squeeze %gather3A_1750 : memref<1x64x128xf32, #tpu.memory_space<vmem>> -> memref<64x128xf32, #tpu.memory_space<vmem>>
      %gather3A_1752 = tpu.vector_load_idx %gather3A_1751[%add3A_1746, %broadcast_in_dim3A_1704] : memref<64x128xf32, #tpu.memory_space<vmem>>[vector<16xi32>, vector<16xi32>], vector<16xf32>,
      %gather3A_1753 = arith.constant 3 : i32
      %gather3A_1754 = arith.constant 0 : i32
      %gather3A_1755 = arith.constant 0 : i32
      %gather3A_1756 = tpu.memref_slice %arg10[%gather3A_1753, %gather3A_1754, %gather3A_1755] : memref<4x64x128xf32, #tpu.memory_space<vmem>> -> memref<1x64x128xf32, #tpu.memory_space<vmem>>
      %gather3A_1757 = tpu.memref_squeeze %gather3A_1756 : memref<1x64x128xf32, #tpu.memory_space<vmem>> -> memref<64x128xf32, #tpu.memory_space<vmem>>
      %gather3A_1758 = tpu.vector_load_idx %gather3A_1757[%add3A_1746, %broadcast_in_dim3A_1707] : memref<64x128xf32, #tpu.memory_space<vmem>>[vector<16xi32>, vector<16xi32>], vector<16xf32>,
      %mul3A_1759 = arith.mulf %gather3A_1752, %gather3A_1758 : vector<16xf32>
      %add3A_1760 = arith.addf %add3A_1743, %mul3A_1759 : vector<16xf32>
      %add3A_1761 = arith.constant 48 : i32
      %add3A_1762 = vector.broadcast %add3A_1761 : i32 to vector<16xi32>
      %add3A_1763 = arith.addi %add3A_1762, %iota3A : vector<16xi32>
      %gather3A_1764 = arith.constant 3 : i32
      %gather3A_1765 = arith.constant 0 : i32
      %gather3A_1766 = arith.constant 0 : i32
      %gather3A_1767 = tpu.memref_slice %arg9[%gather3A_1764, %gather3A_1765, %gather3A_1766] : memref<4x64x128xf32, #tpu.memory_space<vmem>> -> memref<1x64x128xf32, #tpu.memory_space<vmem>>
      %gather3A_1768 = tpu.memref_squeeze %gather3A_1767 : memref<1x64x128xf32, #tpu.memory_space<vmem>> -> memref<64x128xf32, #tpu.memory_space<vmem>>
      %gather3A_1769 = tpu.vector_load_idx %gather3A_1768[%add3A_1763, %broadcast_in_dim3A_1704] : memref<64x128xf32, #tpu.memory_space<vmem>>[vector<16xi32>, vector<16xi32>], vector<16xf32>,
      %gather3A_1770 = arith.constant 3 : i32
      %gather3A_1771 = arith.constant 0 : i32
      %gather3A_1772 = arith.constant 0 : i32
      %gather3A_1773 = tpu.memref_slice %arg10[%gather3A_1770, %gather3A_1771, %gather3A_1772] : memref<4x64x128xf32, #tpu.memory_space<vmem>> -> memref<1x64x128xf32, #tpu.memory_space<vmem>>
      %gather3A_1774 = tpu.memref_squeeze %gather3A_1773 : memref<1x64x128xf32, #tpu.memory_space<vmem>> -> memref<64x128xf32, #tpu.memory_space<vmem>>
      %gather3A_1775 = tpu.vector_load_idx %gather3A_1774[%add3A_1763, %broadcast_in_dim3A_1707] : memref<64x128xf32, #tpu.memory_space<vmem>>[vector<16xi32>, vector<16xi32>], vector<16xf32>,
      %mul3A_1776 = arith.mulf %gather3A_1769, %gather3A_1775 : vector<16xf32>
      %add3A_1777 = arith.addf %add3A_1760, %mul3A_1776 : vector<16xf32>
      %reduce_sum3A_1778 = arith.constant true
      %reduce_sum3A_1779 = vector.broadcast %reduce_sum3A_1778 : i1 to vector<16xi1>
      %reduce_sum3A_1780 = tpu.scan <sum>, %add3A_1777 masked %reduce_sum3A_1779 : vector<16xf32>, vector<16xi1> -> vector<16xf32>
      %reduce_sum3A_1781 = vector.extract %reduce_sum3A_1780[15] : f32 from vector<16xf32>
      %eq3A_1782 = arith.constant 11 : i32
      %eq3A_1783 = vector.broadcast %eq3A_1782 : i32 to vector<16xi32>
      %eq3A_1784 = arith.cmpi eq, %iota3A, %eq3A_1783 : vector<16xi32>
      %broadcast_in_dim3A_1785 = vector.broadcast %reduce_sum3A_1781 : f32 to vector<16xf32>
      %select_n3A_1786 = arith.select %eq3A_1784, %broadcast_in_dim3A_1785, %select_n3A_1701 : vector<16xi1>, vector<16xf32>
      %slice3A_1787 = vector.extract_strided_slice %mul3A_41 {offsets = [12], sizes = [1], strides = [1]} : vector<16xi32> to vector<1xi32>
      %squeeze3A_1788 = vector.extract %slice3A_1787[0] : i32 from vector<1xi32>
      %multiple_of3A_1789 = tpu.assume_multiple %squeeze3A_1788, 128 : i32
      %slice3A_1790 = vector.extract_strided_slice %mul3A_75 {offsets = [12], sizes = [1], strides = [1]} : vector<16xi32> to vector<1xi32>
      %squeeze3A_1791 = vector.extract %slice3A_1790[0] : i32 from vector<1xi32>
      %multiple_of3A_1792 = tpu.assume_multiple %squeeze3A_1791, 128 : i32
      %dma_start3A_1793 = arith.constant 0 : i32
      %dma_start3A_1794 = arith.constant 0 : i32
      %dma_start3A_1795 = arith.constant 0 : i32
      %dma_start3A_1796 = tpu.memref_slice %arg9[%dma_start3A_1793, %dma_start3A_1794, %dma_start3A_1795] : memref<4x64x128xf32, #tpu.memory_space<vmem>> -> memref<1x64x128xf32, #tpu.memory_space<vmem>>
      %dma_start3A_1797 = tpu.memref_squeeze %dma_start3A_1796 : memref<1x64x128xf32, #tpu.memory_space<vmem>> -> memref<64x128xf32, #tpu.memory_space<vmem>>
      %dma_start3A_1798 = arith.constant 0 : i32
      %dma_start3A_1799 = tpu.memref_slice %arg4[%dma_start3A_1798, %multiple_of3A_1789] : memref<64x1000000xf32, #tpu.memory_space<hbm>> -> memref<64x128xf32, #tpu.memory_space<hbm>>
      %dma_start3A_1800 = arith.constant 0 : i32
      %dma_start3A_1801 = arith.constant 0 : i32
      %dma_start3A_1802 = tpu.memref_slice %arg9[%dma_start3A_1793, %dma_start3A_1800, %dma_start3A_1801] : memref<4x64x128xf32, #tpu.memory_space<vmem>> -> memref<1x64x128xf32, #tpu.memory_space<vmem>>
      %dma_start3A_1803 = tpu.memref_squeeze %dma_start3A_1802 : memref<1x64x128xf32, #tpu.memory_space<vmem>> -> memref<64x128xf32, #tpu.memory_space<vmem>>
      %dma_start3A_1804 = arith.constant 0 : i32
      %dma_start3A_1805 = tpu.memref_slice %arg4[%dma_start3A_1804, %multiple_of3A_1789] : memref<64x1000000xf32, #tpu.memory_space<hbm>> -> memref<64x128xf32, #tpu.memory_space<hbm>>
      tpu.enqueue_dma source(%dma_start3A_1805 : memref<64x128xf32, #tpu.memory_space<hbm>>) target(%dma_start3A_1803 : memref<64x128xf32, #tpu.memory_space<vmem>>) target_semaphore(%arg12 : memref<!tpu.dma_semaphore, #tpu.memory_space<semaphore_mem>>)
      %dma_start3A_1806 = arith.constant 0 : i32
      %dma_start3A_1807 = arith.constant 0 : i32
      %dma_start3A_1808 = arith.constant 0 : i32
      %dma_start3A_1809 = tpu.memref_slice %arg10[%dma_start3A_1806, %dma_start3A_1807, %dma_start3A_1808] : memref<4x64x128xf32, #tpu.memory_space<vmem>> -> memref<1x64x128xf32, #tpu.memory_space<vmem>>
      %dma_start3A_1810 = tpu.memref_squeeze %dma_start3A_1809 : memref<1x64x128xf32, #tpu.memory_space<vmem>> -> memref<64x128xf32, #tpu.memory_space<vmem>>
      %dma_start3A_1811 = arith.constant 0 : i32
      %dma_start3A_1812 = tpu.memref_slice %arg5[%dma_start3A_1811, %multiple_of3A_1792] : memref<64x1000000xf32, #tpu.memory_space<hbm>> -> memref<64x128xf32, #tpu.memory_space<hbm>>
      %dma_start3A_1813 = arith.constant 0 : i32
      %dma_start3A_1814 = arith.constant 0 : i32
      %dma_start3A_1815 = tpu.memref_slice %arg10[%dma_start3A_1806, %dma_start3A_1813, %dma_start3A_1814] : memref<4x64x128xf32, #tpu.memory_space<vmem>> -> memref<1x64x128xf32, #tpu.memory_space<vmem>>
      %dma_start3A_1816 = tpu.memref_squeeze %dma_start3A_1815 : memref<1x64x128xf32, #tpu.memory_space<vmem>> -> memref<64x128xf32, #tpu.memory_space<vmem>>
      %dma_start3A_1817 = arith.constant 0 : i32
      %dma_start3A_1818 = tpu.memref_slice %arg5[%dma_start3A_1817, %multiple_of3A_1792] : memref<64x1000000xf32, #tpu.memory_space<hbm>> -> memref<64x128xf32, #tpu.memory_space<hbm>>
      tpu.enqueue_dma source(%dma_start3A_1818 : memref<64x128xf32, #tpu.memory_space<hbm>>) target(%dma_start3A_1816 : memref<64x128xf32, #tpu.memory_space<vmem>>) target_semaphore(%arg12 : memref<!tpu.dma_semaphore, #tpu.memory_space<semaphore_mem>>)
      %slice3A_1819 = vector.extract_strided_slice %mul3A_41 {offsets = [13], sizes = [1], strides = [1]} : vector<16xi32> to vector<1xi32>
      %squeeze3A_1820 = vector.extract %slice3A_1819[0] : i32 from vector<1xi32>
      %multiple_of3A_1821 = tpu.assume_multiple %squeeze3A_1820, 128 : i32
      %slice3A_1822 = vector.extract_strided_slice %mul3A_75 {offsets = [13], sizes = [1], strides = [1]} : vector<16xi32> to vector<1xi32>
      %squeeze3A_1823 = vector.extract %slice3A_1822[0] : i32 from vector<1xi32>
      %multiple_of3A_1824 = tpu.assume_multiple %squeeze3A_1823, 128 : i32
      %dma_start3A_1825 = arith.constant 1 : i32
      %dma_start3A_1826 = arith.constant 0 : i32
      %dma_start3A_1827 = arith.constant 0 : i32
      %dma_start3A_1828 = tpu.memref_slice %arg9[%dma_start3A_1825, %dma_start3A_1826, %dma_start3A_1827] : memref<4x64x128xf32, #tpu.memory_space<vmem>> -> memref<1x64x128xf32, #tpu.memory_space<vmem>>
      %dma_start3A_1829 = tpu.memref_squeeze %dma_start3A_1828 : memref<1x64x128xf32, #tpu.memory_space<vmem>> -> memref<64x128xf32, #tpu.memory_space<vmem>>
      %dma_start3A_1830 = arith.constant 0 : i32
      %dma_start3A_1831 = tpu.memref_slice %arg4[%dma_start3A_1830, %multiple_of3A_1821] : memref<64x1000000xf32, #tpu.memory_space<hbm>> -> memref<64x128xf32, #tpu.memory_space<hbm>>
      %dma_start3A_1832 = arith.constant 0 : i32
      %dma_start3A_1833 = arith.constant 0 : i32
      %dma_start3A_1834 = tpu.memref_slice %arg9[%dma_start3A_1825, %dma_start3A_1832, %dma_start3A_1833] : memref<4x64x128xf32, #tpu.memory_space<vmem>> -> memref<1x64x128xf32, #tpu.memory_space<vmem>>
      %dma_start3A_1835 = tpu.memref_squeeze %dma_start3A_1834 : memref<1x64x128xf32, #tpu.memory_space<vmem>> -> memref<64x128xf32, #tpu.memory_space<vmem>>
      %dma_start3A_1836 = arith.constant 0 : i32
      %dma_start3A_1837 = tpu.memref_slice %arg4[%dma_start3A_1836, %multiple_of3A_1821] : memref<64x1000000xf32, #tpu.memory_space<hbm>> -> memref<64x128xf32, #tpu.memory_space<hbm>>
      tpu.enqueue_dma source(%dma_start3A_1837 : memref<64x128xf32, #tpu.memory_space<hbm>>) target(%dma_start3A_1835 : memref<64x128xf32, #tpu.memory_space<vmem>>) target_semaphore(%arg12 : memref<!tpu.dma_semaphore, #tpu.memory_space<semaphore_mem>>)
      %dma_start3A_1838 = arith.constant 1 : i32
      %dma_start3A_1839 = arith.constant 0 : i32
      %dma_start3A_1840 = arith.constant 0 : i32
      %dma_start3A_1841 = tpu.memref_slice %arg10[%dma_start3A_1838, %dma_start3A_1839, %dma_start3A_1840] : memref<4x64x128xf32, #tpu.memory_space<vmem>> -> memref<1x64x128xf32, #tpu.memory_space<vmem>>
      %dma_start3A_1842 = tpu.memref_squeeze %dma_start3A_1841 : memref<1x64x128xf32, #tpu.memory_space<vmem>> -> memref<64x128xf32, #tpu.memory_space<vmem>>
      %dma_start3A_1843 = arith.constant 0 : i32
      %dma_start3A_1844 = tpu.memref_slice %arg5[%dma_start3A_1843, %multiple_of3A_1824] : memref<64x1000000xf32, #tpu.memory_space<hbm>> -> memref<64x128xf32, #tpu.memory_space<hbm>>
      %dma_start3A_1845 = arith.constant 0 : i32
      %dma_start3A_1846 = arith.constant 0 : i32
      %dma_start3A_1847 = tpu.memref_slice %arg10[%dma_start3A_1838, %dma_start3A_1845, %dma_start3A_1846] : memref<4x64x128xf32, #tpu.memory_space<vmem>> -> memref<1x64x128xf32, #tpu.memory_space<vmem>>
      %dma_start3A_1848 = tpu.memref_squeeze %dma_start3A_1847 : memref<1x64x128xf32, #tpu.memory_space<vmem>> -> memref<64x128xf32, #tpu.memory_space<vmem>>
      %dma_start3A_1849 = arith.constant 0 : i32
      %dma_start3A_1850 = tpu.memref_slice %arg5[%dma_start3A_1849, %multiple_of3A_1824] : memref<64x1000000xf32, #tpu.memory_space<hbm>> -> memref<64x128xf32, #tpu.memory_space<hbm>>
      tpu.enqueue_dma source(%dma_start3A_1850 : memref<64x128xf32, #tpu.memory_space<hbm>>) target(%dma_start3A_1848 : memref<64x128xf32, #tpu.memory_space<vmem>>) target_semaphore(%arg12 : memref<!tpu.dma_semaphore, #tpu.memory_space<semaphore_mem>>)
      %slice3A_1851 = vector.extract_strided_slice %mul3A_41 {offsets = [14], sizes = [1], strides = [1]} : vector<16xi32> to vector<1xi32>
      %squeeze3A_1852 = vector.extract %slice3A_1851[0] : i32 from vector<1xi32>
      %multiple_of3A_1853 = tpu.assume_multiple %squeeze3A_1852, 128 : i32
      %slice3A_1854 = vector.extract_strided_slice %mul3A_75 {offsets = [14], sizes = [1], strides = [1]} : vector<16xi32> to vector<1xi32>
      %squeeze3A_1855 = vector.extract %slice3A_1854[0] : i32 from vector<1xi32>
      %multiple_of3A_1856 = tpu.assume_multiple %squeeze3A_1855, 128 : i32
      %dma_start3A_1857 = arith.constant 2 : i32
      %dma_start3A_1858 = arith.constant 0 : i32
      %dma_start3A_1859 = arith.constant 0 : i32
      %dma_start3A_1860 = tpu.memref_slice %arg9[%dma_start3A_1857, %dma_start3A_1858, %dma_start3A_1859] : memref<4x64x128xf32, #tpu.memory_space<vmem>> -> memref<1x64x128xf32, #tpu.memory_space<vmem>>
      %dma_start3A_1861 = tpu.memref_squeeze %dma_start3A_1860 : memref<1x64x128xf32, #tpu.memory_space<vmem>> -> memref<64x128xf32, #tpu.memory_space<vmem>>
      %dma_start3A_1862 = arith.constant 0 : i32
      %dma_start3A_1863 = tpu.memref_slice %arg4[%dma_start3A_1862, %multiple_of3A_1853] : memref<64x1000000xf32, #tpu.memory_space<hbm>> -> memref<64x128xf32, #tpu.memory_space<hbm>>
      %dma_start3A_1864 = arith.constant 0 : i32
      %dma_start3A_1865 = arith.constant 0 : i32
      %dma_start3A_1866 = tpu.memref_slice %arg9[%dma_start3A_1857, %dma_start3A_1864, %dma_start3A_1865] : memref<4x64x128xf32, #tpu.memory_space<vmem>> -> memref<1x64x128xf32, #tpu.memory_space<vmem>>
      %dma_start3A_1867 = tpu.memref_squeeze %dma_start3A_1866 : memref<1x64x128xf32, #tpu.memory_space<vmem>> -> memref<64x128xf32, #tpu.memory_space<vmem>>
      %dma_start3A_1868 = arith.constant 0 : i32
      %dma_start3A_1869 = tpu.memref_slice %arg4[%dma_start3A_1868, %multiple_of3A_1853] : memref<64x1000000xf32, #tpu.memory_space<hbm>> -> memref<64x128xf32, #tpu.memory_space<hbm>>
      tpu.enqueue_dma source(%dma_start3A_1869 : memref<64x128xf32, #tpu.memory_space<hbm>>) target(%dma_start3A_1867 : memref<64x128xf32, #tpu.memory_space<vmem>>) target_semaphore(%arg12 : memref<!tpu.dma_semaphore, #tpu.memory_space<semaphore_mem>>)
      %dma_start3A_1870 = arith.constant 2 : i32
      %dma_start3A_1871 = arith.constant 0 : i32
      %dma_start3A_1872 = arith.constant 0 : i32
      %dma_start3A_1873 = tpu.memref_slice %arg10[%dma_start3A_1870, %dma_start3A_1871, %dma_start3A_1872] : memref<4x64x128xf32, #tpu.memory_space<vmem>> -> memref<1x64x128xf32, #tpu.memory_space<vmem>>
      %dma_start3A_1874 = tpu.memref_squeeze %dma_start3A_1873 : memref<1x64x128xf32, #tpu.memory_space<vmem>> -> memref<64x128xf32, #tpu.memory_space<vmem>>
      %dma_start3A_1875 = arith.constant 0 : i32
      %dma_start3A_1876 = tpu.memref_slice %arg5[%dma_start3A_1875, %multiple_of3A_1856] : memref<64x1000000xf32, #tpu.memory_space<hbm>> -> memref<64x128xf32, #tpu.memory_space<hbm>>
      %dma_start3A_1877 = arith.constant 0 : i32
      %dma_start3A_1878 = arith.constant 0 : i32
      %dma_start3A_1879 = tpu.memref_slice %arg10[%dma_start3A_1870, %dma_start3A_1877, %dma_start3A_1878] : memref<4x64x128xf32, #tpu.memory_space<vmem>> -> memref<1x64x128xf32, #tpu.memory_space<vmem>>
      %dma_start3A_1880 = tpu.memref_squeeze %dma_start3A_1879 : memref<1x64x128xf32, #tpu.memory_space<vmem>> -> memref<64x128xf32, #tpu.memory_space<vmem>>
      %dma_start3A_1881 = arith.constant 0 : i32
      %dma_start3A_1882 = tpu.memref_slice %arg5[%dma_start3A_1881, %multiple_of3A_1856] : memref<64x1000000xf32, #tpu.memory_space<hbm>> -> memref<64x128xf32, #tpu.memory_space<hbm>>
      tpu.enqueue_dma source(%dma_start3A_1882 : memref<64x128xf32, #tpu.memory_space<hbm>>) target(%dma_start3A_1880 : memref<64x128xf32, #tpu.memory_space<vmem>>) target_semaphore(%arg12 : memref<!tpu.dma_semaphore, #tpu.memory_space<semaphore_mem>>)
      %slice3A_1883 = vector.extract_strided_slice %mul3A_41 {offsets = [15], sizes = [1], strides = [1]} : vector<16xi32> to vector<1xi32>
      %squeeze3A_1884 = vector.extract %slice3A_1883[0] : i32 from vector<1xi32>
      %multiple_of3A_1885 = tpu.assume_multiple %squeeze3A_1884, 128 : i32
      %slice3A_1886 = vector.extract_strided_slice %mul3A_75 {offsets = [15], sizes = [1], strides = [1]} : vector<16xi32> to vector<1xi32>
      %squeeze3A_1887 = vector.extract %slice3A_1886[0] : i32 from vector<1xi32>
      %multiple_of3A_1888 = tpu.assume_multiple %squeeze3A_1887, 128 : i32
      %dma_start3A_1889 = arith.constant 3 : i32
      %dma_start3A_1890 = arith.constant 0 : i32
      %dma_start3A_1891 = arith.constant 0 : i32
      %dma_start3A_1892 = tpu.memref_slice %arg9[%dma_start3A_1889, %dma_start3A_1890, %dma_start3A_1891] : memref<4x64x128xf32, #tpu.memory_space<vmem>> -> memref<1x64x128xf32, #tpu.memory_space<vmem>>
      %dma_start3A_1893 = tpu.memref_squeeze %dma_start3A_1892 : memref<1x64x128xf32, #tpu.memory_space<vmem>> -> memref<64x128xf32, #tpu.memory_space<vmem>>
      %dma_start3A_1894 = arith.constant 0 : i32
      %dma_start3A_1895 = tpu.memref_slice %arg4[%dma_start3A_1894, %multiple_of3A_1885] : memref<64x1000000xf32, #tpu.memory_space<hbm>> -> memref<64x128xf32, #tpu.memory_space<hbm>>
      %dma_start3A_1896 = arith.constant 0 : i32
      %dma_start3A_1897 = arith.constant 0 : i32
      %dma_start3A_1898 = tpu.memref_slice %arg9[%dma_start3A_1889, %dma_start3A_1896, %dma_start3A_1897] : memref<4x64x128xf32, #tpu.memory_space<vmem>> -> memref<1x64x128xf32, #tpu.memory_space<vmem>>
      %dma_start3A_1899 = tpu.memref_squeeze %dma_start3A_1898 : memref<1x64x128xf32, #tpu.memory_space<vmem>> -> memref<64x128xf32, #tpu.memory_space<vmem>>
      %dma_start3A_1900 = arith.constant 0 : i32
      %dma_start3A_1901 = tpu.memref_slice %arg4[%dma_start3A_1900, %multiple_of3A_1885] : memref<64x1000000xf32, #tpu.memory_space<hbm>> -> memref<64x128xf32, #tpu.memory_space<hbm>>
      tpu.enqueue_dma source(%dma_start3A_1901 : memref<64x128xf32, #tpu.memory_space<hbm>>) target(%dma_start3A_1899 : memref<64x128xf32, #tpu.memory_space<vmem>>) target_semaphore(%arg12 : memref<!tpu.dma_semaphore, #tpu.memory_space<semaphore_mem>>)
      %dma_start3A_1902 = arith.constant 3 : i32
      %dma_start3A_1903 = arith.constant 0 : i32
      %dma_start3A_1904 = arith.constant 0 : i32
      %dma_start3A_1905 = tpu.memref_slice %arg10[%dma_start3A_1902, %dma_start3A_1903, %dma_start3A_1904] : memref<4x64x128xf32, #tpu.memory_space<vmem>> -> memref<1x64x128xf32, #tpu.memory_space<vmem>>
      %dma_start3A_1906 = tpu.memref_squeeze %dma_start3A_1905 : memref<1x64x128xf32, #tpu.memory_space<vmem>> -> memref<64x128xf32, #tpu.memory_space<vmem>>
      %dma_start3A_1907 = arith.constant 0 : i32
      %dma_start3A_1908 = tpu.memref_slice %arg5[%dma_start3A_1907, %multiple_of3A_1888] : memref<64x1000000xf32, #tpu.memory_space<hbm>> -> memref<64x128xf32, #tpu.memory_space<hbm>>
      %dma_start3A_1909 = arith.constant 0 : i32
      %dma_start3A_1910 = arith.constant 0 : i32
      %dma_start3A_1911 = tpu.memref_slice %arg10[%dma_start3A_1902, %dma_start3A_1909, %dma_start3A_1910] : memref<4x64x128xf32, #tpu.memory_space<vmem>> -> memref<1x64x128xf32, #tpu.memory_space<vmem>>
      %dma_start3A_1912 = tpu.memref_squeeze %dma_start3A_1911 : memref<1x64x128xf32, #tpu.memory_space<vmem>> -> memref<64x128xf32, #tpu.memory_space<vmem>>
      %dma_start3A_1913 = arith.constant 0 : i32
      %dma_start3A_1914 = tpu.memref_slice %arg5[%dma_start3A_1913, %multiple_of3A_1888] : memref<64x1000000xf32, #tpu.memory_space<hbm>> -> memref<64x128xf32, #tpu.memory_space<hbm>>
      tpu.enqueue_dma source(%dma_start3A_1914 : memref<64x128xf32, #tpu.memory_space<hbm>>) target(%dma_start3A_1912 : memref<64x128xf32, #tpu.memory_space<vmem>>) target_semaphore(%arg12 : memref<!tpu.dma_semaphore, #tpu.memory_space<semaphore_mem>>)
      %dma_wait3A_1915 = arith.constant 0 : i32
      %dma_wait3A_1916 = arith.constant 0 : i32
      %dma_wait3A_1917 = arith.constant 0 : i32
      %dma_wait3A_1918 = tpu.memref_slice %arg9[%dma_wait3A_1915, %dma_wait3A_1916, %dma_wait3A_1917] : memref<4x64x128xf32, #tpu.memory_space<vmem>> -> memref<1x64x128xf32, #tpu.memory_space<vmem>>
      %dma_wait3A_1919 = tpu.memref_squeeze %dma_wait3A_1918 : memref<1x64x128xf32, #tpu.memory_space<vmem>> -> memref<64x128xf32, #tpu.memory_space<vmem>>
      %dma_wait3A_1920 = arith.constant 0 : i32
      %dma_wait3A_1921 = tpu.memref_slice %arg4[%dma_wait3A_1920, %multiple_of3A_1789] : memref<64x1000000xf32, #tpu.memory_space<hbm>> -> memref<64x128xf32, #tpu.memory_space<hbm>>
      %dma_wait3A_1922 = arith.constant 0 : i32
      %dma_wait3A_1923 = arith.constant 0 : i32
      %dma_wait3A_1924 = tpu.memref_slice %arg9[%dma_wait3A_1915, %dma_wait3A_1922, %dma_wait3A_1923] : memref<4x64x128xf32, #tpu.memory_space<vmem>> -> memref<1x64x128xf32, #tpu.memory_space<vmem>>
      %dma_wait3A_1925 = tpu.memref_squeeze %dma_wait3A_1924 : memref<1x64x128xf32, #tpu.memory_space<vmem>> -> memref<64x128xf32, #tpu.memory_space<vmem>>
      %dma_wait3A_1926 = arith.constant 0 : i32
      %dma_wait3A_1927 = tpu.memref_slice %arg4[%dma_wait3A_1926, %multiple_of3A_1789] : memref<64x1000000xf32, #tpu.memory_space<hbm>> -> memref<64x128xf32, #tpu.memory_space<hbm>>
      tpu.wait_dma2 semaphore(%arg12 : memref<!tpu.dma_semaphore, #tpu.memory_space<semaphore_mem>>) src(%dma_wait3A_1927 : memref<64x128xf32, #tpu.memory_space<hbm>>) dst(%dma_wait3A_1925 : memref<64x128xf32, #tpu.memory_space<vmem>>)
      %dma_wait3A_1928 = arith.constant 0 : i32
      %dma_wait3A_1929 = arith.constant 0 : i32
      %dma_wait3A_1930 = arith.constant 0 : i32
      %dma_wait3A_1931 = tpu.memref_slice %arg10[%dma_wait3A_1928, %dma_wait3A_1929, %dma_wait3A_1930] : memref<4x64x128xf32, #tpu.memory_space<vmem>> -> memref<1x64x128xf32, #tpu.memory_space<vmem>>
      %dma_wait3A_1932 = tpu.memref_squeeze %dma_wait3A_1931 : memref<1x64x128xf32, #tpu.memory_space<vmem>> -> memref<64x128xf32, #tpu.memory_space<vmem>>
      %dma_wait3A_1933 = arith.constant 0 : i32
      %dma_wait3A_1934 = tpu.memref_slice %arg5[%dma_wait3A_1933, %multiple_of3A_1792] : memref<64x1000000xf32, #tpu.memory_space<hbm>> -> memref<64x128xf32, #tpu.memory_space<hbm>>
      %dma_wait3A_1935 = arith.constant 0 : i32
      %dma_wait3A_1936 = arith.constant 0 : i32
      %dma_wait3A_1937 = tpu.memref_slice %arg10[%dma_wait3A_1928, %dma_wait3A_1935, %dma_wait3A_1936] : memref<4x64x128xf32, #tpu.memory_space<vmem>> -> memref<1x64x128xf32, #tpu.memory_space<vmem>>
      %dma_wait3A_1938 = tpu.memref_squeeze %dma_wait3A_1937 : memref<1x64x128xf32, #tpu.memory_space<vmem>> -> memref<64x128xf32, #tpu.memory_space<vmem>>
      %dma_wait3A_1939 = arith.constant 0 : i32
      %dma_wait3A_1940 = tpu.memref_slice %arg5[%dma_wait3A_1939, %multiple_of3A_1792] : memref<64x1000000xf32, #tpu.memory_space<hbm>> -> memref<64x128xf32, #tpu.memory_space<hbm>>
      tpu.wait_dma2 semaphore(%arg12 : memref<!tpu.dma_semaphore, #tpu.memory_space<semaphore_mem>>) src(%dma_wait3A_1940 : memref<64x128xf32, #tpu.memory_space<hbm>>) dst(%dma_wait3A_1938 : memref<64x128xf32, #tpu.memory_space<vmem>>)
      %dma_wait3A_1941 = arith.constant 1 : i32
      %dma_wait3A_1942 = arith.constant 0 : i32
      %dma_wait3A_1943 = arith.constant 0 : i32
      %dma_wait3A_1944 = tpu.memref_slice %arg9[%dma_wait3A_1941, %dma_wait3A_1942, %dma_wait3A_1943] : memref<4x64x128xf32, #tpu.memory_space<vmem>> -> memref<1x64x128xf32, #tpu.memory_space<vmem>>
      %dma_wait3A_1945 = tpu.memref_squeeze %dma_wait3A_1944 : memref<1x64x128xf32, #tpu.memory_space<vmem>> -> memref<64x128xf32, #tpu.memory_space<vmem>>
      %dma_wait3A_1946 = arith.constant 0 : i32
      %dma_wait3A_1947 = tpu.memref_slice %arg4[%dma_wait3A_1946, %multiple_of3A_1821] : memref<64x1000000xf32, #tpu.memory_space<hbm>> -> memref<64x128xf32, #tpu.memory_space<hbm>>
      %dma_wait3A_1948 = arith.constant 0 : i32
      %dma_wait3A_1949 = arith.constant 0 : i32
      %dma_wait3A_1950 = tpu.memref_slice %arg9[%dma_wait3A_1941, %dma_wait3A_1948, %dma_wait3A_1949] : memref<4x64x128xf32, #tpu.memory_space<vmem>> -> memref<1x64x128xf32, #tpu.memory_space<vmem>>
      %dma_wait3A_1951 = tpu.memref_squeeze %dma_wait3A_1950 : memref<1x64x128xf32, #tpu.memory_space<vmem>> -> memref<64x128xf32, #tpu.memory_space<vmem>>
      %dma_wait3A_1952 = arith.constant 0 : i32
      %dma_wait3A_1953 = tpu.memref_slice %arg4[%dma_wait3A_1952, %multiple_of3A_1821] : memref<64x1000000xf32, #tpu.memory_space<hbm>> -> memref<64x128xf32, #tpu.memory_space<hbm>>
      tpu.wait_dma2 semaphore(%arg12 : memref<!tpu.dma_semaphore, #tpu.memory_space<semaphore_mem>>) src(%dma_wait3A_1953 : memref<64x128xf32, #tpu.memory_space<hbm>>) dst(%dma_wait3A_1951 : memref<64x128xf32, #tpu.memory_space<vmem>>)
      %dma_wait3A_1954 = arith.constant 1 : i32
      %dma_wait3A_1955 = arith.constant 0 : i32
      %dma_wait3A_1956 = arith.constant 0 : i32
      %dma_wait3A_1957 = tpu.memref_slice %arg10[%dma_wait3A_1954, %dma_wait3A_1955, %dma_wait3A_1956] : memref<4x64x128xf32, #tpu.memory_space<vmem>> -> memref<1x64x128xf32, #tpu.memory_space<vmem>>
      %dma_wait3A_1958 = tpu.memref_squeeze %dma_wait3A_1957 : memref<1x64x128xf32, #tpu.memory_space<vmem>> -> memref<64x128xf32, #tpu.memory_space<vmem>>
      %dma_wait3A_1959 = arith.constant 0 : i32
      %dma_wait3A_1960 = tpu.memref_slice %arg5[%dma_wait3A_1959, %multiple_of3A_1824] : memref<64x1000000xf32, #tpu.memory_space<hbm>> -> memref<64x128xf32, #tpu.memory_space<hbm>>
      %dma_wait3A_1961 = arith.constant 0 : i32
      %dma_wait3A_1962 = arith.constant 0 : i32
      %dma_wait3A_1963 = tpu.memref_slice %arg10[%dma_wait3A_1954, %dma_wait3A_1961, %dma_wait3A_1962] : memref<4x64x128xf32, #tpu.memory_space<vmem>> -> memref<1x64x128xf32, #tpu.memory_space<vmem>>
      %dma_wait3A_1964 = tpu.memref_squeeze %dma_wait3A_1963 : memref<1x64x128xf32, #tpu.memory_space<vmem>> -> memref<64x128xf32, #tpu.memory_space<vmem>>
      %dma_wait3A_1965 = arith.constant 0 : i32
      %dma_wait3A_1966 = tpu.memref_slice %arg5[%dma_wait3A_1965, %multiple_of3A_1824] : memref<64x1000000xf32, #tpu.memory_space<hbm>> -> memref<64x128xf32, #tpu.memory_space<hbm>>
      tpu.wait_dma2 semaphore(%arg12 : memref<!tpu.dma_semaphore, #tpu.memory_space<semaphore_mem>>) src(%dma_wait3A_1966 : memref<64x128xf32, #tpu.memory_space<hbm>>) dst(%dma_wait3A_1964 : memref<64x128xf32, #tpu.memory_space<vmem>>)
      %dma_wait3A_1967 = arith.constant 2 : i32
      %dma_wait3A_1968 = arith.constant 0 : i32
      %dma_wait3A_1969 = arith.constant 0 : i32
      %dma_wait3A_1970 = tpu.memref_slice %arg9[%dma_wait3A_1967, %dma_wait3A_1968, %dma_wait3A_1969] : memref<4x64x128xf32, #tpu.memory_space<vmem>> -> memref<1x64x128xf32, #tpu.memory_space<vmem>>
      %dma_wait3A_1971 = tpu.memref_squeeze %dma_wait3A_1970 : memref<1x64x128xf32, #tpu.memory_space<vmem>> -> memref<64x128xf32, #tpu.memory_space<vmem>>
      %dma_wait3A_1972 = arith.constant 0 : i32
      %dma_wait3A_1973 = tpu.memref_slice %arg4[%dma_wait3A_1972, %multiple_of3A_1853] : memref<64x1000000xf32, #tpu.memory_space<hbm>> -> memref<64x128xf32, #tpu.memory_space<hbm>>
      %dma_wait3A_1974 = arith.constant 0 : i32
      %dma_wait3A_1975 = arith.constant 0 : i32
      %dma_wait3A_1976 = tpu.memref_slice %arg9[%dma_wait3A_1967, %dma_wait3A_1974, %dma_wait3A_1975] : memref<4x64x128xf32, #tpu.memory_space<vmem>> -> memref<1x64x128xf32, #tpu.memory_space<vmem>>
      %dma_wait3A_1977 = tpu.memref_squeeze %dma_wait3A_1976 : memref<1x64x128xf32, #tpu.memory_space<vmem>> -> memref<64x128xf32, #tpu.memory_space<vmem>>
      %dma_wait3A_1978 = arith.constant 0 : i32
      %dma_wait3A_1979 = tpu.memref_slice %arg4[%dma_wait3A_1978, %multiple_of3A_1853] : memref<64x1000000xf32, #tpu.memory_space<hbm>> -> memref<64x128xf32, #tpu.memory_space<hbm>>
      tpu.wait_dma2 semaphore(%arg12 : memref<!tpu.dma_semaphore, #tpu.memory_space<semaphore_mem>>) src(%dma_wait3A_1979 : memref<64x128xf32, #tpu.memory_space<hbm>>) dst(%dma_wait3A_1977 : memref<64x128xf32, #tpu.memory_space<vmem>>)
      %dma_wait3A_1980 = arith.constant 2 : i32
      %dma_wait3A_1981 = arith.constant 0 : i32
      %dma_wait3A_1982 = arith.constant 0 : i32
      %dma_wait3A_1983 = tpu.memref_slice %arg10[%dma_wait3A_1980, %dma_wait3A_1981, %dma_wait3A_1982] : memref<4x64x128xf32, #tpu.memory_space<vmem>> -> memref<1x64x128xf32, #tpu.memory_space<vmem>>
      %dma_wait3A_1984 = tpu.memref_squeeze %dma_wait3A_1983 : memref<1x64x128xf32, #tpu.memory_space<vmem>> -> memref<64x128xf32, #tpu.memory_space<vmem>>
      %dma_wait3A_1985 = arith.constant 0 : i32
      %dma_wait3A_1986 = tpu.memref_slice %arg5[%dma_wait3A_1985, %multiple_of3A_1856] : memref<64x1000000xf32, #tpu.memory_space<hbm>> -> memref<64x128xf32, #tpu.memory_space<hbm>>
      %dma_wait3A_1987 = arith.constant 0 : i32
      %dma_wait3A_1988 = arith.constant 0 : i32
      %dma_wait3A_1989 = tpu.memref_slice %arg10[%dma_wait3A_1980, %dma_wait3A_1987, %dma_wait3A_1988] : memref<4x64x128xf32, #tpu.memory_space<vmem>> -> memref<1x64x128xf32, #tpu.memory_space<vmem>>
      %dma_wait3A_1990 = tpu.memref_squeeze %dma_wait3A_1989 : memref<1x64x128xf32, #tpu.memory_space<vmem>> -> memref<64x128xf32, #tpu.memory_space<vmem>>
      %dma_wait3A_1991 = arith.constant 0 : i32
      %dma_wait3A_1992 = tpu.memref_slice %arg5[%dma_wait3A_1991, %multiple_of3A_1856] : memref<64x1000000xf32, #tpu.memory_space<hbm>> -> memref<64x128xf32, #tpu.memory_space<hbm>>
      tpu.wait_dma2 semaphore(%arg12 : memref<!tpu.dma_semaphore, #tpu.memory_space<semaphore_mem>>) src(%dma_wait3A_1992 : memref<64x128xf32, #tpu.memory_space<hbm>>) dst(%dma_wait3A_1990 : memref<64x128xf32, #tpu.memory_space<vmem>>)
      %dma_wait3A_1993 = arith.constant 3 : i32
      %dma_wait3A_1994 = arith.constant 0 : i32
      %dma_wait3A_1995 = arith.constant 0 : i32
      %dma_wait3A_1996 = tpu.memref_slice %arg9[%dma_wait3A_1993, %dma_wait3A_1994, %dma_wait3A_1995] : memref<4x64x128xf32, #tpu.memory_space<vmem>> -> memref<1x64x128xf32, #tpu.memory_space<vmem>>
      %dma_wait3A_1997 = tpu.memref_squeeze %dma_wait3A_1996 : memref<1x64x128xf32, #tpu.memory_space<vmem>> -> memref<64x128xf32, #tpu.memory_space<vmem>>
      %dma_wait3A_1998 = arith.constant 0 : i32
      %dma_wait3A_1999 = tpu.memref_slice %arg4[%dma_wait3A_1998, %multiple_of3A_1885] : memref<64x1000000xf32, #tpu.memory_space<hbm>> -> memref<64x128xf32, #tpu.memory_space<hbm>>
      %dma_wait3A_2000 = arith.constant 0 : i32
      %dma_wait3A_2001 = arith.constant 0 : i32
      %dma_wait3A_2002 = tpu.memref_slice %arg9[%dma_wait3A_1993, %dma_wait3A_2000, %dma_wait3A_2001] : memref<4x64x128xf32, #tpu.memory_space<vmem>> -> memref<1x64x128xf32, #tpu.memory_space<vmem>>
      %dma_wait3A_2003 = tpu.memref_squeeze %dma_wait3A_2002 : memref<1x64x128xf32, #tpu.memory_space<vmem>> -> memref<64x128xf32, #tpu.memory_space<vmem>>
      %dma_wait3A_2004 = arith.constant 0 : i32
      %dma_wait3A_2005 = tpu.memref_slice %arg4[%dma_wait3A_2004, %multiple_of3A_1885] : memref<64x1000000xf32, #tpu.memory_space<hbm>> -> memref<64x128xf32, #tpu.memory_space<hbm>>
      tpu.wait_dma2 semaphore(%arg12 : memref<!tpu.dma_semaphore, #tpu.memory_space<semaphore_mem>>) src(%dma_wait3A_2005 : memref<64x128xf32, #tpu.memory_space<hbm>>) dst(%dma_wait3A_2003 : memref<64x128xf32, #tpu.memory_space<vmem>>)
      %dma_wait3A_2006 = arith.constant 3 : i32
      %dma_wait3A_2007 = arith.constant 0 : i32
      %dma_wait3A_2008 = arith.constant 0 : i32
      %dma_wait3A_2009 = tpu.memref_slice %arg10[%dma_wait3A_2006, %dma_wait3A_2007, %dma_wait3A_2008] : memref<4x64x128xf32, #tpu.memory_space<vmem>> -> memref<1x64x128xf32, #tpu.memory_space<vmem>>
      %dma_wait3A_2010 = tpu.memref_squeeze %dma_wait3A_2009 : memref<1x64x128xf32, #tpu.memory_space<vmem>> -> memref<64x128xf32, #tpu.memory_space<vmem>>
      %dma_wait3A_2011 = arith.constant 0 : i32
      %dma_wait3A_2012 = tpu.memref_slice %arg5[%dma_wait3A_2011, %multiple_of3A_1888] : memref<64x1000000xf32, #tpu.memory_space<hbm>> -> memref<64x128xf32, #tpu.memory_space<hbm>>
      %dma_wait3A_2013 = arith.constant 0 : i32
      %dma_wait3A_2014 = arith.constant 0 : i32
      %dma_wait3A_2015 = tpu.memref_slice %arg10[%dma_wait3A_2006, %dma_wait3A_2013, %dma_wait3A_2014] : memref<4x64x128xf32, #tpu.memory_space<vmem>> -> memref<1x64x128xf32, #tpu.memory_space<vmem>>
      %dma_wait3A_2016 = tpu.memref_squeeze %dma_wait3A_2015 : memref<1x64x128xf32, #tpu.memory_space<vmem>> -> memref<64x128xf32, #tpu.memory_space<vmem>>
      %dma_wait3A_2017 = arith.constant 0 : i32
      %dma_wait3A_2018 = tpu.memref_slice %arg5[%dma_wait3A_2017, %multiple_of3A_1888] : memref<64x1000000xf32, #tpu.memory_space<hbm>> -> memref<64x128xf32, #tpu.memory_space<hbm>>
      tpu.wait_dma2 semaphore(%arg12 : memref<!tpu.dma_semaphore, #tpu.memory_space<semaphore_mem>>) src(%dma_wait3A_2018 : memref<64x128xf32, #tpu.memory_space<hbm>>) dst(%dma_wait3A_2016 : memref<64x128xf32, #tpu.memory_space<vmem>>)
      %slice3A_2019 = vector.extract_strided_slice %sub3A_76 {offsets = [12], sizes = [1], strides = [1]} : vector<16xi32> to vector<1xi32>
      %squeeze3A_2020 = vector.extract %slice3A_2019[0] : i32 from vector<1xi32>
      %broadcast_in_dim3A_2021 = vector.broadcast %squeeze3A_2020 : i32 to vector<16xi32>
      %slice3A_2022 = vector.extract_strided_slice %sub3A_77 {offsets = [12], sizes = [1], strides = [1]} : vector<16xi32> to vector<1xi32>
      %squeeze3A_2023 = vector.extract %slice3A_2022[0] : i32 from vector<1xi32>
      %broadcast_in_dim3A_2024 = vector.broadcast %squeeze3A_2023 : i32 to vector<16xi32>
      %broadcast_in_dim3A_2025 = arith.constant 0.000000e+00 : f32
      %broadcast_in_dim3A_2026 = vector.broadcast %broadcast_in_dim3A_2025 : f32 to vector<16xf32>
      %add3A_2027 = arith.constant 0 : i32
      %add3A_2028 = vector.broadcast %add3A_2027 : i32 to vector<16xi32>
      %add3A_2029 = arith.addi %add3A_2028, %iota3A : vector<16xi32>
      %gather3A_2030 = arith.constant 0 : i32
      %gather3A_2031 = arith.constant 0 : i32
      %gather3A_2032 = arith.constant 0 : i32
      %gather3A_2033 = tpu.memref_slice %arg9[%gather3A_2030, %gather3A_2031, %gather3A_2032] : memref<4x64x128xf32, #tpu.memory_space<vmem>> -> memref<1x64x128xf32, #tpu.memory_space<vmem>>
      %gather3A_2034 = tpu.memref_squeeze %gather3A_2033 : memref<1x64x128xf32, #tpu.memory_space<vmem>> -> memref<64x128xf32, #tpu.memory_space<vmem>>
      %gather3A_2035 = tpu.vector_load_idx %gather3A_2034[%add3A_2029, %broadcast_in_dim3A_2021] : memref<64x128xf32, #tpu.memory_space<vmem>>[vector<16xi32>, vector<16xi32>], vector<16xf32>,
      %gather3A_2036 = arith.constant 0 : i32
      %gather3A_2037 = arith.constant 0 : i32
      %gather3A_2038 = arith.constant 0 : i32
      %gather3A_2039 = tpu.memref_slice %arg10[%gather3A_2036, %gather3A_2037, %gather3A_2038] : memref<4x64x128xf32, #tpu.memory_space<vmem>> -> memref<1x64x128xf32, #tpu.memory_space<vmem>>
      %gather3A_2040 = tpu.memref_squeeze %gather3A_2039 : memref<1x64x128xf32, #tpu.memory_space<vmem>> -> memref<64x128xf32, #tpu.memory_space<vmem>>
      %gather3A_2041 = tpu.vector_load_idx %gather3A_2040[%add3A_2029, %broadcast_in_dim3A_2024] : memref<64x128xf32, #tpu.memory_space<vmem>>[vector<16xi32>, vector<16xi32>], vector<16xf32>,
      %mul3A_2042 = arith.mulf %gather3A_2035, %gather3A_2041 : vector<16xf32>
      %add3A_2043 = arith.addf %broadcast_in_dim3A_2026, %mul3A_2042 : vector<16xf32>
      %add3A_2044 = arith.constant 16 : i32
      %add3A_2045 = vector.broadcast %add3A_2044 : i32 to vector<16xi32>
      %add3A_2046 = arith.addi %add3A_2045, %iota3A : vector<16xi32>
      %gather3A_2047 = arith.constant 0 : i32
      %gather3A_2048 = arith.constant 0 : i32
      %gather3A_2049 = arith.constant 0 : i32
      %gather3A_2050 = tpu.memref_slice %arg9[%gather3A_2047, %gather3A_2048, %gather3A_2049] : memref<4x64x128xf32, #tpu.memory_space<vmem>> -> memref<1x64x128xf32, #tpu.memory_space<vmem>>
      %gather3A_2051 = tpu.memref_squeeze %gather3A_2050 : memref<1x64x128xf32, #tpu.memory_space<vmem>> -> memref<64x128xf32, #tpu.memory_space<vmem>>
      %gather3A_2052 = tpu.vector_load_idx %gather3A_2051[%add3A_2046, %broadcast_in_dim3A_2021] : memref<64x128xf32, #tpu.memory_space<vmem>>[vector<16xi32>, vector<16xi32>], vector<16xf32>,
      %gather3A_2053 = arith.constant 0 : i32
      %gather3A_2054 = arith.constant 0 : i32
      %gather3A_2055 = arith.constant 0 : i32
      %gather3A_2056 = tpu.memref_slice %arg10[%gather3A_2053, %gather3A_2054, %gather3A_2055] : memref<4x64x128xf32, #tpu.memory_space<vmem>> -> memref<1x64x128xf32, #tpu.memory_space<vmem>>
      %gather3A_2057 = tpu.memref_squeeze %gather3A_2056 : memref<1x64x128xf32, #tpu.memory_space<vmem>> -> memref<64x128xf32, #tpu.memory_space<vmem>>
      %gather3A_2058 = tpu.vector_load_idx %gather3A_2057[%add3A_2046, %broadcast_in_dim3A_2024] : memref<64x128xf32, #tpu.memory_space<vmem>>[vector<16xi32>, vector<16xi32>], vector<16xf32>,
      %mul3A_2059 = arith.mulf %gather3A_2052, %gather3A_2058 : vector<16xf32>
      %add3A_2060 = arith.addf %add3A_2043, %mul3A_2059 : vector<16xf32>
      %add3A_2061 = arith.constant 32 : i32
      %add3A_2062 = vector.broadcast %add3A_2061 : i32 to vector<16xi32>
      %add3A_2063 = arith.addi %add3A_2062, %iota3A : vector<16xi32>
      %gather3A_2064 = arith.constant 0 : i32
      %gather3A_2065 = arith.constant 0 : i32
      %gather3A_2066 = arith.constant 0 : i32
      %gather3A_2067 = tpu.memref_slice %arg9[%gather3A_2064, %gather3A_2065, %gather3A_2066] : memref<4x64x128xf32, #tpu.memory_space<vmem>> -> memref<1x64x128xf32, #tpu.memory_space<vmem>>
      %gather3A_2068 = tpu.memref_squeeze %gather3A_2067 : memref<1x64x128xf32, #tpu.memory_space<vmem>> -> memref<64x128xf32, #tpu.memory_space<vmem>>
      %gather3A_2069 = tpu.vector_load_idx %gather3A_2068[%add3A_2063, %broadcast_in_dim3A_2021] : memref<64x128xf32, #tpu.memory_space<vmem>>[vector<16xi32>, vector<16xi32>], vector<16xf32>,
      %gather3A_2070 = arith.constant 0 : i32
      %gather3A_2071 = arith.constant 0 : i32
      %gather3A_2072 = arith.constant 0 : i32
      %gather3A_2073 = tpu.memref_slice %arg10[%gather3A_2070, %gather3A_2071, %gather3A_2072] : memref<4x64x128xf32, #tpu.memory_space<vmem>> -> memref<1x64x128xf32, #tpu.memory_space<vmem>>
      %gather3A_2074 = tpu.memref_squeeze %gather3A_2073 : memref<1x64x128xf32, #tpu.memory_space<vmem>> -> memref<64x128xf32, #tpu.memory_space<vmem>>
      %gather3A_2075 = tpu.vector_load_idx %gather3A_2074[%add3A_2063, %broadcast_in_dim3A_2024] : memref<64x128xf32, #tpu.memory_space<vmem>>[vector<16xi32>, vector<16xi32>], vector<16xf32>,
      %mul3A_2076 = arith.mulf %gather3A_2069, %gather3A_2075 : vector<16xf32>
      %add3A_2077 = arith.addf %add3A_2060, %mul3A_2076 : vector<16xf32>
      %add3A_2078 = arith.constant 48 : i32
      %add3A_2079 = vector.broadcast %add3A_2078 : i32 to vector<16xi32>
      %add3A_2080 = arith.addi %add3A_2079, %iota3A : vector<16xi32>
      %gather3A_2081 = arith.constant 0 : i32
      %gather3A_2082 = arith.constant 0 : i32
      %gather3A_2083 = arith.constant 0 : i32
      %gather3A_2084 = tpu.memref_slice %arg9[%gather3A_2081, %gather3A_2082, %gather3A_2083] : memref<4x64x128xf32, #tpu.memory_space<vmem>> -> memref<1x64x128xf32, #tpu.memory_space<vmem>>
      %gather3A_2085 = tpu.memref_squeeze %gather3A_2084 : memref<1x64x128xf32, #tpu.memory_space<vmem>> -> memref<64x128xf32, #tpu.memory_space<vmem>>
      %gather3A_2086 = tpu.vector_load_idx %gather3A_2085[%add3A_2080, %broadcast_in_dim3A_2021] : memref<64x128xf32, #tpu.memory_space<vmem>>[vector<16xi32>, vector<16xi32>], vector<16xf32>,
      %gather3A_2087 = arith.constant 0 : i32
      %gather3A_2088 = arith.constant 0 : i32
      %gather3A_2089 = arith.constant 0 : i32
      %gather3A_2090 = tpu.memref_slice %arg10[%gather3A_2087, %gather3A_2088, %gather3A_2089] : memref<4x64x128xf32, #tpu.memory_space<vmem>> -> memref<1x64x128xf32, #tpu.memory_space<vmem>>
      %gather3A_2091 = tpu.memref_squeeze %gather3A_2090 : memref<1x64x128xf32, #tpu.memory_space<vmem>> -> memref<64x128xf32, #tpu.memory_space<vmem>>
      %gather3A_2092 = tpu.vector_load_idx %gather3A_2091[%add3A_2080, %broadcast_in_dim3A_2024] : memref<64x128xf32, #tpu.memory_space<vmem>>[vector<16xi32>, vector<16xi32>], vector<16xf32>,
      %mul3A_2093 = arith.mulf %gather3A_2086, %gather3A_2092 : vector<16xf32>
      %add3A_2094 = arith.addf %add3A_2077, %mul3A_2093 : vector<16xf32>
      %reduce_sum3A_2095 = arith.constant true
      %reduce_sum3A_2096 = vector.broadcast %reduce_sum3A_2095 : i1 to vector<16xi1>
      %reduce_sum3A_2097 = tpu.scan <sum>, %add3A_2094 masked %reduce_sum3A_2096 : vector<16xf32>, vector<16xi1> -> vector<16xf32>
      %reduce_sum3A_2098 = vector.extract %reduce_sum3A_2097[15] : f32 from vector<16xf32>
      %eq3A_2099 = arith.constant 12 : i32
      %eq3A_2100 = vector.broadcast %eq3A_2099 : i32 to vector<16xi32>
      %eq3A_2101 = arith.cmpi eq, %iota3A, %eq3A_2100 : vector<16xi32>
      %broadcast_in_dim3A_2102 = vector.broadcast %reduce_sum3A_2098 : f32 to vector<16xf32>
      %select_n3A_2103 = arith.select %eq3A_2101, %broadcast_in_dim3A_2102, %select_n3A_1786 : vector<16xi1>, vector<16xf32>
      %slice3A_2104 = vector.extract_strided_slice %sub3A_76 {offsets = [13], sizes = [1], strides = [1]} : vector<16xi32> to vector<1xi32>
      %squeeze3A_2105 = vector.extract %slice3A_2104[0] : i32 from vector<1xi32>
      %broadcast_in_dim3A_2106 = vector.broadcast %squeeze3A_2105 : i32 to vector<16xi32>
      %slice3A_2107 = vector.extract_strided_slice %sub3A_77 {offsets = [13], sizes = [1], strides = [1]} : vector<16xi32> to vector<1xi32>
      %squeeze3A_2108 = vector.extract %slice3A_2107[0] : i32 from vector<1xi32>
      %broadcast_in_dim3A_2109 = vector.broadcast %squeeze3A_2108 : i32 to vector<16xi32>
      %broadcast_in_dim3A_2110 = arith.constant 0.000000e+00 : f32
      %broadcast_in_dim3A_2111 = vector.broadcast %broadcast_in_dim3A_2110 : f32 to vector<16xf32>
      %add3A_2112 = arith.constant 0 : i32
      %add3A_2113 = vector.broadcast %add3A_2112 : i32 to vector<16xi32>
      %add3A_2114 = arith.addi %add3A_2113, %iota3A : vector<16xi32>
      %gather3A_2115 = arith.constant 1 : i32
      %gather3A_2116 = arith.constant 0 : i32
      %gather3A_2117 = arith.constant 0 : i32
      %gather3A_2118 = tpu.memref_slice %arg9[%gather3A_2115, %gather3A_2116, %gather3A_2117] : memref<4x64x128xf32, #tpu.memory_space<vmem>> -> memref<1x64x128xf32, #tpu.memory_space<vmem>>
      %gather3A_2119 = tpu.memref_squeeze %gather3A_2118 : memref<1x64x128xf32, #tpu.memory_space<vmem>> -> memref<64x128xf32, #tpu.memory_space<vmem>>
      %gather3A_2120 = tpu.vector_load_idx %gather3A_2119[%add3A_2114, %broadcast_in_dim3A_2106] : memref<64x128xf32, #tpu.memory_space<vmem>>[vector<16xi32>, vector<16xi32>], vector<16xf32>,
      %gather3A_2121 = arith.constant 1 : i32
      %gather3A_2122 = arith.constant 0 : i32
      %gather3A_2123 = arith.constant 0 : i32
      %gather3A_2124 = tpu.memref_slice %arg10[%gather3A_2121, %gather3A_2122, %gather3A_2123] : memref<4x64x128xf32, #tpu.memory_space<vmem>> -> memref<1x64x128xf32, #tpu.memory_space<vmem>>
      %gather3A_2125 = tpu.memref_squeeze %gather3A_2124 : memref<1x64x128xf32, #tpu.memory_space<vmem>> -> memref<64x128xf32, #tpu.memory_space<vmem>>
      %gather3A_2126 = tpu.vector_load_idx %gather3A_2125[%add3A_2114, %broadcast_in_dim3A_2109] : memref<64x128xf32, #tpu.memory_space<vmem>>[vector<16xi32>, vector<16xi32>], vector<16xf32>,
      %mul3A_2127 = arith.mulf %gather3A_2120, %gather3A_2126 : vector<16xf32>
      %add3A_2128 = arith.addf %broadcast_in_dim3A_2111, %mul3A_2127 : vector<16xf32>
      %add3A_2129 = arith.constant 16 : i32
      %add3A_2130 = vector.broadcast %add3A_2129 : i32 to vector<16xi32>
      %add3A_2131 = arith.addi %add3A_2130, %iota3A : vector<16xi32>
      %gather3A_2132 = arith.constant 1 : i32
      %gather3A_2133 = arith.constant 0 : i32
      %gather3A_2134 = arith.constant 0 : i32
      %gather3A_2135 = tpu.memref_slice %arg9[%gather3A_2132, %gather3A_2133, %gather3A_2134] : memref<4x64x128xf32, #tpu.memory_space<vmem>> -> memref<1x64x128xf32, #tpu.memory_space<vmem>>
      %gather3A_2136 = tpu.memref_squeeze %gather3A_2135 : memref<1x64x128xf32, #tpu.memory_space<vmem>> -> memref<64x128xf32, #tpu.memory_space<vmem>>
      %gather3A_2137 = tpu.vector_load_idx %gather3A_2136[%add3A_2131, %broadcast_in_dim3A_2106] : memref<64x128xf32, #tpu.memory_space<vmem>>[vector<16xi32>, vector<16xi32>], vector<16xf32>,
      %gather3A_2138 = arith.constant 1 : i32
      %gather3A_2139 = arith.constant 0 : i32
      %gather3A_2140 = arith.constant 0 : i32
      %gather3A_2141 = tpu.memref_slice %arg10[%gather3A_2138, %gather3A_2139, %gather3A_2140] : memref<4x64x128xf32, #tpu.memory_space<vmem>> -> memref<1x64x128xf32, #tpu.memory_space<vmem>>
      %gather3A_2142 = tpu.memref_squeeze %gather3A_2141 : memref<1x64x128xf32, #tpu.memory_space<vmem>> -> memref<64x128xf32, #tpu.memory_space<vmem>>
      %gather3A_2143 = tpu.vector_load_idx %gather3A_2142[%add3A_2131, %broadcast_in_dim3A_2109] : memref<64x128xf32, #tpu.memory_space<vmem>>[vector<16xi32>, vector<16xi32>], vector<16xf32>,
      %mul3A_2144 = arith.mulf %gather3A_2137, %gather3A_2143 : vector<16xf32>
      %add3A_2145 = arith.addf %add3A_2128, %mul3A_2144 : vector<16xf32>
      %add3A_2146 = arith.constant 32 : i32
      %add3A_2147 = vector.broadcast %add3A_2146 : i32 to vector<16xi32>
      %add3A_2148 = arith.addi %add3A_2147, %iota3A : vector<16xi32>
      %gather3A_2149 = arith.constant 1 : i32
      %gather3A_2150 = arith.constant 0 : i32
      %gather3A_2151 = arith.constant 0 : i32
      %gather3A_2152 = tpu.memref_slice %arg9[%gather3A_2149, %gather3A_2150, %gather3A_2151] : memref<4x64x128xf32, #tpu.memory_space<vmem>> -> memref<1x64x128xf32, #tpu.memory_space<vmem>>
      %gather3A_2153 = tpu.memref_squeeze %gather3A_2152 : memref<1x64x128xf32, #tpu.memory_space<vmem>> -> memref<64x128xf32, #tpu.memory_space<vmem>>
      %gather3A_2154 = tpu.vector_load_idx %gather3A_2153[%add3A_2148, %broadcast_in_dim3A_2106] : memref<64x128xf32, #tpu.memory_space<vmem>>[vector<16xi32>, vector<16xi32>], vector<16xf32>,
      %gather3A_2155 = arith.constant 1 : i32
      %gather3A_2156 = arith.constant 0 : i32
      %gather3A_2157 = arith.constant 0 : i32
      %gather3A_2158 = tpu.memref_slice %arg10[%gather3A_2155, %gather3A_2156, %gather3A_2157] : memref<4x64x128xf32, #tpu.memory_space<vmem>> -> memref<1x64x128xf32, #tpu.memory_space<vmem>>
      %gather3A_2159 = tpu.memref_squeeze %gather3A_2158 : memref<1x64x128xf32, #tpu.memory_space<vmem>> -> memref<64x128xf32, #tpu.memory_space<vmem>>
      %gather3A_2160 = tpu.vector_load_idx %gather3A_2159[%add3A_2148, %broadcast_in_dim3A_2109] : memref<64x128xf32, #tpu.memory_space<vmem>>[vector<16xi32>, vector<16xi32>], vector<16xf32>,
      %mul3A_2161 = arith.mulf %gather3A_2154, %gather3A_2160 : vector<16xf32>
      %add3A_2162 = arith.addf %add3A_2145, %mul3A_2161 : vector<16xf32>
      %add3A_2163 = arith.constant 48 : i32
      %add3A_2164 = vector.broadcast %add3A_2163 : i32 to vector<16xi32>
      %add3A_2165 = arith.addi %add3A_2164, %iota3A : vector<16xi32>
      %gather3A_2166 = arith.constant 1 : i32
      %gather3A_2167 = arith.constant 0 : i32
      %gather3A_2168 = arith.constant 0 : i32
      %gather3A_2169 = tpu.memref_slice %arg9[%gather3A_2166, %gather3A_2167, %gather3A_2168] : memref<4x64x128xf32, #tpu.memory_space<vmem>> -> memref<1x64x128xf32, #tpu.memory_space<vmem>>
      %gather3A_2170 = tpu.memref_squeeze %gather3A_2169 : memref<1x64x128xf32, #tpu.memory_space<vmem>> -> memref<64x128xf32, #tpu.memory_space<vmem>>
      %gather3A_2171 = tpu.vector_load_idx %gather3A_2170[%add3A_2165, %broadcast_in_dim3A_2106] : memref<64x128xf32, #tpu.memory_space<vmem>>[vector<16xi32>, vector<16xi32>], vector<16xf32>,
      %gather3A_2172 = arith.constant 1 : i32
      %gather3A_2173 = arith.constant 0 : i32
      %gather3A_2174 = arith.constant 0 : i32
      %gather3A_2175 = tpu.memref_slice %arg10[%gather3A_2172, %gather3A_2173, %gather3A_2174] : memref<4x64x128xf32, #tpu.memory_space<vmem>> -> memref<1x64x128xf32, #tpu.memory_space<vmem>>
      %gather3A_2176 = tpu.memref_squeeze %gather3A_2175 : memref<1x64x128xf32, #tpu.memory_space<vmem>> -> memref<64x128xf32, #tpu.memory_space<vmem>>
      %gather3A_2177 = tpu.vector_load_idx %gather3A_2176[%add3A_2165, %broadcast_in_dim3A_2109] : memref<64x128xf32, #tpu.memory_space<vmem>>[vector<16xi32>, vector<16xi32>], vector<16xf32>,
      %mul3A_2178 = arith.mulf %gather3A_2171, %gather3A_2177 : vector<16xf32>
      %add3A_2179 = arith.addf %add3A_2162, %mul3A_2178 : vector<16xf32>
      %reduce_sum3A_2180 = arith.constant true
      %reduce_sum3A_2181 = vector.broadcast %reduce_sum3A_2180 : i1 to vector<16xi1>
      %reduce_sum3A_2182 = tpu.scan <sum>, %add3A_2179 masked %reduce_sum3A_2181 : vector<16xf32>, vector<16xi1> -> vector<16xf32>
      %reduce_sum3A_2183 = vector.extract %reduce_sum3A_2182[15] : f32 from vector<16xf32>
      %eq3A_2184 = arith.constant 13 : i32
      %eq3A_2185 = vector.broadcast %eq3A_2184 : i32 to vector<16xi32>
      %eq3A_2186 = arith.cmpi eq, %iota3A, %eq3A_2185 : vector<16xi32>
      %broadcast_in_dim3A_2187 = vector.broadcast %reduce_sum3A_2183 : f32 to vector<16xf32>
      %select_n3A_2188 = arith.select %eq3A_2186, %broadcast_in_dim3A_2187, %select_n3A_2103 : vector<16xi1>, vector<16xf32>
      %slice3A_2189 = vector.extract_strided_slice %sub3A_76 {offsets = [14], sizes = [1], strides = [1]} : vector<16xi32> to vector<1xi32>
      %squeeze3A_2190 = vector.extract %slice3A_2189[0] : i32 from vector<1xi32>
      %broadcast_in_dim3A_2191 = vector.broadcast %squeeze3A_2190 : i32 to vector<16xi32>
      %slice3A_2192 = vector.extract_strided_slice %sub3A_77 {offsets = [14], sizes = [1], strides = [1]} : vector<16xi32> to vector<1xi32>
      %squeeze3A_2193 = vector.extract %slice3A_2192[0] : i32 from vector<1xi32>
      %broadcast_in_dim3A_2194 = vector.broadcast %squeeze3A_2193 : i32 to vector<16xi32>
      %broadcast_in_dim3A_2195 = arith.constant 0.000000e+00 : f32
      %broadcast_in_dim3A_2196 = vector.broadcast %broadcast_in_dim3A_2195 : f32 to vector<16xf32>
      %add3A_2197 = arith.constant 0 : i32
      %add3A_2198 = vector.broadcast %add3A_2197 : i32 to vector<16xi32>
      %add3A_2199 = arith.addi %add3A_2198, %iota3A : vector<16xi32>
      %gather3A_2200 = arith.constant 2 : i32
      %gather3A_2201 = arith.constant 0 : i32
      %gather3A_2202 = arith.constant 0 : i32
      %gather3A_2203 = tpu.memref_slice %arg9[%gather3A_2200, %gather3A_2201, %gather3A_2202] : memref<4x64x128xf32, #tpu.memory_space<vmem>> -> memref<1x64x128xf32, #tpu.memory_space<vmem>>
      %gather3A_2204 = tpu.memref_squeeze %gather3A_2203 : memref<1x64x128xf32, #tpu.memory_space<vmem>> -> memref<64x128xf32, #tpu.memory_space<vmem>>
      %gather3A_2205 = tpu.vector_load_idx %gather3A_2204[%add3A_2199, %broadcast_in_dim3A_2191] : memref<64x128xf32, #tpu.memory_space<vmem>>[vector<16xi32>, vector<16xi32>], vector<16xf32>,
      %gather3A_2206 = arith.constant 2 : i32
      %gather3A_2207 = arith.constant 0 : i32
      %gather3A_2208 = arith.constant 0 : i32
      %gather3A_2209 = tpu.memref_slice %arg10[%gather3A_2206, %gather3A_2207, %gather3A_2208] : memref<4x64x128xf32, #tpu.memory_space<vmem>> -> memref<1x64x128xf32, #tpu.memory_space<vmem>>
      %gather3A_2210 = tpu.memref_squeeze %gather3A_2209 : memref<1x64x128xf32, #tpu.memory_space<vmem>> -> memref<64x128xf32, #tpu.memory_space<vmem>>
      %gather3A_2211 = tpu.vector_load_idx %gather3A_2210[%add3A_2199, %broadcast_in_dim3A_2194] : memref<64x128xf32, #tpu.memory_space<vmem>>[vector<16xi32>, vector<16xi32>], vector<16xf32>,
      %mul3A_2212 = arith.mulf %gather3A_2205, %gather3A_2211 : vector<16xf32>
      %add3A_2213 = arith.addf %broadcast_in_dim3A_2196, %mul3A_2212 : vector<16xf32>
      %add3A_2214 = arith.constant 16 : i32
      %add3A_2215 = vector.broadcast %add3A_2214 : i32 to vector<16xi32>
      %add3A_2216 = arith.addi %add3A_2215, %iota3A : vector<16xi32>
      %gather3A_2217 = arith.constant 2 : i32
      %gather3A_2218 = arith.constant 0 : i32
      %gather3A_2219 = arith.constant 0 : i32
      %gather3A_2220 = tpu.memref_slice %arg9[%gather3A_2217, %gather3A_2218, %gather3A_2219] : memref<4x64x128xf32, #tpu.memory_space<vmem>> -> memref<1x64x128xf32, #tpu.memory_space<vmem>>
      %gather3A_2221 = tpu.memref_squeeze %gather3A_2220 : memref<1x64x128xf32, #tpu.memory_space<vmem>> -> memref<64x128xf32, #tpu.memory_space<vmem>>
      %gather3A_2222 = tpu.vector_load_idx %gather3A_2221[%add3A_2216, %broadcast_in_dim3A_2191] : memref<64x128xf32, #tpu.memory_space<vmem>>[vector<16xi32>, vector<16xi32>], vector<16xf32>,
      %gather3A_2223 = arith.constant 2 : i32
      %gather3A_2224 = arith.constant 0 : i32
      %gather3A_2225 = arith.constant 0 : i32
      %gather3A_2226 = tpu.memref_slice %arg10[%gather3A_2223, %gather3A_2224, %gather3A_2225] : memref<4x64x128xf32, #tpu.memory_space<vmem>> -> memref<1x64x128xf32, #tpu.memory_space<vmem>>
      %gather3A_2227 = tpu.memref_squeeze %gather3A_2226 : memref<1x64x128xf32, #tpu.memory_space<vmem>> -> memref<64x128xf32, #tpu.memory_space<vmem>>
      %gather3A_2228 = tpu.vector_load_idx %gather3A_2227[%add3A_2216, %broadcast_in_dim3A_2194] : memref<64x128xf32, #tpu.memory_space<vmem>>[vector<16xi32>, vector<16xi32>], vector<16xf32>,
      %mul3A_2229 = arith.mulf %gather3A_2222, %gather3A_2228 : vector<16xf32>
      %add3A_2230 = arith.addf %add3A_2213, %mul3A_2229 : vector<16xf32>
      %add3A_2231 = arith.constant 32 : i32
      %add3A_2232 = vector.broadcast %add3A_2231 : i32 to vector<16xi32>
      %add3A_2233 = arith.addi %add3A_2232, %iota3A : vector<16xi32>
      %gather3A_2234 = arith.constant 2 : i32
      %gather3A_2235 = arith.constant 0 : i32
      %gather3A_2236 = arith.constant 0 : i32
      %gather3A_2237 = tpu.memref_slice %arg9[%gather3A_2234, %gather3A_2235, %gather3A_2236] : memref<4x64x128xf32, #tpu.memory_space<vmem>> -> memref<1x64x128xf32, #tpu.memory_space<vmem>>
      %gather3A_2238 = tpu.memref_squeeze %gather3A_2237 : memref<1x64x128xf32, #tpu.memory_space<vmem>> -> memref<64x128xf32, #tpu.memory_space<vmem>>
      %gather3A_2239 = tpu.vector_load_idx %gather3A_2238[%add3A_2233, %broadcast_in_dim3A_2191] : memref<64x128xf32, #tpu.memory_space<vmem>>[vector<16xi32>, vector<16xi32>], vector<16xf32>,
      %gather3A_2240 = arith.constant 2 : i32
      %gather3A_2241 = arith.constant 0 : i32
      %gather3A_2242 = arith.constant 0 : i32
      %gather3A_2243 = tpu.memref_slice %arg10[%gather3A_2240, %gather3A_2241, %gather3A_2242] : memref<4x64x128xf32, #tpu.memory_space<vmem>> -> memref<1x64x128xf32, #tpu.memory_space<vmem>>
      %gather3A_2244 = tpu.memref_squeeze %gather3A_2243 : memref<1x64x128xf32, #tpu.memory_space<vmem>> -> memref<64x128xf32, #tpu.memory_space<vmem>>
      %gather3A_2245 = tpu.vector_load_idx %gather3A_2244[%add3A_2233, %broadcast_in_dim3A_2194] : memref<64x128xf32, #tpu.memory_space<vmem>>[vector<16xi32>, vector<16xi32>], vector<16xf32>,
      %mul3A_2246 = arith.mulf %gather3A_2239, %gather3A_2245 : vector<16xf32>
      %add3A_2247 = arith.addf %add3A_2230, %mul3A_2246 : vector<16xf32>
      %add3A_2248 = arith.constant 48 : i32
      %add3A_2249 = vector.broadcast %add3A_2248 : i32 to vector<16xi32>
      %add3A_2250 = arith.addi %add3A_2249, %iota3A : vector<16xi32>
      %gather3A_2251 = arith.constant 2 : i32
      %gather3A_2252 = arith.constant 0 : i32
      %gather3A_2253 = arith.constant 0 : i32
      %gather3A_2254 = tpu.memref_slice %arg9[%gather3A_2251, %gather3A_2252, %gather3A_2253] : memref<4x64x128xf32, #tpu.memory_space<vmem>> -> memref<1x64x128xf32, #tpu.memory_space<vmem>>
      %gather3A_2255 = tpu.memref_squeeze %gather3A_2254 : memref<1x64x128xf32, #tpu.memory_space<vmem>> -> memref<64x128xf32, #tpu.memory_space<vmem>>
      %gather3A_2256 = tpu.vector_load_idx %gather3A_2255[%add3A_2250, %broadcast_in_dim3A_2191] : memref<64x128xf32, #tpu.memory_space<vmem>>[vector<16xi32>, vector<16xi32>], vector<16xf32>,
      %gather3A_2257 = arith.constant 2 : i32
      %gather3A_2258 = arith.constant 0 : i32
      %gather3A_2259 = arith.constant 0 : i32
      %gather3A_2260 = tpu.memref_slice %arg10[%gather3A_2257, %gather3A_2258, %gather3A_2259] : memref<4x64x128xf32, #tpu.memory_space<vmem>> -> memref<1x64x128xf32, #tpu.memory_space<vmem>>
      %gather3A_2261 = tpu.memref_squeeze %gather3A_2260 : memref<1x64x128xf32, #tpu.memory_space<vmem>> -> memref<64x128xf32, #tpu.memory_space<vmem>>
      %gather3A_2262 = tpu.vector_load_idx %gather3A_2261[%add3A_2250, %broadcast_in_dim3A_2194] : memref<64x128xf32, #tpu.memory_space<vmem>>[vector<16xi32>, vector<16xi32>], vector<16xf32>,
      %mul3A_2263 = arith.mulf %gather3A_2256, %gather3A_2262 : vector<16xf32>
      %add3A_2264 = arith.addf %add3A_2247, %mul3A_2263 : vector<16xf32>
      %reduce_sum3A_2265 = arith.constant true
      %reduce_sum3A_2266 = vector.broadcast %reduce_sum3A_2265 : i1 to vector<16xi1>
      %reduce_sum3A_2267 = tpu.scan <sum>, %add3A_2264 masked %reduce_sum3A_2266 : vector<16xf32>, vector<16xi1> -> vector<16xf32>
      %reduce_sum3A_2268 = vector.extract %reduce_sum3A_2267[15] : f32 from vector<16xf32>
      %eq3A_2269 = arith.constant 14 : i32
      %eq3A_2270 = vector.broadcast %eq3A_2269 : i32 to vector<16xi32>
      %eq3A_2271 = arith.cmpi eq, %iota3A, %eq3A_2270 : vector<16xi32>
      %broadcast_in_dim3A_2272 = vector.broadcast %reduce_sum3A_2268 : f32 to vector<16xf32>
      %select_n3A_2273 = arith.select %eq3A_2271, %broadcast_in_dim3A_2272, %select_n3A_2188 : vector<16xi1>, vector<16xf32>
      %slice3A_2274 = vector.extract_strided_slice %sub3A_76 {offsets = [15], sizes = [1], strides = [1]} : vector<16xi32> to vector<1xi32>
      %squeeze3A_2275 = vector.extract %slice3A_2274[0] : i32 from vector<1xi32>
      %broadcast_in_dim3A_2276 = vector.broadcast %squeeze3A_2275 : i32 to vector<16xi32>
      %slice3A_2277 = vector.extract_strided_slice %sub3A_77 {offsets = [15], sizes = [1], strides = [1]} : vector<16xi32> to vector<1xi32>
      %squeeze3A_2278 = vector.extract %slice3A_2277[0] : i32 from vector<1xi32>
      %broadcast_in_dim3A_2279 = vector.broadcast %squeeze3A_2278 : i32 to vector<16xi32>
      %broadcast_in_dim3A_2280 = arith.constant 0.000000e+00 : f32
      %broadcast_in_dim3A_2281 = vector.broadcast %broadcast_in_dim3A_2280 : f32 to vector<16xf32>
      %add3A_2282 = arith.constant 0 : i32
      %add3A_2283 = vector.broadcast %add3A_2282 : i32 to vector<16xi32>
      %add3A_2284 = arith.addi %add3A_2283, %iota3A : vector<16xi32>
      %gather3A_2285 = arith.constant 3 : i32
      %gather3A_2286 = arith.constant 0 : i32
      %gather3A_2287 = arith.constant 0 : i32
      %gather3A_2288 = tpu.memref_slice %arg9[%gather3A_2285, %gather3A_2286, %gather3A_2287] : memref<4x64x128xf32, #tpu.memory_space<vmem>> -> memref<1x64x128xf32, #tpu.memory_space<vmem>>
      %gather3A_2289 = tpu.memref_squeeze %gather3A_2288 : memref<1x64x128xf32, #tpu.memory_space<vmem>> -> memref<64x128xf32, #tpu.memory_space<vmem>>
      %gather3A_2290 = tpu.vector_load_idx %gather3A_2289[%add3A_2284, %broadcast_in_dim3A_2276] : memref<64x128xf32, #tpu.memory_space<vmem>>[vector<16xi32>, vector<16xi32>], vector<16xf32>,
      %gather3A_2291 = arith.constant 3 : i32
      %gather3A_2292 = arith.constant 0 : i32
      %gather3A_2293 = arith.constant 0 : i32
      %gather3A_2294 = tpu.memref_slice %arg10[%gather3A_2291, %gather3A_2292, %gather3A_2293] : memref<4x64x128xf32, #tpu.memory_space<vmem>> -> memref<1x64x128xf32, #tpu.memory_space<vmem>>
      %gather3A_2295 = tpu.memref_squeeze %gather3A_2294 : memref<1x64x128xf32, #tpu.memory_space<vmem>> -> memref<64x128xf32, #tpu.memory_space<vmem>>
      %gather3A_2296 = tpu.vector_load_idx %gather3A_2295[%add3A_2284, %broadcast_in_dim3A_2279] : memref<64x128xf32, #tpu.memory_space<vmem>>[vector<16xi32>, vector<16xi32>], vector<16xf32>,
      %mul3A_2297 = arith.mulf %gather3A_2290, %gather3A_2296 : vector<16xf32>
      %add3A_2298 = arith.addf %broadcast_in_dim3A_2281, %mul3A_2297 : vector<16xf32>
      %add3A_2299 = arith.constant 16 : i32
      %add3A_2300 = vector.broadcast %add3A_2299 : i32 to vector<16xi32>
      %add3A_2301 = arith.addi %add3A_2300, %iota3A : vector<16xi32>
      %gather3A_2302 = arith.constant 3 : i32
      %gather3A_2303 = arith.constant 0 : i32
      %gather3A_2304 = arith.constant 0 : i32
      %gather3A_2305 = tpu.memref_slice %arg9[%gather3A_2302, %gather3A_2303, %gather3A_2304] : memref<4x64x128xf32, #tpu.memory_space<vmem>> -> memref<1x64x128xf32, #tpu.memory_space<vmem>>
      %gather3A_2306 = tpu.memref_squeeze %gather3A_2305 : memref<1x64x128xf32, #tpu.memory_space<vmem>> -> memref<64x128xf32, #tpu.memory_space<vmem>>
      %gather3A_2307 = tpu.vector_load_idx %gather3A_2306[%add3A_2301, %broadcast_in_dim3A_2276] : memref<64x128xf32, #tpu.memory_space<vmem>>[vector<16xi32>, vector<16xi32>], vector<16xf32>,
      %gather3A_2308 = arith.constant 3 : i32
      %gather3A_2309 = arith.constant 0 : i32
      %gather3A_2310 = arith.constant 0 : i32
      %gather3A_2311 = tpu.memref_slice %arg10[%gather3A_2308, %gather3A_2309, %gather3A_2310] : memref<4x64x128xf32, #tpu.memory_space<vmem>> -> memref<1x64x128xf32, #tpu.memory_space<vmem>>
      %gather3A_2312 = tpu.memref_squeeze %gather3A_2311 : memref<1x64x128xf32, #tpu.memory_space<vmem>> -> memref<64x128xf32, #tpu.memory_space<vmem>>
      %gather3A_2313 = tpu.vector_load_idx %gather3A_2312[%add3A_2301, %broadcast_in_dim3A_2279] : memref<64x128xf32, #tpu.memory_space<vmem>>[vector<16xi32>, vector<16xi32>], vector<16xf32>,
      %mul3A_2314 = arith.mulf %gather3A_2307, %gather3A_2313 : vector<16xf32>
      %add3A_2315 = arith.addf %add3A_2298, %mul3A_2314 : vector<16xf32>
      %add3A_2316 = arith.constant 32 : i32
      %add3A_2317 = vector.broadcast %add3A_2316 : i32 to vector<16xi32>
      %add3A_2318 = arith.addi %add3A_2317, %iota3A : vector<16xi32>
      %gather3A_2319 = arith.constant 3 : i32
      %gather3A_2320 = arith.constant 0 : i32
      %gather3A_2321 = arith.constant 0 : i32
      %gather3A_2322 = tpu.memref_slice %arg9[%gather3A_2319, %gather3A_2320, %gather3A_2321] : memref<4x64x128xf32, #tpu.memory_space<vmem>> -> memref<1x64x128xf32, #tpu.memory_space<vmem>>
      %gather3A_2323 = tpu.memref_squeeze %gather3A_2322 : memref<1x64x128xf32, #tpu.memory_space<vmem>> -> memref<64x128xf32, #tpu.memory_space<vmem>>
      %gather3A_2324 = tpu.vector_load_idx %gather3A_2323[%add3A_2318, %broadcast_in_dim3A_2276] : memref<64x128xf32, #tpu.memory_space<vmem>>[vector<16xi32>, vector<16xi32>], vector<16xf32>,
      %gather3A_2325 = arith.constant 3 : i32
      %gather3A_2326 = arith.constant 0 : i32
      %gather3A_2327 = arith.constant 0 : i32
      %gather3A_2328 = tpu.memref_slice %arg10[%gather3A_2325, %gather3A_2326, %gather3A_2327] : memref<4x64x128xf32, #tpu.memory_space<vmem>> -> memref<1x64x128xf32, #tpu.memory_space<vmem>>
      %gather3A_2329 = tpu.memref_squeeze %gather3A_2328 : memref<1x64x128xf32, #tpu.memory_space<vmem>> -> memref<64x128xf32, #tpu.memory_space<vmem>>
      %gather3A_2330 = tpu.vector_load_idx %gather3A_2329[%add3A_2318, %broadcast_in_dim3A_2279] : memref<64x128xf32, #tpu.memory_space<vmem>>[vector<16xi32>, vector<16xi32>], vector<16xf32>,
      %mul3A_2331 = arith.mulf %gather3A_2324, %gather3A_2330 : vector<16xf32>
      %add3A_2332 = arith.addf %add3A_2315, %mul3A_2331 : vector<16xf32>
      %add3A_2333 = arith.constant 48 : i32
      %add3A_2334 = vector.broadcast %add3A_2333 : i32 to vector<16xi32>
      %add3A_2335 = arith.addi %add3A_2334, %iota3A : vector<16xi32>
      %gather3A_2336 = arith.constant 3 : i32
      %gather3A_2337 = arith.constant 0 : i32
      %gather3A_2338 = arith.constant 0 : i32
      %gather3A_2339 = tpu.memref_slice %arg9[%gather3A_2336, %gather3A_2337, %gather3A_2338] : memref<4x64x128xf32, #tpu.memory_space<vmem>> -> memref<1x64x128xf32, #tpu.memory_space<vmem>>
      %gather3A_2340 = tpu.memref_squeeze %gather3A_2339 : memref<1x64x128xf32, #tpu.memory_space<vmem>> -> memref<64x128xf32, #tpu.memory_space<vmem>>
      %gather3A_2341 = tpu.vector_load_idx %gather3A_2340[%add3A_2335, %broadcast_in_dim3A_2276] : memref<64x128xf32, #tpu.memory_space<vmem>>[vector<16xi32>, vector<16xi32>], vector<16xf32>,
      %gather3A_2342 = arith.constant 3 : i32
      %gather3A_2343 = arith.constant 0 : i32
      %gather3A_2344 = arith.constant 0 : i32
      %gather3A_2345 = tpu.memref_slice %arg10[%gather3A_2342, %gather3A_2343, %gather3A_2344] : memref<4x64x128xf32, #tpu.memory_space<vmem>> -> memref<1x64x128xf32, #tpu.memory_space<vmem>>
      %gather3A_2346 = tpu.memref_squeeze %gather3A_2345 : memref<1x64x128xf32, #tpu.memory_space<vmem>> -> memref<64x128xf32, #tpu.memory_space<vmem>>
      %gather3A_2347 = tpu.vector_load_idx %gather3A_2346[%add3A_2335, %broadcast_in_dim3A_2279] : memref<64x128xf32, #tpu.memory_space<vmem>>[vector<16xi32>, vector<16xi32>], vector<16xf32>,
      %mul3A_2348 = arith.mulf %gather3A_2341, %gather3A_2347 : vector<16xf32>
      %add3A_2349 = arith.addf %add3A_2332, %mul3A_2348 : vector<16xf32>
      %reduce_sum3A_2350 = arith.constant true
      %reduce_sum3A_2351 = vector.broadcast %reduce_sum3A_2350 : i1 to vector<16xi1>
      %reduce_sum3A_2352 = tpu.scan <sum>, %add3A_2349 masked %reduce_sum3A_2351 : vector<16xf32>, vector<16xi1> -> vector<16xf32>
      %reduce_sum3A_2353 = vector.extract %reduce_sum3A_2352[15] : f32 from vector<16xf32>
      %eq3A_2354 = arith.constant 15 : i32
      %eq3A_2355 = vector.broadcast %eq3A_2354 : i32 to vector<16xi32>
      %eq3A_2356 = arith.cmpi eq, %iota3A, %eq3A_2355 : vector<16xi32>
      %broadcast_in_dim3A_2357 = vector.broadcast %reduce_sum3A_2353 : f32 to vector<16xf32>
      %select_n3A_2358 = arith.select %eq3A_2356, %broadcast_in_dim3A_2357, %select_n3A_2273 : vector<16xi1>, vector<16xf32>
      %neg3A = arith.constant 0.000000e+00 : f32
      %neg3A_2359 = vector.broadcast %neg3A : f32 to vector<16xf32>
      %neg3A_2360 = arith.subf %neg3A_2359, %select_n3A_2358 : vector<16xf32>
      %exp3A = math.exp %neg3A_2360 : vector<16xf32>
      %add3A_2361 = arith.constant 1.000000e+00 : f32
      %add3A_2362 = vector.broadcast %add3A_2361 : f32 to vector<16xf32>
      %add3A_2363 = arith.addf %add3A_2362, %exp3A : vector<16xf32>
      %div3A_2364 = arith.constant 1.000000e+00 : f32
      %div3A_2365 = vector.broadcast %div3A_2364 : f32 to vector<16xf32>
      %div3A_2366 = arith.divf %div3A_2365, %add3A_2363 : vector<16xf32>
      %mul3A_2367 = arith.constant 16 : i32
      %mul3A_2368 = arith.muli %scan3A_8, %mul3A_2367 : i32
      %swap3A = arith.index_cast %mul3A_2368 : i32 to index
      %swap3A_2369 = tpu.vector_load %arg11[%swap3A] {strides = array<i32>} : memref<512xf32, #tpu.memory_space<vmem>>, vector<16xf32>,
      tpu.vector_store %arg11[%swap3A], %div3A_2366 {strides = array<i32>} : memref<512xf32, #tpu.memory_space<vmem>>, vector<16xf32>,
    }
    %scan3A_7 = arith.constant 32 : i32
    "tpu.region"() ({
      %run_scoped3A = tpu.sem_alloc : memref<!tpu.dma_semaphore, #tpu.memory_space<semaphore_mem>>
      %dma_start3A = tpu.memref_slice %arg6[%mul3A_2] : memref<16384xf32, #tpu.memory_space<hbm>> -> memref<512xf32, #tpu.memory_space<hbm>>
      %dma_start3A_8 = tpu.memref_slice %arg6[%mul3A_2] : memref<16384xf32, #tpu.memory_space<hbm>> -> memref<512xf32, #tpu.memory_space<hbm>>
      tpu.enqueue_dma source(%arg11 : memref<512xf32, #tpu.memory_space<vmem>>) target(%dma_start3A_8 : memref<512xf32, #tpu.memory_space<hbm>>) target_semaphore(%run_scoped3A : memref<!tpu.dma_semaphore, #tpu.memory_space<semaphore_mem>>)
      %dma_wait3A = tpu.memref_slice %arg6[%mul3A_2] : memref<16384xf32, #tpu.memory_space<hbm>> -> memref<512xf32, #tpu.memory_space<hbm>>
      %dma_wait3A_9 = tpu.memref_slice %arg6[%mul3A_2] : memref<16384xf32, #tpu.memory_space<hbm>> -> memref<512xf32, #tpu.memory_space<hbm>>
      tpu.wait_dma2 semaphore(%run_scoped3A : memref<!tpu.dma_semaphore, #tpu.memory_space<semaphore_mem>>) src(%arg11 : memref<512xf32, #tpu.memory_space<vmem>>) dst(%dma_wait3A_9 : memref<512xf32, #tpu.memory_space<hbm>>)
      tpu.yield
    }) : () -> ()
    return
  }
}

</mosaic_0001>

<sc_bundles>
// kernel: kernel.3.cloned.1.call-start
scs
__scs_entry_jumppad:
0x0: {  	(pc) =	sbr.rel $0x88, $3  }
0x1: {  	(tag) =	ssettag $0x0;
	lr =	simm.s32 $0x1  }
0x2: {  	[smem:$0x3F9D] =	sst lr;
	_ =	strace $0xD0000000  }
0x3: {  	_ = 	snop  }
0x4: {  	_ = 	snop  }
0x5: {  	_ = 	snop  }
0x6: {  	_ = 	snop  }
0x7: {  	_ = 	snop  }
__scs_overlays_trampoline_lowered:
0x8: {  	[smem:$0x3FAC] =	sst s0  }
0x9: {  	[smem:$0x3FAD] =	sst s1  }
0xa: {  	[smem:$0x3FAE] =	sst s2  }
0xb: {  	[smem:$0x3FAF] =	sst s3  }
0xc: {  	[smem:$0x3FB0] =	sst s4  }
0xd: {  	[smem:$0x3FB1] =	sst s5  }
0xe: {  	[smem:$0x3FB2] =	sst s6  }
0xf: {  	[smem:$0x3FB3] =	sst s7  }
0x10: {  	[smem:$0x3FB4] =	sst s8  }
0x11: {  	[smem:$0x3FB5] =	sst s9;
	s0 =	simm.s32 @!p0 $0x0  }
0x12: {  	s1 =	sld [smem:$0x3F9B];
	s0 =	simm.s32 @p0 $0x1  }
0x13: {  	[smem:$0x3FB6] =	sst s0;
	s0 =	simm.s32 @!p1 $0x0  }
0x14: {  	s2 =	sld [smem:$0x3F9A];
	s0 =	simm.s32 @p1 $0x1  }
0x15: {  	[smem:$0x3FB7] =	sst s0;
	s0 =	simm.s32 @!p2 $0x0  }
0x16: {  	s3 =	sld [smem:$0x3FDB];
	s0 =	simm.s32 @p2 $0x1  }
0x17: {  	s4 =	simm.s32 $0x1BF5;
	[smem:$0x3FB9] =	sst s0  }
0x18: {  	s0 =	sld [smem:$0x3F9C];
	_ =	swait.ge [sflag:s4], $0x0  }
0x19: {  	s7 =	sld [smem:$0x3F9D]  }
0x1a: {  	s8 =	sadd.s32 $0xFFFFE003, lr  }
0x1b: {  	s9 =	sadd.s32 $0xFFFFFEF7, lr;
	s5 =	simm.s32 $0xFFFFFFFF;
	p2 =	slt.u32 s8, $0xFFFFF086  }
0x1c: {  	p1 =	slt.u32 s9, $0xF7A;
	s5 =	simm.s32 @!p2 $0x0  }
0x1d: {  	s5 =	simm.s32 @p1 $0x1;
	p0 =	seq.s32 s7, s2  }
0x1e: {  	s7 =	smul.u32 @!p0 $0xF7A, s2;
	p2 =	seq.s32 @!p0 s5, $0x0  }
0x1f: {  	s9 =	smul.u32 $0xF7A, s1;
	s8 =	simm.s32 @!p0 $0x1BF5;
	p2 =	por !p2, p0  }
0x20: {  	[sflag:s8] =	ssyncset.s32 @!p0 $0xFFFFF086;
	s6 =	sadd.s32 @!p0 s3, s7;
	s7 =	simm.s32 @!p0 $0x108  }
0x21: {  	s3 =	sadd.s32 s3, s9;
	s6 =	sadd.s32 @!p0 $0x88, s6;
	s7 =	simm.s32 @p2 $0x1082  }
0x22: {  	[simem:s7], [sflag:s8] =	dma.local @!p0 [hbm:s6], $0xF7A  }
0x23: {  	s9 =	sor.u32 $0xD0000000, s2;
	s6 =	simm.s32 $0x108;
	_ =	swait.ge @!p0 [sflag:s8], $0x0  }
0x24: {  	s3 =	sadd.s32 $0x88, s3;
	s6 =	simm.s32 @!p1 $0x1082;
	[sflag:s4] =	ssyncset.s32 $0xFFFFF086  }
0x25: {  	[simem:s6], [sflag:s4] =	dma.local [hbm:s3], $0xF7A  }
0x26: {  	[smem:$0x3F9D] =	sst s1;
	(tag) =	ssettag s2;
	_ =	strace s9  }
0x27: {  	s1 =	sld [smem:$0x3FAD]  }
0x28: {  	s2 =	sld [smem:$0x3FAE]  }
0x29: {  	s4 =	sld [smem:$0x3FB0]  }
0x2a: {  	p0 =	seq.s32 s5, $0x0;
	s5 =	sld [smem:$0x3FB1]  }
0x2b: {  	s6 =	sld [smem:$0x3FB2]  }
0x2c: {  	s7 =	sld [smem:$0x3FB3]  }
0x2d: {  	s3 =	simm.s32 $0x108;
	s8 =	sld [smem:$0x3FB4]  }
0x2e: {  	s3 =	simm.s32 @!p0 $0x1082;
	s9 =	sld [smem:$0x3FB5]  }
0x2f: {  	lr =	sadd.s32 s0, s3;
	s0 =	sld [smem:$0x3FAC]  }
0x30: {  	s3 =	sld [smem:$0x3FAF]  }
0x31: {  	[smem:$0x3FB8] =	sst s10  }
0x32: {  	s10 =	sld [smem:$0x3FB6];
	_ =	sdelay $0x3  }
0x33: {  	p0 =	seq.s32 s10, $0x1;
	s10 =	sld [smem:$0x3FB8];
	_ =	sdelay $0x3  }
0x34: {  	[smem:$0x3FB8] =	sst s10  }
0x35: {  	s10 =	sld [smem:$0x3FB7];
	_ =	sdelay $0x3  }
0x36: {  	p1 =	seq.s32 s10, $0x1;
	s10 =	sld [smem:$0x3FB8];
	_ =	sdelay $0x3  }
0x37: {  	[smem:$0x3FB8] =	sst s10  }
0x38: {  	s10 =	sld [smem:$0x3FB9]  }
0x39: {  	_ = 	snop;
	(pc) =	sbr.ind lr, $3  }
0x3a: {  	_ = 	snop  }
0x3b: {  	_ = 	snop  }
0x3c: {  	p2 =	seq.s32 s10, $0x1;
	s10 =	sld [smem:$0x3FB8]  }
0x3d: {  	_ =	shalt  }
0x3e: {  	_ =	shalt  }
0x3f: {  	_ =	shalt  }
0x40: {  	_ =	shalt  }
0x41: {  	_ =	shalt  }
0x42: {  	_ =	shalt  }
0x43: {  	_ =	shalt  }
0x44: {  	_ =	shalt  }
0x45: {  	_ =	shalt  }
0x46: {  	_ =	shalt  }
0x47: {  	_ =	shalt  }
0x48: {  	_ =	shalt  }
0x49: {  	_ =	shalt  }
0x4a: {  	_ =	shalt  }
0x4b: {  	_ =	shalt  }
0x4c: {  	_ =	shalt  }
0x4d: {  	_ =	shalt  }
0x4e: {  	_ =	shalt  }
0x4f: {  	_ =	shalt  }
0x50: {  	_ =	shalt  }
0x51: {  	_ =	shalt  }
0x52: {  	_ =	shalt  }
0x53: {  	_ =	shalt  }
0x54: {  	_ =	shalt  }
0x55: {  	_ =	shalt  }
0x56: {  	_ =	shalt  }
0x57: {  	_ =	shalt  }
0x58: {  	_ =	shalt  }
0x59: {  	_ =	shalt  }
0x5a: {  	_ =	shalt  }
0x5b: {  	_ =	shalt  }
0x5c: {  	_ =	shalt  }
0x5d: {  	_ =	shalt  }
0x5e: {  	_ =	shalt  }
0x5f: {  	_ =	shalt  }
0x60: {  	_ =	shalt  }
0x61: {  	_ =	shalt  }
0x62: {  	_ =	shalt  }
0x63: {  	_ =	shalt  }
0x64: {  	_ =	shalt  }
0x65: {  	_ =	shalt  }
0x66: {  	_ =	shalt  }
0x67: {  	_ =	shalt  }
0x68: {  	_ =	shalt  }
0x69: {  	_ =	shalt  }
0x6a: {  	_ =	shalt  }
0x6b: {  	_ =	shalt  }
0x6c: {  	_ =	shalt  }
0x6d: {  	_ =	shalt  }
0x6e: {  	_ =	shalt  }
0x6f: {  	_ =	shalt  }
0x70: {  	_ =	shalt  }
0x71: {  	_ =	shalt  }
0x72: {  	_ =	shalt  }
0x73: {  	_ =	shalt  }
0x74: {  	_ =	shalt  }
0x75: {  	_ =	shalt  }
0x76: {  	_ =	shalt  }
0x77: {  	_ =	shalt  }
0x78: {  	_ =	shalt  }
0x79: {  	_ =	shalt  }
0x7a: {  	_ =	shalt  }
0x7b: {  	_ =	shalt  }
0x7c: {  	_ =	shalt  }
0x7d: {  	_ =	shalt  }
0x7e: {  	_ =	shalt  }
0x7f: {  	_ =	shalt  }
0x80: {  	_ =	shalt  }
0x81: {  	_ =	shalt  }
0x82: {  	_ =	shalt  }
0x83: {  	_ =	shalt  }
0x84: {  	_ =	shalt  }
0x85: {  	_ =	shalt  }
0x86: {  	_ =	shalt  }
0x87: {  	_ =	shalt  }
.Lfunc_end0:
.L_simem_size_0:
called_computation_lowered:
.L_overlay_start_0:
0x88: {  	s2 =	sld [smem:$0x3FD9]  }
0x89: {  	s3 =	sld [smem:$0x3FFE];
	_ =	sdelay $0x1  }
0x8a: {  	s1 =	srdreg.scid  }
0x8b: {  	s0 =	sand.u32 $0x1, s1  }
0x8c: {  	s17 =	sshll.u32 s0, $0xA;
	s2 =	sadd.s32 s3, s2  }
0x8d: {  	s2 =	sadd.s32 s2, s17  }
0x8e: {  	[smem:$0x3FC4] =	sst s2  }
0x8f: {  	_ = 	snop  }
0x90: {  	s2 =	sld [smem:$0x3FC7]  }
0x91: {  	s18 =	sld [smem:$0x3FC6]  }
0x92: {  	s4 =	sld [smem:$0x3FD0];
	(tm) =	ssettm $0x1  }
0x93: {  	s5 =	sld [smem:$0x3FFB];
	_ =	sdelay $0x3  }
0x94: {  	_ =	strace s5  }
0x95: {  	s5 =	sld [smem:$0x3FFC];
	_ =	sdelay $0x3  }
0x96: {  	_ =	strace s5  }
0x97: {  	s5 =	sld [smem:$0x3FFD];
	_ =	sdelay $0x3  }
0x98: {  	_ =	strace s5  }
0x99: {  	_ =	strace $0x8FFFFFFF  }
0x9a: {  	s19 =	sld [smem:$0x3FDB];
	_ =	sdelay $0x1  }
0x9b: {  	s6 =	simm.s32 $_scs_section_size  }
0x9c: {  	s7 =	simm.s32 $_size__tile_overlayer_lowered;
	s8 =	simm.s32 $_tile_overlayer_lowered  }
0x9d: {  	s22 =	simm.s32 $0x1BFF;
	s21 =	sshll.u32 s8, $0x1;
	s5 =	sadd.s32 s6, s19  }
0x9e: {  	s9 =	simm.s32 $0x0;
	s20 =	sshll.u32 s7, $0x1;
	s7 =	sadd.s32 s21, s5  }
0x9f: {  	[timem:s9], [sflag:s22] =	dma.local [hbm:s7], s20  }
0xa0: {  	_ =	swait.ge [sflag:s22], s20  }
0xa1: {  	s6 =	ssub.s32 $0x0, s20;
	[sflag:s22] =	ssyncset.done $0x0  }
0xa2: {  	[sflag:s22] =	ssyncadd.s32 s6;
	_ =	sdelay $0x1  }
0xa3: {  	s23 =	simm.s32 $0x1B8B  }
0xa4: {  	_ =	swait.ge [sflag:s23], $0x1  }
0xa5: {  	[sflag:s23] =	ssyncset.done $0x0  }
0xa6: {  	s25 =	simm.s32 $0x1B8E;
	s24 =	sld [smem:$0x3FFE];
	[sflag:s23] =	ssyncadd.s32 $0xFFFFFFFF  }
0xa7: {  	s26 =	simm.s32 $execute0_lowered;
	[smem:$0x3FD2] =	sst s25  }
0xa8: {  	s7 =	sshll.u32 s26, $0x1;
	_ =	strace $0x80000046;
	[dreg:$0x1] =	wrdreg $0xFFFFFFFF  }
0xa9: {  	s28 =	simm.s32 $_size_execute0_lowered;
	s5 =	sadd.s32 s5, s7;
	[dreg:$0x0] =	wrdreg $0x0  }
0xaa: {  	s7 =	sshll.u32 s28, $0x1;
	[dreg:$0x2] =	wrdreg s5  }
0xab: {  	[dreg:$0x3] =	wrdreg s7  }
0xac: {  	[dreg:$0x4] =	wrdreg $0xC0  }
0xad: {  	_ =	task [dreg:s9], $0x5FFFF  }
0xae: {  	[dreg:$0x1] =	wrdreg $0xFFFFFFFF  }
0xaf: {  	[dreg:$0x0] =	wrdreg $0x60  }
0xb0: {  	[dreg:$0x2] =	wrdreg s24  }
0xb1: {  	[dreg:$0x3] =	wrdreg s2  }
0xb2: {  	[dreg:$0x4] =	wrdreg s18  }
0xb3: {  	[dreg:$0x5] =	wrdreg s4  }
0xb4: {  	[dreg:$0x6] =	wrdreg $0x9  }
0xb5: {  	_ =	task.clear_ibuf [dreg:s9], $0x7FFFF;
	_ =	strace $0x90000046  }
0xb6: {  	s29 =	simm.s32 $0x9;
	_ =	strace $0x80000048  }
0xb7: {  	_ =	swait.ge [sflag:s29], $0x1  }
0xb8: {  	[sflag:s29] =	ssyncadd.s32 $0xFFFFFFFF  }
0xb9: {  	_ =	strace $0x90000048  }
0xba: {  	_ =	sfence  }
0xbb: {  	s30 =	sld [smem:$0x0];
	_ =	sdelay $0x2  }
0xbc: {  	s31 =	sshll.u32 s1, $0xD;
	s1 =	sshrl.u32 s1, $0x2  }
0xbd: {  	s3 =	sand.u32 $0x4000, s31;
	s1 =	sadd.s32 s1, s30  }
0xbe: {  	s0 =	sor.u32 s3, s0;
	s1 =	sshll.u32 s1, $0x11  }
0xbf: {  	s0 =	sor.u32 s1, s0  }
0xc0: {  	s0 =	sadd.s32 $0x8F2B, s0  }
0xc1: {  	[sflag:s0] =	ssyncadd.remote.s32 $0x1  }
0xc2: {  	_ =	sfence.sel $0xFFFF  }
0xc3: {  	[dreg:$0x0] =	wrdreg $0xFFFFFFFF;
	(pc) =	sbr.abs _section_cstart, $3  }
0xc4: {  	[dreg:$0x1] =	wrdreg $0xFFFFFFFF  }
0xc5: {  	_ =	task.clear_ibuf [dreg:s9], $0x2FFFF;
	_ =	strace $0x9FFFFFFF  }
0xc6: {  	(tm) =	ssettm $0x7FFFFFFF  }
0xc7: {  	_ =	shalt  }
tec
execute0_lowered:
.L_overlay_start_1:
0x0: {  	(tag) =	ssettag $0x1  }
0x1: {  	s3 =	rddreg [dreg:$0x0]  }
0x2: {  	s0 =	rddreg [dreg:$0x1]  }
0x3: {  	s1 =	srdreg.scid;
	s2 =	rddreg [dreg:$0x2]  }
0x4: {  	s6 =	rddreg [dreg:$0x3];
	s9 =	simm.s32 $0x2;
	s10 =	simm.s32 $0x200  }
0x5: {  	s11 =	simm.s32 $0x7A1400;
	s12 =	simm.s32 $0x8400;
	s13 =	simm.s32 $0x2400  }
0x6: {  	s14 =	simm.s32 $0xA400;
	s15 =	simm.s32 $0x4400;
	s16 =	simm.s32 $0xC400  }
0x7: {  	s17 =	simm.s32 $0x6400;
	s18 =	simm.s32 $0xE400;
	s19 =	simm.s32 $0x1  }
0x8: {  	s20 =	simm.s32 $0x10400;
	s21 =	simm.s32 $0x0;
	[dreg:$0x5] =	wrdreg s0  }
0x9: {  	v0 =	vlaneseq.u32;
	v1 =	vimm.s32 $0x0;
	s0 =	stileid.u32;
	s4 =	sand.u32 $0x1, s1;
	[dreg:$0x6] =	wrdreg s2  }
0xa: {  	vm0 =	vmmov $0x1;
	vm1 =	vmmov $0x3;
	vm2 =	vmmov $0x7;
	s1 =	rddreg [dreg:$0x4];
	s2 =	simm.s32 $0x0;
	s29 =	sshll.u32 s0, $0x1  }
0xb: {  	vm3 =	vmmov $0xf;
	vm4 =	vmmov $0x1f;
	vm5 =	vmmov $0x3f;
	s7 =	sshll.u32 s0, $0x7;
	[smem:$0x7FF] =	sst s2;
	s5 =	sor.u32 s4, s29  }
0xc: {  	vm6 =	vmmov $0x7f;
	vm7 =	vmmov $0xff;
	vm8 =	vmmov $0x1ff;
	s4 =	ssub.s32 $0x2, s4;
	_ =	strace $0x80000047;
	s8 =	sshll.u32 s5, $0x4  }
0xd: {  	vm9 =	vmmov $0x3ff;
	vm10 =	vmmov $0x7ff;
	vm11 =	vmmov $0xfff;
	s30 =	sshrl.u32 s4, $0x1;
	s5 =	sshll.u32 s5, $0x6;
	s7 =	sor.u32 s7, s8  }
0xe: {  	vm14 =	vmmov $0x7fff;
	v5 =	vimm.s32 $0x0;
	v0 =	vmul.u32 $0x80, v0;
	s31 =	ssub.s32 s4, s30;
	s5 =	sadd.s32 s6, s5;
	s7 =	sand.u32 $0x670, s7  }
0xf: {  	vm12 =	vmmov $0x1fff;
	vm13 =	vmmov $0x3fff;
	v5 =	vsel vm14, $0xFFFFFFFF, v5;
	s8 =	simm.s32 $0x400;
	s6 =	smax.u32 s31, $0x1;
	s7 =	sadd.s32 s7, s3  }
0x10: {  	v2 =	vor.u32 $0x800, v0;
	v3 =	vor.u32 $0x1000, v0;
	v4 =	vor.u32 $0x1800, v0;
	[tilespmem:$0x1FFF0] =	vst v5;
	s3 =	sadd.s32 $0x400, s7;
	s4 =	sadd.s32 $0xC00, s7;
	s7 =	simm.s32 $0x80  }
.LBB2_1:
0x11: {  	[tilespmem:s2], [sflag:$0x2] =	stream.strided.gather [hbm4b:s3+s7], $0x200, s8, s7, $0x38;
	[tilespmem:$0x10600] =	vst v63  }
0x12: {  	_ =	swait.ge [sflag:s9], $0x200  }
0x13: {  	[sflag:s9] =	ssyncset.done $0x0  }
0x14: {  	[sflag:s9] =	ssyncadd.s32 $0xFFFFFE00  }
0x15: {  	[tilespmem:s10], [sflag:$0x2] =	stream.strided.gather [hbm4b:s4+s7], $0x200, s8, s7, $0x38;
	[tilespmem:$0x10600] =	vst v63  }
0x16: {  	_ =	swait.ge [sflag:s9], $0x200  }
0x17: {  	[sflag:s9] =	ssyncset.done $0x0  }
0x18: {  	s22 =	simm.s32 $0x0;
	[sflag:s9] =	ssyncadd.s32 $0xFFFFFE00  }
.LBB2_2:
0x19: {  	s23 =	sshra.s32 s22, $0x2  }
0x1a: {  	vm14 =	vmmov vm13;
	v5 =	vld [tilespmem:s23+$0x0]  }
0x1b: {  	vm13 =	vmmov vm12;
	vm12 =	vmmov vm11;
	vm11 =	vmmov vm10;
	v9 =	vld [tilespmem:s23+$0x200]  }
0x1c: {  	vm10 =	vmmov vm9;
	vm9 =	vmmov vm8;
	vm8 =	vmmov vm7  }
0x1d: {  	vm7 =	vmmov vm6;
	vm6 =	vmmov vm5;
	vm5 =	vmmov vm4  }
0x1e: {  	vm4 =	vmmov vm3;
	vm3 =	vmmov vm2;
	vm2 =	vmmov vm1  }
0x1f: {  	vm1 =	vmmov vm0;
	v6 =	vshra.s32 v5, $0x1F;
	v7 =	vand.u32 $0x7F, v5  }
0x20: {  	vm15 =	vlt.s32 v5, $0x1;
	v8 =	vshra.s32 v9, $0x1F;
	v10 =	vand.u32 $0x7F, v9  }
0x21: {  	v6 =	vshrl.u32 v6, $0x19;
	vm0 =	vne.s32 v7, $0x0;
	v8 =	vshrl.u32 v8, $0x19  }
0x22: {  	v6 =	vadd.s32 v6, v5;
	vm0 =	vmand vm15, vm0;
	vm15 =	vne.s32 v10, $0x0  }
0x23: {  	v6 =	vshrl.u32 v6, $0x7;
	v7 =	vsel vm0, $0xFFFFFFFF, v1;
	vm0 =	vlt.s32 v9, $0x1  }
0x24: {  	vm0 =	vmand vm0, vm15;
	v6 =	vadd.s32 v7, v6;
	v7 =	vadd.s32 v8, v9  }
0x25: {  	s24 =	rddreg [dreg:$0x5];
	v46 =	vsel vm0, $0xFFFFFFFF, v1;
	v6 =	vshll.u32 v6, $0x7;
	v7 =	vshrl.u32 v7, $0x7  }
0x26: {  	v8 =	vadd.s32 s24, v6;
	v7 =	vadd.s32 v46, v7  }
0x27: {  	s25 =	rddreg [dreg:$0x6];
	v10 =	vshll.u32 v7, $0x7;
	(v2sf) =	vpush v8, $0x0  }
0x28: {  	v7 =	vadd.s32 s25, v10  }
0x29: {  	(v2sf) =	vpush v7, $0x0;
	_ =	sdelay $0x1  }
0x2a: {  	(v2sf) =	vpush v8, $0x1;
	_ =	sdelay $0x1  }
0x2b: {  	(v2sf) =	vpush v7, $0x1;
	_ =	sdelay $0x1  }
0x2c: {  	(v2sf) =	vpush v8, $0x2;
	_ =	sdelay $0x1  }
0x2d: {  	(v2sf) =	vpush v7, $0x2;
	_ =	sdelay $0x1  }
0x2e: {  	(v2sf) =	vpush v8, $0x3;
	_ =	sdelay $0x1  }
0x2f: {  	(v2sf) =	vpush v7, $0x3  }
0x30: {  	s30 =	spop (v2sf)  }
0x31: {  	[tilespmem:s8], [sflag:$0x1] =	stream.strided.gather [hbm4b:s30+s8], $0x2000, s11, s8, $0x38;
	[tilespmem:$0x10600] =	vst v63  }
0x32: {  	s31 =	spop (v2sf)  }
0x33: {  	[tilespmem:s12], [sflag:$0x1] =	stream.strided.gather [hbm4b:s31+s8], $0x2000, s11, s8, $0x38;
	[tilespmem:$0x10600] =	vst v63  }
0x34: {  	s25 =	spop (v2sf)  }
0x35: {  	[tilespmem:s13], [sflag:$0x1] =	stream.strided.gather [hbm4b:s25+s8], $0x2000, s11, s8, $0x38;
	[tilespmem:$0x10600] =	vst v63  }
0x36: {  	s26 =	spop (v2sf)  }
0x37: {  	[tilespmem:s14], [sflag:$0x1] =	stream.strided.gather [hbm4b:s26+s8], $0x2000, s11, s8, $0x38;
	[tilespmem:$0x10600] =	vst v63  }
0x38: {  	s28 =	spop (v2sf)  }
0x39: {  	[tilespmem:s15], [sflag:$0x1] =	stream.strided.gather [hbm4b:s28+s8], $0x2000, s11, s8, $0x38;
	[tilespmem:$0x10600] =	vst v63  }
0x3a: {  	s29 =	spop (v2sf)  }
0x3b: {  	[tilespmem:s16], [sflag:$0x1] =	stream.strided.gather [hbm4b:s29+s8], $0x2000, s11, s8, $0x38;
	[tilespmem:$0x10600] =	vst v63  }
0x3c: {  	s30 =	spop (v2sf)  }
0x3d: {  	[tilespmem:s17], [sflag:$0x1] =	stream.strided.gather [hbm4b:s30+s8], $0x2000, s11, s8, $0x38;
	[tilespmem:$0x10600] =	vst v63  }
0x3e: {  	s31 =	spop (v2sf)  }
0x3f: {  	[tilespmem:s18], [sflag:$0x1] =	stream.strided.gather [hbm4b:s31+s8], $0x2000, s11, s8, $0x38;
	[tilespmem:$0x10600] =	vst v63  }
0x40: {  	v47 =	vld [tilespmem:$0x1FFF0];
	_ =	swait.ge [sflag:s19], $0x2000  }
0x41: {  	[sflag:s19] =	ssyncset.done $0x0  }
0x42: {  	[sflag:s19] =	ssyncadd.s32 $0xFFFFE000  }
0x43: {  	_ =	swait.ge [sflag:s19], $0x2000  }
0x44: {  	[sflag:s19] =	ssyncset.done $0x0  }
0x45: {  	[sflag:s19] =	ssyncadd.s32 $0xFFFFE000  }
0x46: {  	_ =	swait.ge [sflag:s19], $0x2000  }
0x47: {  	[sflag:s19] =	ssyncset.done $0x0  }
0x48: {  	[sflag:s19] =	ssyncadd.s32 $0xFFFFE000  }
0x49: {  	_ =	swait.ge [sflag:s19], $0x2000  }
0x4a: {  	[sflag:s19] =	ssyncset.done $0x0  }
0x4b: {  	[sflag:s19] =	ssyncadd.s32 $0xFFFFE000  }
0x4c: {  	_ =	swait.ge [sflag:s19], $0x2000  }
0x4d: {  	[sflag:s19] =	ssyncset.done $0x0  }
0x4e: {  	[sflag:s19] =	ssyncadd.s32 $0xFFFFE000  }
0x4f: {  	_ =	swait.ge [sflag:s19], $0x2000  }
0x50: {  	v6 =	vsub.s32 v5, v6;
	[sflag:s19] =	ssyncset.done $0x0  }
0x51: {  	v48 =	vbroadcast v6, $0x0;
	v5 =	vsub.s32 v9, v10;
	[sflag:s19] =	ssyncadd.s32 $0xFFFFE000  }
0x52: {  	v10 =	vbroadcast v5, $0x0;
	_ =	swait.ge [sflag:s19], $0x2000  }
0x53: {  	v11 =	vadd.s32 v0, v48;
	[sflag:s19] =	ssyncset.done $0x0  }
0x54: {  	v12 =	vadd.s32 v0, v10;
	[sflag:s19] =	ssyncadd.s32 $0xFFFFE000  }
0x55: {  	v13 =	vadd.s32 v2, v48;
	_ =	swait.ge [sflag:s19], $0x2000  }
0x56: {  	v14 =	vadd.s32 v2, v10;
	[sflag:s19] =	ssyncset.done $0x0  }
0x57: {  	v15 =	vadd.s32 v3, v48;
	[sflag:s19] =	ssyncadd.s32 $0xFFFFE000  }
0x58: {  	v16 =	vadd.s32 v3, v10;
	v11 =	vld.idx.msk [tilespmem:v11+s8+$0x0], $0xffff  }
0x59: {  	v17 =	vbroadcast v6, $0x1;
	v9 =	vadd.s32 v4, v48;
	v12 =	vld.idx.msk [tilespmem:v12+s12+$0x0], $0xffff  }
0x5a: {  	v18 =	vbroadcast v5, $0x1;
	v10 =	vadd.s32 v4, v10;
	v13 =	vld.idx.msk [tilespmem:v13+s8+$0x0], $0xffff  }
0x5b: {  	v19 =	vadd.s32 v0, v17;
	v14 =	vld.idx.msk [tilespmem:v14+s12+$0x0], $0xffff  }
0x5c: {  	v20 =	vadd.s32 v0, v18;
	v15 =	vld.idx.msk [tilespmem:v15+s8+$0x0], $0xffff  }
0x5d: {  	v21 =	vadd.s32 v2, v17;
	v16 =	vld.idx.msk [tilespmem:v16+s12+$0x0], $0xffff  }
0x5e: {  	v22 =	vadd.s32 v2, v18;
	v9 =	vld.idx.msk [tilespmem:v9+s8+$0x0], $0xffff  }
0x5f: {  	v23 =	vadd.s32 v3, v17;
	v10 =	vld.idx.msk [tilespmem:v10+s12+$0x0], $0xffff  }
0x60: {  	v24 =	vadd.s32 v3, v18;
	v19 =	vld.idx.msk [tilespmem:v19+s13+$0x0], $0xffff  }
0x61: {  	v25 =	vbroadcast v6, $0x2;
	v17 =	vadd.s32 v4, v17;
	v20 =	vld.idx.msk [tilespmem:v20+s14+$0x0], $0xffff  }
0x62: {  	v26 =	vbroadcast v5, $0x2;
	v18 =	vadd.s32 v4, v18;
	v21 =	vld.idx.msk [tilespmem:v21+s13+$0x0], $0xffff  }
0x63: {  	v27 =	vadd.s32 v0, v25;
	v22 =	vld.idx.msk [tilespmem:v22+s14+$0x0], $0xffff  }
0x64: {  	v28 =	vadd.s32 v0, v26;
	v23 =	vld.idx.msk [tilespmem:v23+s13+$0x0], $0xffff  }
0x65: {  	v29 =	vadd.s32 v2, v25;
	v24 =	vld.idx.msk [tilespmem:v24+s14+$0x0], $0xffff  }
0x66: {  	v30 =	vadd.s32 v2, v26;
	v17 =	vld.idx.msk [tilespmem:v17+s13+$0x0], $0xffff  }
0x67: {  	v31 =	vadd.s32 v3, v25;
	v18 =	vld.idx.msk [tilespmem:v18+s14+$0x0], $0xffff  }
0x68: {  	v32 =	vadd.s32 v3, v26;
	v27 =	vld.idx.msk [tilespmem:v27+s15+$0x0], $0xffff  }
0x69: {  	v33 =	vbroadcast v6, $0x3;
	v25 =	vadd.s32 v4, v25;
	v28 =	vld.idx.msk [tilespmem:v28+s16+$0x0], $0xffff  }
0x6a: {  	v50 =	vbroadcast v5, $0x3;
	v26 =	vadd.s32 v4, v26;
	(v2sf) =	vpush v8, $0x4;
	v49 =	vld.idx.msk [tilespmem:v29+s15+$0x0], $0xffff  }
0x6b: {  	v34 =	vadd.s32 v0, v33;
	v30 =	vld.idx.msk [tilespmem:v30+s16+$0x0], $0xffff  }
0x6c: {  	v52 =	vadd.s32 v0, v50;
	(v2sf) =	vpush v7, $0x4;
	v51 =	vld.idx.msk [tilespmem:v31+s15+$0x0], $0xffff  }
0x6d: {  	v35 =	vadd.s32 v2, v33;
	v32 =	vld.idx.msk [tilespmem:v32+s16+$0x0], $0xffff  }
0x6e: {  	v57 =	vadd.s32 v3, v33;
	v55 =	vadd.s32 v2, v50;
	v54 =	vld.idx.msk [tilespmem:v25+s15+$0x0], $0xffff  }
0x6f: {  	v62 =	vadd.s32 v4, v33;
	v60 =	vadd.s32 v3, v50;
	v56 =	vld.idx.msk [tilespmem:v26+s16+$0x0], $0xffff;
	(v2sf) =	vpush v8, $0x5  }
0x70: {  	v59 =	vld.idx.msk [tilespmem:v34+s17+$0x0], $0xffff;
	v29 =	vadd.s32 v4, v50;
	(v2sf) =	vpush v7, $0x5;
	v11 =	vmul.f32 v12, v11  }
0x71: {  	v61 =	vld.idx.msk [tilespmem:v52+s18+$0x0], $0xffff;
	(v2sf) =	vpush v8, $0x6;
	v13 =	vmul.f32 v14, v13;
	v53 =	vmul.f32 v16, v15  }
0x72: {  	v63 =	vld.idx.msk [tilespmem:v35+s17+$0x0], $0xffff;
	(v2sf) =	vpush v7, $0x6;
	v58 =	vmul.f32 v20, v19;
	v9 =	vmul.f32 v10, v9  }
0x73: {  	v21 =	vmul.f32 v22, v21;
	v27 =	vmul.f32 v28, v27;
	v16 =	vld.idx.msk [tilespmem:v55+s18+$0x0], $0xffff;
	v11 =	vadd.f32 $0.0e+00, v11  }
0x74: {  	v35 =	vld.idx.msk [tilespmem:v57+s17+$0x0], $0xffff;
	(v2sf) =	vpush v8, $0x7;
	v34 =	vmul.f32 v24, v23;
	v12 =	vmul.f32 v30, v49  }
0x75: {  	v20 =	vld.idx.msk [tilespmem:v60+s18+$0x0], $0xffff;
	v37 =	vmul.f32 v18, v17;
	v11 =	vadd.f32 v13, v11;
	v13 =	vadd.f32 $0.0e+00, v58  }
0x76: {  	v38 =	vld.idx.msk [tilespmem:v62+s17+$0x0], $0xffff;
	v10 =	vmul.f32 v61, v59;
	(v2sf) =	vpush v7, $0x7;
	v36 =	vadd.f32 $0.0e+00, v27  }
0x77: {  	v14 =	vmul.f32 v32, v51;
	v39 =	vld.idx.msk [tilespmem:v29+s18+$0x0], $0xffff;
	v11 =	vadd.f32 v53, v11;
	v33 =	vadd.f32 v21, v13  }
0x78: {  	v10 =	vadd.f32 $0.0e+00, v10;
	v12 =	vadd.f32 v12, v36;
	v40 =	vmul.f32 v16, v63  }
0x79: {  	v41 =	vmul.f32 v56, v54;
	v9 =	vadd.f32 v9, v11;
	v11 =	vadd.f32 v34, v33;
	s25 =	spop (v2sf)  }
0x7a: {  	v42 =	vmul.f32 v20, v35;
	v12 =	vadd.f32 v14, v12;
	v10 =	vadd.f32 v40, v10;
	[tilespmem:s8], [sflag:$0x1] =	stream.strided.gather [hbm4b:s25+s8], $0x2000, s11, s8, $0x38;
	[tilespmem:$0x10600] =	vst v63  }
0x7b: {  	s26 =	spop (v2sf);
	v11 =	vadd.f32 v37, v11;
	(xrf2) =	vadd.scan.msk.f32 $0xffff, v9  }
0x7c: {  	v44 =	vmul.f32 v39, v38;
	v43 =	vadd.f32 v41, v12;
	v10 =	vadd.f32 v42, v10;
	[tilespmem:s12], [sflag:$0x1] =	stream.strided.gather [hbm4b:s26+s8], $0x2000, s11, s8, $0x38;
	[tilespmem:$0x10600] =	vst v63  }
0x7d: {  	(xrf2) =	vadd.scan.msk.f32 $0xffff, v11  }
0x7e: {  	s28 =	spop (v2sf);
	v45 =	vadd.f32 v44, v10;
	(xrf2) =	vadd.scan.msk.f32 $0xffff, v43  }
0x7f: {  	[tilespmem:s13], [sflag:$0x1] =	stream.strided.gather [hbm4b:s28+s8], $0x2000, s11, s8, $0x38;
	[tilespmem:$0x10600] =	vst v63  }
0x80: {  	(xrf2) =	vadd.scan.msk.f32 $0xffff, v45  }
0x81: {  	s29 =	spop (v2sf)  }
0x82: {  	[tilespmem:s14], [sflag:$0x1] =	stream.strided.gather [hbm4b:s29+s8], $0x2000, s11, s8, $0x38;
	[tilespmem:$0x10600] =	vst v63  }
0x83: {  	s30 =	spop (v2sf)  }
0x84: {  	[tilespmem:s15], [sflag:$0x1] =	stream.strided.gather [hbm4b:s30+s8], $0x2000, s11, s8, $0x38;
	[tilespmem:$0x10600] =	vst v63  }
0x85: {  	s31 =	spop (v2sf)  }
0x86: {  	[tilespmem:s16], [sflag:$0x1] =	stream.strided.gather [hbm4b:s31+s8], $0x2000, s11, s8, $0x38;
	[tilespmem:$0x10600] =	vst v63  }
0x87: {  	s25 =	spop (v2sf);
	v11, _, _ =	vpop (xrf2)  }
0x88: {  	[tilespmem:s17], [sflag:$0x1] =	stream.strided.gather [hbm4b:s25+s8], $0x2000, s11, s8, $0x38;
	v12, _, _ =	vpop (xrf2);
	[tilespmem:$0x10600] =	vst v63  }
0x89: {  	s26 =	spop (v2sf);
	v10, _, _ =	vpop (xrf2)  }
0x8a: {  	[tilespmem:s18], [sflag:$0x1] =	stream.strided.gather [hbm4b:s26+s8], $0x2000, s11, s8, $0x38;
	v9, _, _ =	vpop (xrf2);
	[tilespmem:$0x10600] =	vst v63  }
0x8b: {  	_ =	swait.ge [sflag:s19], $0x2000  }
0x8c: {  	[sflag:s19] =	ssyncset.done $0x0  }
0x8d: {  	[sflag:s19] =	ssyncadd.s32 $0xFFFFE000  }
0x8e: {  	_ =	swait.ge [sflag:s19], $0x2000  }
0x8f: {  	[sflag:s19] =	ssyncset.done $0x0  }
0x90: {  	[sflag:s19] =	ssyncadd.s32 $0xFFFFE000  }
0x91: {  	_ =	swait.ge [sflag:s19], $0x2000  }
0x92: {  	[sflag:s19] =	ssyncset.done $0x0  }
0x93: {  	[sflag:s19] =	ssyncadd.s32 $0xFFFFE000  }
0x94: {  	_ =	swait.ge [sflag:s19], $0x2000  }
0x95: {  	[sflag:s19] =	ssyncset.done $0x0  }
0x96: {  	[sflag:s19] =	ssyncadd.s32 $0xFFFFE000  }
0x97: {  	_ =	swait.ge [sflag:s19], $0x2000  }
0x98: {  	vm0 =	vmmov vm1;
	vm1 =	vmmov vm2;
	[sflag:s19] =	ssyncset.done $0x0  }
0x99: {  	vm2 =	vmmov vm3;
	vm3 =	vmmov vm4;
	vm4 =	vmmov vm5;
	[sflag:s19] =	ssyncadd.s32 $0xFFFFE000  }
0x9a: {  	vm5 =	vmmov vm6;
	vm6 =	vmmov vm7;
	vm7 =	vmmov vm8;
	_ =	swait.ge [sflag:s19], $0x2000  }
0x9b: {  	vm8 =	vmmov vm9;
	vm9 =	vmmov vm10;
	vm10 =	vmmov vm11;
	[sflag:s19] =	ssyncset.done $0x0  }
0x9c: {  	vm11 =	vmmov vm12;
	vm12 =	vmmov vm13;
	v46 =	vbroadcast v6, $0x4;
	[sflag:s19] =	ssyncadd.s32 $0xFFFFE000  }
0x9d: {  	vm13 =	vmmov vm14;
	vm14 =	vnez.u8 v47;
	v47 =	vbroadcast v5, $0x4;
	_ =	swait.ge [sflag:s19], $0x2000  }
0x9e: {  	v48 =	vadd.s32 v0, v46;
	[sflag:s19] =	ssyncset.done $0x0  }
0x9f: {  	v49 =	vadd.s32 v0, v47;
	[sflag:s19] =	ssyncadd.s32 $0xFFFFE000  }
0xa0: {  	v50 =	vadd.s32 v2, v46;
	_ =	swait.ge [sflag:s19], $0x2000  }
0xa1: {  	v51 =	vadd.s32 v2, v47;
	[sflag:s19] =	ssyncset.done $0x0  }
0xa2: {  	v52 =	vadd.s32 v3, v46;
	[sflag:s19] =	ssyncadd.s32 $0xFFFFE000  }
0xa3: {  	v53 =	vadd.s32 v3, v47;
	v15 =	vld.idx.msk [tilespmem:v48+s8+$0x0], $0xffff  }
0xa4: {  	v54 =	vbroadcast v6, $0x5;
	v13 =	vadd.s32 v4, v46;
	v16 =	vld.idx.msk [tilespmem:v49+s12+$0x0], $0xffff  }
0xa5: {  	v55 =	vbroadcast v5, $0x5;
	v14 =	vadd.s32 v4, v47;
	v17 =	vld.idx.msk [tilespmem:v50+s8+$0x0], $0xffff  }
0xa6: {  	v56 =	vadd.s32 v0, v54;
	v18 =	vld.idx.msk [tilespmem:v51+s12+$0x0], $0xffff  }
0xa7: {  	v57 =	vadd.s32 v0, v55;
	v19 =	vld.idx.msk [tilespmem:v52+s8+$0x0], $0xffff  }
0xa8: {  	v58 =	vadd.s32 v2, v54;
	v20 =	vld.idx.msk [tilespmem:v53+s12+$0x0], $0xffff  }
0xa9: {  	v59 =	vadd.s32 v2, v55;
	v13 =	vld.idx.msk [tilespmem:v13+s8+$0x0], $0xffff  }
0xaa: {  	v60 =	vadd.s32 v3, v54;
	v14 =	vld.idx.msk [tilespmem:v14+s12+$0x0], $0xffff  }
0xab: {  	v61 =	vadd.s32 v3, v55;
	v23 =	vld.idx.msk [tilespmem:v56+s13+$0x0], $0xffff  }
0xac: {  	v62 =	vbroadcast v6, $0x6;
	v21 =	vadd.s32 v4, v54;
	v24 =	vld.idx.msk [tilespmem:v57+s14+$0x0], $0xffff  }
0xad: {  	v22 =	vadd.s32 v4, v55;
	v63 =	vbroadcast v5, $0x6;
	v25 =	vld.idx.msk [tilespmem:v58+s13+$0x0], $0xffff  }
0xae: {  	v40 =	vadd.s32 v0, v62;
	v26 =	vld.idx.msk [tilespmem:v59+s14+$0x0], $0xffff  }
0xaf: {  	v41 =	vadd.s32 v0, v63;
	v27 =	vld.idx.msk [tilespmem:v60+s13+$0x0], $0xffff  }
0xb0: {  	v42 =	vadd.s32 v2, v62;
	v28 =	vld.idx.msk [tilespmem:v61+s14+$0x0], $0xffff  }
0xb1: {  	v43 =	vadd.s32 v2, v63;
	v21 =	vld.idx.msk [tilespmem:v21+s13+$0x0], $0xffff  }
0xb2: {  	v44 =	vadd.s32 v3, v62;
	v22 =	vld.idx.msk [tilespmem:v22+s14+$0x0], $0xffff  }
0xb3: {  	v36 =	vadd.s32 v3, v63;
	v31 =	vld.idx.msk [tilespmem:v40+s15+$0x0], $0xffff  }
0xb4: {  	v29 =	vadd.s32 v4, v62;
	v37 =	vbroadcast v6, $0x7;
	v32 =	vld.idx.msk [tilespmem:v41+s16+$0x0], $0xffff  }
0xb5: {  	v46 =	vbroadcast v5, $0x7;
	v30 =	vadd.s32 v4, v63;
	(v2sf) =	vpush v8, $0x8;
	v45 =	vld.idx.msk [tilespmem:v42+s15+$0x0], $0xffff  }
0xb6: {  	v38 =	vadd.s32 v0, v37;
	v34 =	vld.idx.msk [tilespmem:v43+s16+$0x0], $0xffff  }
0xb7: {  	(v2sf) =	vpush v7, $0x8;
	v47 =	vld.idx.msk [tilespmem:v44+s15+$0x0], $0xffff;
	v48 =	vadd.s32 v0, v46  }
0xb8: {  	v39 =	vadd.s32 v2, v37;
	v36 =	vld.idx.msk [tilespmem:v36+s16+$0x0], $0xffff  }
0xb9: {  	v33 =	vadd.s32 v4, v46;
	v50 =	vld.idx.msk [tilespmem:v29+s15+$0x0], $0xffff;
	v51 =	vadd.s32 v2, v46  }
0xba: {  	v52 =	vld.idx.msk [tilespmem:v30+s16+$0x0], $0xffff;
	v53 =	vadd.s32 v3, v37;
	v56 =	vadd.s32 v3, v46;
	(v2sf) =	vpush v8, $0x9  }
0xbb: {  	v55 =	vld.idx.msk [tilespmem:v38+s17+$0x0], $0xffff;
	v58 =	vadd.s32 v4, v37;
	(v2sf) =	vpush v7, $0x9;
	v15 =	vmul.f32 v16, v15  }
0xbc: {  	(v2sf) =	vpush v8, $0xA;
	v17 =	vmul.f32 v18, v17;
	v49 =	vmul.f32 v20, v19;
	v57 =	vld.idx.msk [tilespmem:v48+s18+$0x0], $0xffff  }
0xbd: {  	v59 =	vld.idx.msk [tilespmem:v39+s17+$0x0], $0xffff;
	(v2sf) =	vpush v7, $0xA;
	v54 =	vmul.f32 v24, v23;
	v13 =	vmul.f32 v14, v13  }
0xbe: {  	v25 =	vmul.f32 v26, v25;
	v31 =	vmul.f32 v32, v31;
	v20 =	vld.idx.msk [tilespmem:v51+s18+$0x0], $0xffff;
	v15 =	vadd.f32 $0.0e+00, v15  }
0xbf: {  	(v2sf) =	vpush v8, $0xB;
	v61 =	vmul.f32 v28, v27;
	v62 =	vld.idx.msk [tilespmem:v53+s17+$0x0], $0xffff;
	v16 =	vmul.f32 v34, v45  }
0xc0: {  	v24 =	vld.idx.msk [tilespmem:v56+s18+$0x0], $0xffff;
	v28 =	vmul.f32 v22, v21;
	v15 =	vadd.f32 v17, v15;
	v17 =	vadd.f32 $0.0e+00, v54  }
0xc1: {  	v30 =	vld.idx.msk [tilespmem:v58+s17+$0x0], $0xffff;
	(v2sf) =	vpush v7, $0xB;
	v63 =	vadd.f32 $0.0e+00, v31;
	v14 =	vmul.f32 v57, v55  }
0xc2: {  	v18 =	vmul.f32 v36, v47;
	v31 =	vld.idx.msk [tilespmem:v33+s18+$0x0], $0xffff;
	v15 =	vadd.f32 v49, v15;
	v60 =	vadd.f32 v25, v17  }
0xc3: {  	v16 =	vadd.f32 v16, v63;
	v32 =	vmul.f32 v20, v59;
	v14 =	vadd.f32 $0.0e+00, v14  }
0xc4: {  	v33 =	vmul.f32 v52, v50;
	v13 =	vadd.f32 v13, v15;
	v15 =	vadd.f32 v61, v60;
	s28 =	spop (v2sf)  }
0xc5: {  	v34 =	vmul.f32 v24, v62;
	v16 =	vadd.f32 v18, v16;
	v14 =	vadd.f32 v32, v14;
	[tilespmem:s8], [sflag:$0x1] =	stream.strided.gather [hbm4b:s28+s8], $0x2000, s11, s8, $0x38;
	[tilespmem:$0x10600] =	vst v63  }
0xc6: {  	s29 =	spop (v2sf);
	v15 =	vadd.f32 v28, v15;
	(xrf2) =	vadd.scan.msk.f32 $0xffff, v13  }
0xc7: {  	v36 =	vmul.f32 v31, v30;
	v35 =	vadd.f32 v33, v16;
	v14 =	vadd.f32 v34, v14;
	[tilespmem:s12], [sflag:$0x1] =	stream.strided.gather [hbm4b:s29+s8], $0x2000, s11, s8, $0x38;
	[tilespmem:$0x10600] =	vst v63  }
0xc8: {  	(xrf2) =	vadd.scan.msk.f32 $0xffff, v15  }
0xc9: {  	s30 =	spop (v2sf);
	(xrf2) =	vadd.scan.msk.f32 $0xffff, v35;
	v37 =	vadd.f32 v36, v14  }
0xca: {  	[tilespmem:s13], [sflag:$0x1] =	stream.strided.gather [hbm4b:s30+s8], $0x2000, s11, s8, $0x38;
	[tilespmem:$0x10600] =	vst v63  }
0xcb: {  	(xrf2) =	vadd.scan.msk.f32 $0xffff, v37  }
0xcc: {  	s31 =	spop (v2sf)  }
0xcd: {  	[tilespmem:s14], [sflag:$0x1] =	stream.strided.gather [hbm4b:s31+s8], $0x2000, s11, s8, $0x38;
	[tilespmem:$0x10600] =	vst v63  }
0xce: {  	s25 =	spop (v2sf)  }
0xcf: {  	[tilespmem:s15], [sflag:$0x1] =	stream.strided.gather [hbm4b:s25+s8], $0x2000, s11, s8, $0x38;
	[tilespmem:$0x10600] =	vst v63  }
0xd0: {  	s26 =	spop (v2sf)  }
0xd1: {  	[tilespmem:s16], [sflag:$0x1] =	stream.strided.gather [hbm4b:s26+s8], $0x2000, s11, s8, $0x38;
	[tilespmem:$0x10600] =	vst v63  }
0xd2: {  	s28 =	spop (v2sf);
	v14, _, _ =	vpop (xrf2)  }
0xd3: {  	[tilespmem:s17], [sflag:$0x1] =	stream.strided.gather [hbm4b:s28+s8], $0x2000, s11, s8, $0x38;
	v15, _, _ =	vpop (xrf2);
	[tilespmem:$0x10600] =	vst v63  }
0xd4: {  	s29 =	spop (v2sf);
	v16, _, _ =	vpop (xrf2)  }
0xd5: {  	[tilespmem:s18], [sflag:$0x1] =	stream.strided.gather [hbm4b:s29+s8], $0x2000, s11, s8, $0x38;
	v13, _, _ =	vpop (xrf2);
	[tilespmem:$0x10600] =	vst v63  }
0xd6: {  	_ =	swait.ge [sflag:s19], $0x2000  }
0xd7: {  	[sflag:s19] =	ssyncset.done $0x0  }
0xd8: {  	[sflag:s19] =	ssyncadd.s32 $0xFFFFE000  }
0xd9: {  	_ =	swait.ge [sflag:s19], $0x2000  }
0xda: {  	[sflag:s19] =	ssyncset.done $0x0  }
0xdb: {  	[sflag:s19] =	ssyncadd.s32 $0xFFFFE000  }
0xdc: {  	_ =	swait.ge [sflag:s19], $0x2000  }
0xdd: {  	[sflag:s19] =	ssyncset.done $0x0  }
0xde: {  	[sflag:s19] =	ssyncadd.s32 $0xFFFFE000  }
0xdf: {  	_ =	swait.ge [sflag:s19], $0x2000  }
0xe0: {  	[sflag:s19] =	ssyncset.done $0x0  }
0xe1: {  	[sflag:s19] =	ssyncadd.s32 $0xFFFFE000  }
0xe2: {  	_ =	swait.ge [sflag:s19], $0x2000  }
0xe3: {  	[sflag:s19] =	ssyncset.done $0x0  }
0xe4: {  	[sflag:s19] =	ssyncadd.s32 $0xFFFFE000  }
0xe5: {  	_ =	swait.ge [sflag:s19], $0x2000  }
0xe6: {  	[sflag:s19] =	ssyncset.done $0x0  }
0xe7: {  	v38 =	vbroadcast v6, $0x8;
	[sflag:s19] =	ssyncadd.s32 $0xFFFFE000  }
0xe8: {  	v39 =	vbroadcast v5, $0x8;
	_ =	swait.ge [sflag:s19], $0x2000  }
0xe9: {  	v40 =	vadd.s32 v0, v38;
	[sflag:s19] =	ssyncset.done $0x0  }
0xea: {  	v41 =	vadd.s32 v0, v39;
	[sflag:s19] =	ssyncadd.s32 $0xFFFFE000  }
0xeb: {  	v42 =	vadd.s32 v2, v38;
	_ =	swait.ge [sflag:s19], $0x2000  }
0xec: {  	v43 =	vadd.s32 v2, v39;
	[sflag:s19] =	ssyncset.done $0x0  }
0xed: {  	v44 =	vadd.s32 v3, v38;
	[sflag:s19] =	ssyncadd.s32 $0xFFFFE000  }
0xee: {  	v45 =	vadd.s32 v3, v39;
	v19 =	vld.idx.msk [tilespmem:v40+s8+$0x0], $0xffff  }
0xef: {  	v46 =	vbroadcast v6, $0x9;
	v17 =	vadd.s32 v4, v38;
	v20 =	vld.idx.msk [tilespmem:v41+s12+$0x0], $0xffff  }
0xf0: {  	v47 =	vbroadcast v5, $0x9;
	v18 =	vadd.s32 v4, v39;
	v21 =	vld.idx.msk [tilespmem:v42+s8+$0x0], $0xffff  }
0xf1: {  	v48 =	vadd.s32 v0, v46;
	v22 =	vld.idx.msk [tilespmem:v43+s12+$0x0], $0xffff  }
0xf2: {  	v49 =	vadd.s32 v0, v47;
	v23 =	vld.idx.msk [tilespmem:v44+s8+$0x0], $0xffff  }
0xf3: {  	v50 =	vadd.s32 v2, v46;
	v24 =	vld.idx.msk [tilespmem:v45+s12+$0x0], $0xffff  }
0xf4: {  	v51 =	vadd.s32 v2, v47;
	v17 =	vld.idx.msk [tilespmem:v17+s8+$0x0], $0xffff  }
0xf5: {  	v52 =	vadd.s32 v3, v46;
	v18 =	vld.idx.msk [tilespmem:v18+s12+$0x0], $0xffff  }
0xf6: {  	v53 =	vadd.s32 v3, v47;
	v27 =	vld.idx.msk [tilespmem:v48+s13+$0x0], $0xffff  }
0xf7: {  	v54 =	vbroadcast v6, $0xA;
	v25 =	vadd.s32 v4, v46;
	v28 =	vld.idx.msk [tilespmem:v49+s14+$0x0], $0xffff  }
0xf8: {  	v26 =	vadd.s32 v4, v47;
	v55 =	vbroadcast v5, $0xA;
	v29 =	vld.idx.msk [tilespmem:v50+s13+$0x0], $0xffff  }
0xf9: {  	v56 =	vadd.s32 v0, v54;
	v30 =	vld.idx.msk [tilespmem:v51+s14+$0x0], $0xffff  }
0xfa: {  	v57 =	vadd.s32 v0, v55;
	v31 =	vld.idx.msk [tilespmem:v52+s13+$0x0], $0xffff  }
0xfb: {  	v58 =	vadd.s32 v2, v54;
	v32 =	vld.idx.msk [tilespmem:v53+s14+$0x0], $0xffff  }
0xfc: {  	v59 =	vadd.s32 v2, v55;
	v25 =	vld.idx.msk [tilespmem:v25+s13+$0x0], $0xffff  }
0xfd: {  	v60 =	vadd.s32 v3, v54;
	v26 =	vld.idx.msk [tilespmem:v26+s14+$0x0], $0xffff  }
0xfe: {  	v33 =	vadd.s32 v4, v54;
	v35 =	vld.idx.msk [tilespmem:v56+s15+$0x0], $0xffff  }
0xff: {  	v62 =	vbroadcast v5, $0xB;
	v34 =	vadd.s32 v4, v55;
	v36 =	vld.idx.msk [tilespmem:v57+s16+$0x0], $0xffff  }
0x100: {  	(v2sf) =	vpush v8, $0xC;
	v40 =	vadd.s32 v3, v55;
	v41 =	vbroadcast v6, $0xB;
	v61 =	vld.idx.msk [tilespmem:v58+s15+$0x0], $0xffff  }
0x101: {  	v38 =	vld.idx.msk [tilespmem:v59+s16+$0x0], $0xffff;
	v45 =	vadd.s32 v0, v62  }
0x102: {  	(v2sf) =	vpush v7, $0xC;
	v63 =	vld.idx.msk [tilespmem:v60+s15+$0x0], $0xffff;
	v42 =	vadd.s32 v0, v41  }
0x103: {  	v47 =	vld.idx.msk [tilespmem:v33+s15+$0x0], $0xffff;
	v48 =	vadd.s32 v2, v62  }
0x104: {  	v49 =	vld.idx.msk [tilespmem:v34+s16+$0x0], $0xffff;
	(v2sf) =	vpush v8, $0xD;
	v43 =	vadd.s32 v2, v41  }
0x105: {  	v37 =	vadd.s32 v4, v62;
	v53 =	vadd.s32 v3, v62;
	(v2sf) =	vpush v7, $0xD;
	v40 =	vld.idx.msk [tilespmem:v40+s16+$0x0], $0xffff  }
0x106: {  	v50 =	vadd.s32 v3, v41;
	v55 =	vadd.s32 v4, v41;
	v19 =	vmul.f32 v20, v19;
	v54 =	vld.idx.msk [tilespmem:v45+s18+$0x0], $0xffff  }
0x107: {  	(v2sf) =	vpush v8, $0xE;
	v21 =	vmul.f32 v22, v21;
	v46 =	vmul.f32 v24, v23;
	v52 =	vld.idx.msk [tilespmem:v42+s17+$0x0], $0xffff  }
0x108: {  	(v2sf) =	vpush v7, $0xE;
	v51 =	vmul.f32 v28, v27;
	v17 =	vmul.f32 v18, v17;
	v24 =	vld.idx.msk [tilespmem:v48+s18+$0x0], $0xffff  }
0x109: {  	v29 =	vmul.f32 v30, v29;
	v35 =	vmul.f32 v36, v35;
	v19 =	vadd.f32 $0.0e+00, v19;
	v56 =	vld.idx.msk [tilespmem:v43+s17+$0x0], $0xffff  }
0x10a: {  	(v2sf) =	vpush v8, $0xF;
	v58 =	vmul.f32 v32, v31;
	v20 =	vmul.f32 v38, v61;
	v28 =	vld.idx.msk [tilespmem:v53+s18+$0x0], $0xffff  }
0x10b: {  	v61 =	vmul.f32 v26, v25;
	v59 =	vld.idx.msk [tilespmem:v50+s17+$0x0], $0xffff;
	v19 =	vadd.f32 v21, v19;
	v21 =	vadd.f32 $0.0e+00, v51  }
0x10c: {  	(v2sf) =	vpush v7, $0xF;
	v60 =	vadd.f32 $0.0e+00, v35;
	v62 =	vld.idx.msk [tilespmem:v55+s17+$0x0], $0xffff;
	v18 =	vmul.f32 v54, v52  }
0x10d: {  	v22 =	vmul.f32 v40, v63;
	v63 =	vld.idx.msk [tilespmem:v37+s18+$0x0], $0xffff;
	v19 =	vadd.f32 v46, v19;
	v57 =	vadd.f32 v29, v21  }
0x10e: {  	v20 =	vadd.f32 v20, v60;
	v24 =	vmul.f32 v24, v56;
	v18 =	vadd.f32 $0.0e+00, v18  }
0x10f: {  	v27 =	vmul.f32 v49, v47;
	v17 =	vadd.f32 v17, v19;
	v19 =	vadd.f32 v58, v57;
	s30 =	spop (v2sf)  }
0x110: {  	v20 =	vadd.f32 v22, v20;
	v28 =	vmul.f32 v28, v59;
	[tilespmem:s8], [sflag:$0x1] =	stream.strided.gather [hbm4b:s30+s8], $0x2000, s11, s8, $0x38;
	v18 =	vadd.f32 v24, v18;
	[tilespmem:$0x10600] =	vst v63  }
0x111: {  	s31 =	spop (v2sf);
	v19 =	vadd.f32 v61, v19;
	(xrf2) =	vadd.scan.msk.f32 $0xffff, v17  }
0x112: {  	v7 =	vadd.f32 v27, v20;
	v30 =	vmul.f32 v63, v62;
	[tilespmem:s12], [sflag:$0x1] =	stream.strided.gather [hbm4b:s31+s8], $0x2000, s11, s8, $0x38;
	v29 =	vadd.f32 v28, v18;
	[tilespmem:$0x10600] =	vst v63  }
0x113: {  	(xrf2) =	vadd.scan.msk.f32 $0xffff, v19  }
0x114: {  	s25 =	spop (v2sf);
	(xrf2) =	vadd.scan.msk.f32 $0xffff, v7;
	v7 =	vadd.f32 v30, v29  }
0x115: {  	[tilespmem:s13], [sflag:$0x1] =	stream.strided.gather [hbm4b:s25+s8], $0x2000, s11, s8, $0x38;
	[tilespmem:$0x10600] =	vst v63  }
0x116: {  	(xrf2) =	vadd.scan.msk.f32 $0xffff, v7  }
0x117: {  	s26 =	spop (v2sf)  }
0x118: {  	[tilespmem:s14], [sflag:$0x1] =	stream.strided.gather [hbm4b:s26+s8], $0x2000, s11, s8, $0x38;
	[tilespmem:$0x10600] =	vst v63  }
0x119: {  	s28 =	spop (v2sf)  }
0x11a: {  	[tilespmem:s15], [sflag:$0x1] =	stream.strided.gather [hbm4b:s28+s8], $0x2000, s11, s8, $0x38;
	[tilespmem:$0x10600] =	vst v63  }
0x11b: {  	s29 =	spop (v2sf)  }
0x11c: {  	[tilespmem:s16], [sflag:$0x1] =	stream.strided.gather [hbm4b:s29+s8], $0x2000, s11, s8, $0x38;
	[tilespmem:$0x10600] =	vst v63  }
0x11d: {  	s30 =	spop (v2sf);
	v18, _, _ =	vpop (xrf2)  }
0x11e: {  	[tilespmem:s17], [sflag:$0x1] =	stream.strided.gather [hbm4b:s30+s8], $0x2000, s11, s8, $0x38;
	v8, _, _ =	vpop (xrf2);
	[tilespmem:$0x10600] =	vst v63  }
0x11f: {  	s31 =	spop (v2sf);
	v17, _, _ =	vpop (xrf2)  }
0x120: {  	[tilespmem:s18], [sflag:$0x1] =	stream.strided.gather [hbm4b:s31+s8], $0x2000, s11, s8, $0x38;
	v7, _, _ =	vpop (xrf2);
	[tilespmem:$0x10600] =	vst v63  }
0x121: {  	_ =	swait.ge [sflag:s19], $0x2000  }
0x122: {  	[sflag:s19] =	ssyncset.done $0x0  }
0x123: {  	[sflag:s19] =	ssyncadd.s32 $0xFFFFE000  }
0x124: {  	_ =	swait.ge [sflag:s19], $0x2000  }
0x125: {  	[sflag:s19] =	ssyncset.done $0x0  }
0x126: {  	[sflag:s19] =	ssyncadd.s32 $0xFFFFE000  }
0x127: {  	_ =	swait.ge [sflag:s19], $0x2000  }
0x128: {  	[sflag:s19] =	ssyncset.done $0x0  }
0x129: {  	[sflag:s19] =	ssyncadd.s32 $0xFFFFE000  }
0x12a: {  	_ =	swait.ge [sflag:s19], $0x2000  }
0x12b: {  	[sflag:s19] =	ssyncset.done $0x0  }
0x12c: {  	[sflag:s19] =	ssyncadd.s32 $0xFFFFE000  }
0x12d: {  	_ =	swait.ge [sflag:s19], $0x2000  }
0x12e: {  	[sflag:s19] =	ssyncset.done $0x0  }
0x12f: {  	[sflag:s19] =	ssyncadd.s32 $0xFFFFE000  }
0x130: {  	_ =	swait.ge [sflag:s19], $0x2000  }
0x131: {  	[sflag:s19] =	ssyncset.done $0x0  }
0x132: {  	v31 =	vbroadcast v6, $0xC;
	[sflag:s19] =	ssyncadd.s32 $0xFFFFE000  }
0x133: {  	v32 =	vbroadcast v5, $0xC;
	_ =	swait.ge [sflag:s19], $0x2000  }
0x134: {  	v33 =	vadd.s32 v0, v31;
	[sflag:s19] =	ssyncset.done $0x0  }
0x135: {  	v34 =	vadd.s32 v0, v32;
	[sflag:s19] =	ssyncadd.s32 $0xFFFFE000  }
0x136: {  	v35 =	vadd.s32 v2, v31;
	_ =	swait.ge [sflag:s19], $0x2000  }
0x137: {  	v36 =	vadd.s32 v2, v32;
	[sflag:s19] =	ssyncset.done $0x0  }
0x138: {  	v37 =	vadd.s32 v3, v31;
	[sflag:s19] =	ssyncadd.s32 $0xFFFFE000  }
0x139: {  	v38 =	vadd.s32 v3, v32;
	v21 =	vld.idx.msk [tilespmem:v33+s8+$0x0], $0xffff  }
0x13a: {  	v39 =	vbroadcast v6, $0xD;
	v19 =	vadd.s32 v4, v31;
	v22 =	vld.idx.msk [tilespmem:v34+s12+$0x0], $0xffff  }
0x13b: {  	v40 =	vbroadcast v5, $0xD;
	v20 =	vadd.s32 v4, v32;
	v23 =	vld.idx.msk [tilespmem:v35+s8+$0x0], $0xffff  }
0x13c: {  	v41 =	vadd.s32 v0, v39;
	v24 =	vld.idx.msk [tilespmem:v36+s12+$0x0], $0xffff  }
0x13d: {  	v42 =	vadd.s32 v0, v40;
	v25 =	vld.idx.msk [tilespmem:v37+s8+$0x0], $0xffff  }
0x13e: {  	v43 =	vadd.s32 v2, v39;
	v26 =	vld.idx.msk [tilespmem:v38+s12+$0x0], $0xffff  }
0x13f: {  	v44 =	vadd.s32 v2, v40;
	v19 =	vld.idx.msk [tilespmem:v19+s8+$0x0], $0xffff  }
0x140: {  	v45 =	vadd.s32 v3, v39;
	v20 =	vld.idx.msk [tilespmem:v20+s12+$0x0], $0xffff  }
0x141: {  	v46 =	vadd.s32 v3, v40;
	v29 =	vld.idx.msk [tilespmem:v41+s13+$0x0], $0xffff  }
0x142: {  	v47 =	vbroadcast v6, $0xE;
	v27 =	vadd.s32 v4, v39;
	v30 =	vld.idx.msk [tilespmem:v42+s14+$0x0], $0xffff  }
0x143: {  	v48 =	vbroadcast v5, $0xE;
	v28 =	vadd.s32 v4, v40;
	v31 =	vld.idx.msk [tilespmem:v43+s13+$0x0], $0xffff  }
0x144: {  	v49 =	vadd.s32 v0, v47;
	v32 =	vld.idx.msk [tilespmem:v44+s14+$0x0], $0xffff  }
0x145: {  	v50 =	vadd.s32 v0, v48;
	v33 =	vld.idx.msk [tilespmem:v45+s13+$0x0], $0xffff  }
0x146: {  	v51 =	vadd.s32 v2, v47;
	v34 =	vld.idx.msk [tilespmem:v46+s14+$0x0], $0xffff  }
0x147: {  	v52 =	vadd.s32 v2, v48;
	v27 =	vld.idx.msk [tilespmem:v27+s13+$0x0], $0xffff  }
0x148: {  	v6 =	vbroadcast v6, $0xF;
	v53 =	vadd.s32 v3, v47;
	v28 =	vld.idx.msk [tilespmem:v28+s14+$0x0], $0xffff  }
0x149: {  	v54 =	vadd.s32 v3, v48;
	v37 =	vld.idx.msk [tilespmem:v49+s15+$0x0], $0xffff  }
0x14a: {  	v55 =	vadd.s32 v0, v6;
	v38 =	vld.idx.msk [tilespmem:v50+s16+$0x0], $0xffff  }
0x14b: {  	v5 =	vbroadcast v5, $0xF;
	v35 =	vadd.s32 v4, v47;
	v39 =	vld.idx.msk [tilespmem:v51+s15+$0x0], $0xffff  }
0x14c: {  	v36 =	vadd.s32 v4, v48;
	v40 =	vld.idx.msk [tilespmem:v52+s16+$0x0], $0xffff  }
0x14d: {  	v41 =	vld.idx.msk [tilespmem:v53+s15+$0x0], $0xffff;
	v44 =	vadd.s32 v0, v5  }
0x14e: {  	v42 =	vld.idx.msk [tilespmem:v54+s16+$0x0], $0xffff;
	v45 =	vadd.s32 v2, v6  }
0x14f: {  	v46 =	vadd.s32 v2, v5;
	v57 =	vld.idx.msk [tilespmem:v55+s17+$0x0], $0xffff  }
0x150: {  	v47 =	vadd.s32 v3, v6;
	v35 =	vld.idx.msk [tilespmem:v35+s15+$0x0], $0xffff  }
0x151: {  	v58 =	vadd.s32 v3, v5;
	v36 =	vld.idx.msk [tilespmem:v36+s16+$0x0], $0xffff  }
0x152: {  	v6 =	vadd.s32 v4, v6;
	v21 =	vmul.f32 v22, v21;
	v60 =	vld.idx.msk [tilespmem:v44+s18+$0x0], $0xffff  }
0x153: {  	v11 =	vbroadcast v11, $0xF;
	v5 =	vadd.s32 v4, v5;
	v56 =	vmul.f32 v30, v29;
	v61 =	vld.idx.msk [tilespmem:v45+s17+$0x0], $0xffff  }
0x154: {  	v23 =	vmul.f32 v24, v23;
	v59 =	vmul.f32 v32, v31;
	v62 =	vld.idx.msk [tilespmem:v46+s18+$0x0], $0xffff;
	v21 =	vadd.f32 $0.0e+00, v21  }
0x155: {  	v37 =	vmul.f32 v38, v37;
	v63 =	vmul.f32 v26, v25;
	v43 =	vld.idx.msk [tilespmem:v47+s17+$0x0], $0xffff;
	v22 =	vadd.f32 $0.0e+00, v56  }
0x156: {  	v44 =	vmul.f32 v34, v33;
	v45 =	vmul.f32 v40, v39;
	v30 =	vld.idx.msk [tilespmem:v58+s18+$0x0], $0xffff;
	v21 =	vadd.f32 v23, v21  }
0x157: {  	v19 =	vmul.f32 v20, v19;
	v6 =	vld.idx.msk [tilespmem:v6+s17+$0x0], $0xffff;
	v46 =	vadd.f32 $0.0e+00, v37;
	v22 =	vadd.f32 v59, v22  }
0x158: {  	v49 =	vmul.f32 v42, v41;
	v5 =	vld.idx.msk [tilespmem:v5+s18+$0x0], $0xffff;
	v47 =	vmul.f32 v60, v57;
	v21 =	vadd.f32 v63, v21  }
0x159: {  	v50 =	vmul.f32 v28, v27;
	v48 =	vadd.f32 v45, v46;
	v22 =	vadd.f32 v44, v22  }
0x15a: {  	v51 =	vmul.f32 v62, v61;
	v20 =	vadd.f32 $0.0e+00, v47;
	v19 =	vadd.f32 v19, v21  }
0x15b: {  	v53 =	vmul.f32 v36, v35;
	v52 =	vadd.f32 v49, v48;
	v22 =	vadd.f32 v50, v22  }
0x15c: {  	v12 =	vbroadcast v12, $0xF;
	v24 =	vmul.f32 v30, v43;
	v20 =	vadd.f32 v51, v20;
	(xrf2) =	vadd.scan.msk.f32 $0xffff, v19  }
0x15d: {  	v5 =	vmul.f32 v5, v6;
	v6 =	vbroadcast v10, $0xF;
	v54 =	vadd.f32 v53, v52;
	(xrf2) =	vadd.scan.msk.f32 $0xffff, v22  }
0x15e: {  	v9 =	vbroadcast v9, $0xF;
	v55 =	vsel vm0, v11, v12;
	v20 =	vadd.f32 v24, v20  }
0x15f: {  	v56 =	vbroadcast v14, $0xF;
	v6 =	vsel vm1, v55, v6;
	(xrf2) =	vadd.scan.msk.f32 $0xffff, v54  }
0x160: {  	v57 =	vbroadcast v15, $0xF;
	v6 =	vsel vm2, v6, v9;
	v5 =	vadd.f32 v5, v20  }
0x161: {  	v58 =	vbroadcast v16, $0xF;
	v6 =	vsel vm3, v6, v56  }
0x162: {  	(xrf2) =	vadd.scan.msk.f32 $0xffff, v5;
	v5 =	vsel vm4, v6, v57;
	v6 =	vbroadcast v13, $0xF  }
0x163: {  	v59 =	vbroadcast v18, $0xF;
	v5 =	vsel vm5, v5, v58  }
0x164: {  	v5 =	vsel vm6, v5, v6;
	v6 =	vbroadcast v8, $0xF  }
0x165: {  	v60 =	vbroadcast v17, $0xF;
	v5 =	vsel vm7, v5, v59  }
0x166: {  	v5 =	vsel vm8, v5, v6;
	v6 =	vbroadcast v7, $0xF;
	v61, _, _ =	vpop (xrf2)  }
0x167: {  	v5 =	vsel vm9, v5, v60;
	v7, _, _ =	vpop (xrf2)  }
0x168: {  	v62 =	vbroadcast v61, $0xF;
	v5 =	vsel vm10, v5, v6;
	v6 =	vbroadcast v7, $0xF  }
0x169: {  	v63, _, _ =	vpop (xrf2)  }
0x16a: {  	v5 =	vsel vm11, v5, v62;
	v7 =	vbroadcast v63, $0xF  }
0x16b: {  	v5 =	vsel vm12, v5, v6  }
0x16c: {  	v5 =	vsel vm13, v5, v7;
	v6, _, _ =	vpop (xrf2)  }
0x16d: {  	v5 =	vsel vm14, v5, v6  }
0x16e: {  	v5 =	vsub.f32 $0.0e+00, v5;
	_ =	sdelay $0x1  }
0x16f: {  	v5 =	vmul.f32 $1.442695020e+00, v5;
	_ =	sdelay $0x1  }
0x170: {  	(erf) = vpow2.f32 v5;
	_ =	sdelay $0x8  }
0x171: {  	v5 =	vpop (erf)  }
0x172: {  	v5 =	vadd.f32 $1.000000000e+00, v5;
	_ =	sdelay $0x1  }
0x173: {  	(erf) = vrcp.f32 v5;
	_ =	sdelay $0x4  }
0x174: {  	p0 =	sne.s32 s22, $0x7C0  }
.Ltmp0:
0x175: {  	_ = 	snop;
	(pc) =	sbr.rel @p0 .LBB2_2-.Ltmp0, $3  }
0x176: {  	_ =	sdelay $0x1  }
0x177: {  	v5 =	vpop (erf)  }
0x178: {  	s22 =	sadd.s32 $0x40, s22;
	[tilespmem:s23+$0x10400] =	vst v5  }
0x179: {  	s21 =	sadd.s32 $0x1, s21  }
0x17a: {  	p0 =	sne.s32 s21, s6  }
.Ltmp1:
0x17b: {  	_ = 	snop;
	(pc) =	sbr.rel @p0 .LBB2_1-.Ltmp1, $4  }
0x17c: {  	[hbm4b:s5+s2] =	stream.linear.scatter [tilespmem:s20], [sflag:$0x2], $0x200, $0x38;
	[tilespmem:$0x10600] =	vst v63  }
0x17d: {  	_ =	swait.ge [sflag:s9], $0x200  }
0x17e: {  	[sflag:s9] =	ssyncset.done $0x0  }
0x17f: {  	[sflag:s9] =	ssyncadd.s32 $0xFFFFFE00  }
0x180: {  	_ =	sfence.sel $0x180000  }
0x181: {  	[bflag:$0x0] =	sbarrier.arrive $0xFFFF  }
0x182: {  	p0 =	sne.s32 s0, $0x0;
	_ =	strace $0x90000047  }
0x183: {  	s0 =	sadd.s32 @!p0 $0x100000, s1;
	[bflag:$0x2] =	sbarrier.arrive $0xFFFF  }
0x184: {  	[sflag:s0] =	ssyncadd.tile.s32 @!p0 $0x1;
	_ =	shalt  }
.Lfunc_end2:
_tile_overlayer_lowered:
.L_overlay_start_2:
0x185: {  	(tag) =	ssettag $0x2  }
0x186: {  	s0 =	rddreg [dreg:$0x0];
	s2 =	stileid.u32  }
0x187: {  	s1 =	rddreg [dreg:$0x1];
	p0 =	sne.s32 s2, $0x0  }
0x188: {  	s3 =	rddreg [dreg:$0x2];
	[bflag:$0x3] =	sbarrier.arrive $0xFFFF;
	s2 =	simm.s32 @!p0 $0x1C02  }
0x189: {  	[timem:s3], [sflag:s2] =	dma.local @!p0 [hbm:s0], s1  }
0x18a: {  	s0 =	simm.s32 @!p0 $0x2  }
0x18b: {  	_ =	swait.ge @!p0 [sflag:s0], s1  }
0x18c: {  	s1 =	ssub.s32 @!p0 $0x0, s1;
	[sflag:s0] =	ssyncset.done @!p0 $0x0  }
0x18d: {  	[sflag:s0] =	ssyncadd.s32 @!p0 s1  }
0x18e: {  	[bflag:$0x3] =	sbarrier.arrive $0xFFFF  }
0x18f: {  	_ =	shalt  }

</sc_bundles>
